<compile_context>
chip_gen: v7x
topology: tpu7x:2x2x1
jax: 0.10.2.dev20260603
libtpu: 0.0.44.dev20260713+nightly
codegen_flags: <defaults>
</compile_context>

<pallas_src>
import jax
import jax.numpy as jnp
from jax import lax
import jax.experimental.pallas as pl
from jax.experimental.pallas import tpu as pltpu
from jax.experimental.pallas import tpu_sc as plsc

T = 4
N = 10000
E = 320000
D = 128
NPAD = 10240
NW = 32
EW_PER = E // NW
ROWS_PER = NPAD // 16

CHUNK_D = 80
SUB_D = 25
NSUB_D = EW_PER // (SUB_D * CHUNK_D)

CHUNK = 40
NCH = EW_PER // CHUNK
SUBC = 50
NSUBC = NCH // SUBC

_HI = jax.lax.Precision.HIGHEST


def _sc_deg_kernel(col_hbm, ew_hbm, deg_hbm, colb, ewb, degl):
    c = lax.axis_index("c")
    s = lax.axis_index("s")
    w = c * 16 + s
    zero16 = jnp.zeros((16,), jnp.float32)

    @pl.loop(0, T)
    def _per_t(t):
        @pl.loop(0, NPAD // 16)
        def _zero(i):
            degl[pl.ds(i * 16, 16)] = zero16

        @pl.loop(0, NSUB_D)
        def _sub(b):
            pltpu.sync_copy(col_hbm.at[t, w, b], colb)
            pltpu.sync_copy(ew_hbm.at[t, w, b], ewb)

            @pl.loop(0, SUB_D)
            def _scatter(r):
                for k in range(CHUNK_D // 16):
                    cv = colb[r, pl.ds(k * 16, 16)]
                    ev = ewb[r, pl.ds(k * 16, 16)]
                    plsc.addupdate_scatter(degl, [cv], ev)

        pltpu.sync_copy(degl, deg_hbm.at[t, w])


def _sc_deg(col_r, ew_r):
    mesh = plsc.VectorSubcoreMesh(core_axis_name="c", subcore_axis_name="s")
    return pl.kernel(
        _sc_deg_kernel,
        out_type=jax.ShapeDtypeStruct((T, NW, NPAD), jnp.float32),
        mesh=mesh,
        scratch_types=[
            pltpu.VMEM((SUB_D, CHUNK_D), jnp.int32),
            pltpu.VMEM((SUB_D, CHUNK_D), jnp.float32),
            pltpu.VMEM((NPAD,), jnp.float32),
        ],
        compiler_params=pltpu.CompilerParams(needs_layout_passes=False),
        name="sc_deg",
    )(col_r, ew_r)


def _tc_prep_kernel(deg_ref, x_ref, y_ref, dib_ref):
    deg = jnp.sum(deg_ref[0], axis=0) + 1.0
    dinv = jnp.where(deg > 0, lax.rsqrt(deg), 0.0)
    dcol = lax.broadcast_in_dim(dinv, (dinv.shape[0], D), (0,))
    x = x_ref[0]
    y_ref[0] = dcol * x
    dib_ref[0] = dcol


def _tc_prep(deg_part, x_pad):
    BN = 1024
    grid = (T, NPAD // BN)
    y, dib = pl.pallas_call(
        _tc_prep_kernel,
        grid=grid,
        in_specs=[
            pl.BlockSpec((1, NW, BN), lambda t, i: (t, 0, i)),
            pl.BlockSpec((1, BN, D), lambda t, i: (t, i, 0)),
        ],
        out_specs=[
            pl.BlockSpec((1, BN, D), lambda t, i: (t, i, 0)),
            pl.BlockSpec((1, BN, D), lambda t, i: (t, i, 0)),
        ],
        out_shape=[
            jax.ShapeDtypeStruct((T, NPAD, D), jnp.float32),
            jax.ShapeDtypeStruct((T, NPAD, D), jnp.float32),
        ],
        name="tc_prep",
    )(deg_part, x_pad)
    return y, dib


def _sc_main_kernel(row_hbm, col_hbm, ew_hbm, y_hbm, acc_hbm,
                    rowb, colb, ewb, gb0, gb1, gb2, zrow, acc_sp,
                    sg0, sg1, sg2, ss0, ss1, ss2, semZ):
    c = lax.axis_index("c")
    s = lax.axis_index("s")
    w = c * 16 + s
    zero16 = jnp.zeros((16,), jnp.float32)
    gbufs = (gb0, gb1, gb2)
    sgs = (sg0, sg1, sg2)
    sss = (ss0, ss1, ss2)

    @pl.loop(0, 8)
    def _zr(r):
        for k in range(D // 16):
            zrow[r, pl.ds(k * 16, 16)] = zero16

    def _scale(gbuf, g):
        base = (g % SUBC) * CHUNK

        @pl.loop(0, CHUNK)
        def _edge(e):
            evec = plsc.load_gather(
                ewb, [jnp.full((16,), base + e, jnp.int32)])
            for k in range(D // 16):
                gbuf[e, pl.ds(k * 16, 16)] = (
                    gbuf[e, pl.ds(k * 16, 16)] * evec)

    def _step(t, g, R, Rp):
        pltpu.make_async_copy(
            y_hbm.at[rowb.at[pl.ds(g * CHUNK, CHUNK)]],
            gbufs[R], sgs[R]).wait()

        @pl.when((g % SUBC == 0) & (g >= 1))
        def _():
            pltpu.make_async_copy(
                gbufs[Rp], acc_sp.at[colb.at[0]], sss[Rp]).wait()

        @pl.when(g % SUBC == 0)
        def _():
            pltpu.sync_copy(col_hbm.at[t, w, g // SUBC], colb)
            pltpu.sync_copy(ew_hbm.at[t, w, g // SUBC], ewb)

        _scale(gbufs[R], g)
        pltpu.async_copy(
            gbufs[R], acc_sp.at[colb.at[g % SUBC]], sss[R], add=True)

        @pl.when((g % SUBC != 0) & (g >= 1))
        def _():
            pltpu.make_async_copy(
                gbufs[Rp], acc_sp.at[colb.at[(g - 1) % SUBC]],
                sss[Rp]).wait()

        @pl.when(g + 2 < NCH)
        def _():
            pltpu.async_copy(
                y_hbm.at[rowb.at[pl.ds((g + 2) * CHUNK, CHUNK)]],
                gbufs[Rp], sgs[Rp])

    def _zero_slice():
        @pl.loop(0, ROWS_PER // 8)
        def _za(i):
            pltpu.async_copy(
                zrow, acc_sp.at[pl.ds(s * ROWS_PER + i * 8, 8)], semZ)

        @pl.loop(0, ROWS_PER // 8)
        def _zw(i):
            pltpu.make_async_copy(
                zrow, acc_sp.at[pl.ds(s * ROWS_PER + i * 8, 8)],
                semZ).wait()

    _zero_slice()
    plsc.subcore_barrier()

    @pl.loop(0, T)
    def _per_t(t):
        pltpu.sync_copy(row_hbm.at[t, w], rowb)

        pltpu.async_copy(
            y_hbm.at[rowb.at[pl.ds(0, CHUNK)]], gb0, sg0)
        pltpu.async_copy(
            y_hbm.at[rowb.at[pl.ds(CHUNK, CHUNK)]], gb1, sg1)

        @pl.loop(0, NCH // 3)
        def _triple(i):
            g0 = 3 * i
            _step(t, g0, 0, 2)
            _step(t, g0 + 1, 1, 0)
            _step(t, g0 + 2, 2, 1)

        for g in range(3 * (NCH // 3), NCH):
            _step(t, g, g % 3, (g + 2) % 3)
        pltpu.make_async_copy(
            gbufs[(NCH - 1) % 3], acc_sp.at[colb.at[(NCH - 1) % SUBC]],
            sss[(NCH - 1) % 3]).wait()

        plsc.subcore_barrier()
        pltpu.sync_copy(acc_sp.at[pl.ds(s * ROWS_PER, ROWS_PER)],
                        acc_hbm.at[c, t, pl.ds(s * ROWS_PER, ROWS_PER)])
        @pl.when(t + 1 < T)
        def _():
            _zero_slice()
        plsc.subcore_barrier()


def _sc_main(row_abs, col_r, ew_r, y_flat):
    mesh = plsc.VectorSubcoreMesh(core_axis_name="c", subcore_axis_name="s")
    return pl.kernel(
        _sc_main_kernel,
        out_type=jax.ShapeDtypeStruct((2, T, NPAD, D), jnp.float32),
        mesh=mesh,
        scratch_types=[
            pltpu.VMEM((EW_PER,), jnp.int32),
            pltpu.VMEM((SUBC, CHUNK), jnp.int32),
            pltpu.VMEM((SUBC * CHUNK,), jnp.float32),
            pltpu.VMEM((CHUNK, D), jnp.float32),
            pltpu.VMEM((CHUNK, D), jnp.float32),
            pltpu.VMEM((CHUNK, D), jnp.float32),
            pltpu.VMEM((8, D), jnp.float32),
            pltpu.VMEM_SHARED((NPAD, D), jnp.float32),
            pltpu.SemaphoreType.DMA,
            pltpu.SemaphoreType.DMA,
            pltpu.SemaphoreType.DMA,
            pltpu.SemaphoreType.DMA,
            pltpu.SemaphoreType.DMA,
            pltpu.SemaphoreType.DMA,
            pltpu.SemaphoreType.DMA,
        ],
        compiler_params=pltpu.CompilerParams(needs_layout_passes=False),
        name="sc_main",
    )(row_abs, col_r, ew_r, y_flat)


def _tc_final_kernel(acc_ref, dib_ref, y_ref,
                     Wz_ref, Lz_ref, lbz_ref, bz_ref,
                     Wh_ref, Lh_ref, lbh_ref, bh_ref,
                     Wlin_ref, blin_ref, out_ref, hsum):
    t = pl.program_id(1)
    agg = dib_ref[0] * (acc_ref[0, 0] + acc_ref[1, 0] + y_ref[0])

    Lz1 = Lz_ref[:D, :]
    Lh1 = Lh_ref[:D, :]
    Mz = jnp.dot(Wz_ref[...], Lz1, precision=_HI)
    Mh = jnp.dot(Wh_ref[...], Lh1, precision=_HI)
    cz = jnp.dot(bz_ref[...], Lz1, precision=_HI) + lbz_ref[...]
    ch = jnp.dot(bh_ref[...], Lh1, precision=_HI) + lbh_ref[...]

    Z = jax.nn.sigmoid(jnp.dot(agg, Mz, precision=_HI) + cz)
    Ht = jnp.tanh(jnp.dot(agg, Mh, precision=_HI) + ch)
    Hn = (1.0 - Z) * Ht

    @pl.when(t == 0)
    def _():
        hsum[...] = Hn

    @pl.when(t > 0)
    def _():
        hsum[...] = hsum[...] + Hn

    @pl.when(t == T - 1)
    def _():
        out_ref[...] = (jnp.dot(hsum[...], Wlin_ref[...] * (1.0 / T),
                                precision=_HI) + blin_ref[...])


def _tc_final(acc, dib, y, W_z, L_z, lb_z, b_z, W_h, L_h, lb_h, b_h,
              W_lin, b_lin):
    BN = 1024
    grid = (NPAD // BN, T)

    def full(shape):
        return pl.BlockSpec(shape, lambda i, t: tuple(0 for _ in shape))

    return pl.pallas_call(
        _tc_final_kernel,
        grid=grid,
        in_specs=[
            pl.BlockSpec((2, 1, BN, D), lambda i, t: (0, t, i, 0)),
            pl.BlockSpec((1, BN, D), lambda i, t: (t, i, 0)),
            pl.BlockSpec((1, BN, D), lambda i, t: (t, i, 0)),
            full((D, D)), full((2 * D, D)), full((1, D)), full((1, D)),
            full((D, D)), full((2 * D, D)), full((1, D)), full((1, D)),
            full((D, D)), full((1, D)),
        ],
        out_specs=pl.BlockSpec((BN, D), lambda i, t: (i, 0)),
        out_shape=jax.ShapeDtypeStruct((NPAD, D), jnp.float32),
        scratch_shapes=[pltpu.VMEM((BN, D), jnp.float32)],
        name="tc_final",
    )(acc, dib, y, W_z, L_z, lb_z, b_z, W_h, L_h, lb_h, b_h, W_lin, b_lin)


def kernel(x_seq, edge_index_seq, edge_attr_seq, W_z, b_z, W_r, b_r, W_h, b_h,
           L_z, lb_z, L_r, lb_r, L_h, lb_h, W_lin, b_lin):
    del W_r, b_r, L_r, lb_r

    col_d = edge_index_seq[:, 1, :].reshape(T, NW, NSUB_D, SUB_D, CHUNK_D)
    ew_d = edge_attr_seq[:, :, 0].reshape(T, NW, NSUB_D, SUB_D, CHUNK_D)

    row = edge_index_seq[:, 0, :].reshape(T, NW, EW_PER)
    col = edge_index_seq[:, 1, :].reshape(T, NW, NSUBC, SUBC, CHUNK)
    ew = edge_attr_seq[:, :, 0].reshape(T, NW, NSUBC, SUBC * CHUNK)

    deg_part = _sc_deg(col_d, ew_d)
    x_pad = jnp.pad(x_seq, ((0, 0), (0, NPAD - N), (0, 0)))
    y, dib = _tc_prep(deg_part, x_pad)

    toff = (jnp.arange(T, dtype=jnp.int32) * NPAD).reshape(T, 1, 1)
    row_abs = row + toff
    acc = _sc_main(row_abs, col, ew, y.reshape(T * NPAD, D))

    out = _tc_final(acc, dib, y,
                    W_z, L_z, lb_z.reshape(1, D), b_z.reshape(1, D),
                    W_h, L_h, lb_h.reshape(1, D), b_h.reshape(1, D),
                    W_lin, b_lin.reshape(1, D))
    return out[:N]

# --- scband reference (transcript-rebuilt; emitter-appended) ---
"""Pipeline reference for scband-tgcnmodel-21500606284424 (READ-ONLY COPY).

The authoritative reference and input builder live on the scoring server;
editing this copy changes nothing except your own understanding.
"""

import jax, jax.numpy as jnp
import numpy as np

T = 4
N = 10000
E = 320000
D_IN = 128
D_HID = 128
D_OUT = 128


def _lin_w(k, fan_in, fan_out):
    bound = 1.0 / np.sqrt(fan_in)
    return jax.random.uniform(k, (fan_in, fan_out), minval=-bound, maxval=bound, dtype=jnp.float32)


def _lin_b(k, fan_in, fan_out):
    bound = 1.0 / np.sqrt(fan_in)
    return jax.random.uniform(k, (fan_out,), minval=-bound, maxval=bound, dtype=jnp.float32)


def setup_inputs(seed: int = 0) -> dict:
    key = jax.random.key(seed)
    ks = jax.random.split(key, 24)
    x_seq = jax.random.normal(ks[0], (T, N, D_IN), dtype=jnp.float32)
    edge_index_seq = jax.random.randint(ks[1], (T, 2, E), 0, N, dtype=jnp.int32)
    edge_attr_seq = jax.random.uniform(ks[2], (T, E, 1), dtype=jnp.float32)
    inp = {
        'x_seq': x_seq,
        'edge_index_seq': edge_index_seq,
        'edge_attr_seq': edge_attr_seq,
        # GCNConv lin weights (applied as x @ W) and post-aggregation biases
        'W_z': _lin_w(ks[3], D_IN, D_HID), 'b_z': jnp.zeros((D_HID,), jnp.float32),
        'W_r': _lin_w(ks[4], D_IN, D_HID), 'b_r': jnp.zeros((D_HID,), jnp.float32),
        'W_h': _lin_w(ks[5], D_IN, D_HID), 'b_h': jnp.zeros((D_HID,), jnp.float32),
        # TGCN gate linears: Linear(2*hidden, hidden)
        'L_z': _lin_w(ks[6], 2 * D_HID, D_HID), 'lb_z': _lin_b(ks[7], 2 * D_HID, D_HID),
        'L_r': _lin_w(ks[8], 2 * D_HID, D_HID), 'lb_r': _lin_b(ks[9], 2 * D_HID, D_HID),
        'L_h': _lin_w(ks[10], 2 * D_HID, D_HID), 'lb_h': _lin_b(ks[11], 2 * D_HID, D_HID),
        # output projection Linear(hidden, out)
        'W_lin': _lin_w(ks[12], D_HID, D_OUT), 'b_lin': _lin_b(ks[13], D_HID, D_OUT),
    }
    return inp


def _gcn_conv(x, row, col, ew, W, b):
    # GCNConv with add_self_loops=True, normalize=True (symmetric norm)
    loop = jnp.arange(N, dtype=row.dtype)
    row2 = jnp.concatenate([row, loop])
    col2 = jnp.concatenate([col, loop])
    w2 = jnp.concatenate([ew, jnp.ones((N,), ew.dtype)])
    deg = jax.ops.segment_sum(w2, col2, num_segments=N)
    dinv = jnp.where(deg > 0, jax.lax.rsqrt(deg), 0.0)
    norm = dinv[row2] * w2 * dinv[col2]
    xw = x @ W
    msg = norm[:, None] * jnp.take(xw, row2, axis=0)
    out = jax.ops.segment_sum(msg, col2, num_segments=N) + b
    return out


def _tgcn_step(x, ei, ew, W_z, b_z, W_r, b_r, W_h, b_h, L_z, lb_z, L_r, lb_r, L_h, lb_h):
    row, col = ei[0], ei[1]
    H0 = jnp.zeros((N, D_HID), x.dtype)  # H=None each call -> zeros
    Z = jax.nn.sigmoid(jnp.concatenate([_gcn_conv(x, row, col, ew, W_z, b_z), H0], axis=1) @ L_z + lb_z)
    R = jax.nn.sigmoid(jnp.concatenate([_gcn_conv(x, row, col, ew, W_r, b_r), H0], axis=1) @ L_r + lb_r)
    H_tilde = jnp.tanh(jnp.concatenate([_gcn_conv(x, row, col, ew, W_h, b_h), H0 * R], axis=1) @ L_h + lb_h)
    Hn = Z * H0 + (1.0 - Z) * H_tilde
    return Hn


def reference(x_seq, edge_index_seq, edge_attr_seq, W_z, b_z, W_r, b_r, W_h, b_h, L_z, lb_z, L_r, lb_r, L_h, lb_h, W_lin, b_lin):
    outputs = []
    for t in range(T):
        x = x_seq[t]
        ei = edge_index_seq[t]
        ew = jnp.squeeze(edge_attr_seq[t], axis=-1)  # edge_attr.squeeze()
        outputs.append(_tgcn_step(x, ei, ew, W_z, b_z, W_r, b_r, W_h, b_h, L_z, lb_z, L_r, lb_r, L_h, lb_h))
    out = jnp.stack(outputs, axis=0).mean(axis=0)
    out = out @ W_lin + b_lin
    return out


if False:  # reference __main__ guard neutralized (emitter)
    o = reference(**setup_inputs())
    print(o.shape)

if __name__ == "__main__":
    import jax
    _d = setup_inputs()
    print(jax.jit(kernel)(*tuple(_d.values())))

</pallas_src>

<mosaic_0001>
#map = affine_map<(d0, d1) -> (0, 0, 0)>
#map1 = affine_map<(d0, d1) -> (0, 0, 0, 0, 0)>
#map2 = affine_map<(d0, d1) -> (0, 0, 0, 0)>
#map3 = affine_map<(d0, d1) -> (0, 0)>
module attributes {stable_mosaic.version = 14 : i64} {
  func.func @sc_main(%arg0: i32, %arg1: i32, %arg2: memref<4x32x10000xi32, #tpu.memory_space<hbm>>, %arg3: memref<4x32x5x50x40xi32, #tpu.memory_space<hbm>>, %arg4: memref<4x32x5x2000xf32, #tpu.memory_space<hbm>>, %arg5: memref<40960x128xf32, #tpu.memory_space<hbm>>, %arg6: memref<2x4x10240x128xf32, #tpu.memory_space<hbm>>, %arg7: memref<10000xi32, #tpu.memory_space<vmem>>, %arg8: memref<50x40xi32, #tpu.memory_space<vmem>>, %arg9: memref<2000xf32, #tpu.memory_space<vmem>>, %arg10: memref<40x128xf32, #tpu.memory_space<vmem>>, %arg11: memref<40x128xf32, #tpu.memory_space<vmem>>, %arg12: memref<40x128xf32, #tpu.memory_space<vmem>>, %arg13: memref<8x128xf32, #tpu.memory_space<vmem>>, %arg14: memref<10240x128xf32, #tpu.memory_space<vmem_shared>>, %arg15: memref<!tpu.dma_semaphore, #tpu.memory_space<semaphore_mem>>, %arg16: memref<!tpu.dma_semaphore, #tpu.memory_space<semaphore_mem>>, %arg17: memref<!tpu.dma_semaphore, #tpu.memory_space<semaphore_mem>>, %arg18: memref<!tpu.dma_semaphore, #tpu.memory_space<semaphore_mem>>, %arg19: memref<!tpu.dma_semaphore, #tpu.memory_space<semaphore_mem>>, %arg20: memref<!tpu.dma_semaphore, #tpu.memory_space<semaphore_mem>>, %arg21: memref<!tpu.dma_semaphore, #tpu.memory_space<semaphore_mem>>) attributes {dimension_semantics = [#tpu.dimension_semantics<core_parallel>, #tpu.dimension_semantics<subcore_parallel>], iteration_bounds = array<i64: 2, 16>, scalar_prefetch = 0 : i64, scratch_operands = 15 : i64, tpu.core_type = #tpu.core_type<sc_vector_subcore>, window_params = [{transform_indices = #map}, {transform_indices = #map1}, {transform_indices = #map2}, {transform_indices = #map3}, {transform_indices = #map2}]} {
    %mul3A = arith.constant 16 : i32
    %mul3A_0 = arith.muli %arg0, %mul3A : i32
    %add3A = arith.addi %mul3A_0, %arg1 : i32
    %broadcast_in_dim3A = arith.constant 0.000000e+00 : f32
    %broadcast_in_dim3A_1 = vector.broadcast %broadcast_in_dim3A : f32 to vector<16xf32>
    %scan3A = arith.constant 0 : i32
    %scan3A_2 = arith.constant 8 : i32
    %scan3A_3 = arith.addi %scan3A, %scan3A_2 : i32
    %scan3A_4 = arith.constant 1 : i32
    scf.for %scan3A_21 = %scan3A to %scan3A_3 step %scan3A_4  : i32 {
      %mul3A_22 = arith.constant 1 : i32
      %mul3A_23 = arith.muli %scan3A_21, %mul3A_22 : i32
      %add3A_24 = arith.constant 0 : i32
      %add3A_25 = arith.addi %add3A_24, %mul3A_23 : i32
      %swap3A = arith.index_cast %add3A_25 : i32 to index
      %swap3A_26 = arith.constant 0 : index
      %swap3A_27 = tpu.vector_load %arg13[%swap3A, %swap3A_26] {strides = array<i32>} : memref<8x128xf32, #tpu.memory_space<vmem>>, vector<16xf32>,
      tpu.vector_store %arg13[%swap3A, %swap3A_26], %broadcast_in_dim3A_1 {strides = array<i32>} : memref<8x128xf32, #tpu.memory_space<vmem>>, vector<16xf32>,
      %swap3A_28 = arith.index_cast %add3A_25 : i32 to index
      %swap3A_29 = arith.constant 16 : index
      %swap3A_30 = tpu.vector_load %arg13[%swap3A_28, %swap3A_29] {strides = array<i32>} : memref<8x128xf32, #tpu.memory_space<vmem>>, vector<16xf32>,
      tpu.vector_store %arg13[%swap3A_28, %swap3A_29], %broadcast_in_dim3A_1 {strides = array<i32>} : memref<8x128xf32, #tpu.memory_space<vmem>>, vector<16xf32>,
      %swap3A_31 = arith.index_cast %add3A_25 : i32 to index
      %swap3A_32 = arith.constant 32 : index
      %swap3A_33 = tpu.vector_load %arg13[%swap3A_31, %swap3A_32] {strides = array<i32>} : memref<8x128xf32, #tpu.memory_space<vmem>>, vector<16xf32>,
      tpu.vector_store %arg13[%swap3A_31, %swap3A_32], %broadcast_in_dim3A_1 {strides = array<i32>} : memref<8x128xf32, #tpu.memory_space<vmem>>, vector<16xf32>,
      %swap3A_34 = arith.index_cast %add3A_25 : i32 to index
      %swap3A_35 = arith.constant 48 : index
      %swap3A_36 = tpu.vector_load %arg13[%swap3A_34, %swap3A_35] {strides = array<i32>} : memref<8x128xf32, #tpu.memory_space<vmem>>, vector<16xf32>,
      tpu.vector_store %arg13[%swap3A_34, %swap3A_35], %broadcast_in_dim3A_1 {strides = array<i32>} : memref<8x128xf32, #tpu.memory_space<vmem>>, vector<16xf32>,
      %swap3A_37 = arith.index_cast %add3A_25 : i32 to index
      %swap3A_38 = arith.constant 64 : index
      %swap3A_39 = tpu.vector_load %arg13[%swap3A_37, %swap3A_38] {strides = array<i32>} : memref<8x128xf32, #tpu.memory_space<vmem>>, vector<16xf32>,
      tpu.vector_store %arg13[%swap3A_37, %swap3A_38], %broadcast_in_dim3A_1 {strides = array<i32>} : memref<8x128xf32, #tpu.memory_space<vmem>>, vector<16xf32>,
      %swap3A_40 = arith.index_cast %add3A_25 : i32 to index
      %swap3A_41 = arith.constant 80 : index
      %swap3A_42 = tpu.vector_load %arg13[%swap3A_40, %swap3A_41] {strides = array<i32>} : memref<8x128xf32, #tpu.memory_space<vmem>>, vector<16xf32>,
      tpu.vector_store %arg13[%swap3A_40, %swap3A_41], %broadcast_in_dim3A_1 {strides = array<i32>} : memref<8x128xf32, #tpu.memory_space<vmem>>, vector<16xf32>,
      %swap3A_43 = arith.index_cast %add3A_25 : i32 to index
      %swap3A_44 = arith.constant 96 : index
      %swap3A_45 = tpu.vector_load %arg13[%swap3A_43, %swap3A_44] {strides = array<i32>} : memref<8x128xf32, #tpu.memory_space<vmem>>, vector<16xf32>,
      tpu.vector_store %arg13[%swap3A_43, %swap3A_44], %broadcast_in_dim3A_1 {strides = array<i32>} : memref<8x128xf32, #tpu.memory_space<vmem>>, vector<16xf32>,
      %swap3A_46 = arith.index_cast %add3A_25 : i32 to index
      %swap3A_47 = arith.constant 112 : index
      %swap3A_48 = tpu.vector_load %arg13[%swap3A_46, %swap3A_47] {strides = array<i32>} : memref<8x128xf32, #tpu.memory_space<vmem>>, vector<16xf32>,
      tpu.vector_store %arg13[%swap3A_46, %swap3A_47], %broadcast_in_dim3A_1 {strides = array<i32>} : memref<8x128xf32, #tpu.memory_space<vmem>>, vector<16xf32>,
    }
    %scan3A_5 = arith.constant 8 : i32
    %scan3A_6 = arith.constant 0 : i32
    %scan3A_7 = arith.constant 80 : i32
    %scan3A_8 = arith.addi %scan3A_6, %scan3A_7 : i32
    %scan3A_9 = arith.constant 1 : i32
    scf.for %scan3A_21 = %scan3A_6 to %scan3A_8 step %scan3A_9  : i32 {
      %mul3A_22 = arith.constant 1 : i32
      %mul3A_23 = arith.muli %scan3A_21, %mul3A_22 : i32
      %add3A_24 = arith.constant 0 : i32
      %add3A_25 = arith.addi %add3A_24, %mul3A_23 : i32
      %mul3A_26 = arith.constant 640 : i32
      %mul3A_27 = arith.muli %arg1, %mul3A_26 : i32
      %mul3A_28 = arith.constant 8 : i32
      %mul3A_29 = arith.muli %add3A_25, %mul3A_28 : i32
      %add3A_30 = arith.addi %mul3A_27, %mul3A_29 : i32
      %dma_start3A = arith.constant 0 : i32
      %dma_start3A_31 = tpu.memref_slice %arg14[%add3A_30, %dma_start3A] : memref<10240x128xf32, #tpu.memory_space<vmem_shared>> -> memref<8x128xf32, #tpu.memory_space<vmem_shared>>
      %dma_start3A_32 = arith.constant 0 : i32
      %dma_start3A_33 = tpu.memref_slice %arg14[%add3A_30, %dma_start3A_32] : memref<10240x128xf32, #tpu.memory_space<vmem_shared>> -> memref<8x128xf32, #tpu.memory_space<vmem_shared>>
      tpu.enqueue_dma source(%arg13 : memref<8x128xf32, #tpu.memory_space<vmem>>) target(%dma_start3A_33 : memref<8x128xf32, #tpu.memory_space<vmem_shared>>) target_semaphore(%arg21 : memref<!tpu.dma_semaphore, #tpu.memory_space<semaphore_mem>>)
    }
    %scan3A_10 = arith.constant 80 : i32
    %scan3A_11 = arith.constant 0 : i32
    %scan3A_12 = arith.constant 80 : i32
    %scan3A_13 = arith.addi %scan3A_11, %scan3A_12 : i32
    %scan3A_14 = arith.constant 1 : i32
    scf.for %scan3A_21 = %scan3A_11 to %scan3A_13 step %scan3A_14  : i32 {
      %mul3A_22 = arith.constant 1 : i32
      %mul3A_23 = arith.muli %scan3A_21, %mul3A_22 : i32
      %add3A_24 = arith.constant 0 : i32
      %add3A_25 = arith.addi %add3A_24, %mul3A_23 : i32
      %mul3A_26 = arith.constant 640 : i32
      %mul3A_27 = arith.muli %arg1, %mul3A_26 : i32
      %mul3A_28 = arith.constant 8 : i32
      %mul3A_29 = arith.muli %add3A_25, %mul3A_28 : i32
      %add3A_30 = arith.addi %mul3A_27, %mul3A_29 : i32
      %dma_wait3A = arith.constant 0 : i32
      %dma_wait3A_31 = tpu.memref_slice %arg14[%add3A_30, %dma_wait3A] : memref<10240x128xf32, #tpu.memory_space<vmem_shared>> -> memref<8x128xf32, #tpu.memory_space<vmem_shared>>
      %dma_wait3A_32 = arith.constant 0 : i32
      %dma_wait3A_33 = tpu.memref_slice %arg14[%add3A_30, %dma_wait3A_32] : memref<10240x128xf32, #tpu.memory_space<vmem_shared>> -> memref<8x128xf32, #tpu.memory_space<vmem_shared>>
      tpu.wait_dma2 semaphore(%arg21 : memref<!tpu.dma_semaphore, #tpu.memory_space<semaphore_mem>>) src(%arg13 : memref<8x128xf32, #tpu.memory_space<vmem>>) dst(%dma_wait3A_33 : memref<8x128xf32, #tpu.memory_space<vmem_shared>>)
    }
    %scan3A_15 = arith.constant 80 : i32
    %barrier3A = arith.constant 0 : index
    tpu.barrier barrier_id(%barrier3A)
    %scan3A_16 = arith.constant 0 : i32
    %scan3A_17 = arith.constant 4 : i32
    %scan3A_18 = arith.addi %scan3A_16, %scan3A_17 : i32
    %scan3A_19 = arith.constant 1 : i32
    scf.for %scan3A_21 = %scan3A_16 to %scan3A_18 step %scan3A_19  : i32 {
      %mul3A_22 = arith.constant 1 : i32
      %mul3A_23 = arith.muli %scan3A_21, %mul3A_22 : i32
      %add3A_24 = arith.constant 0 : i32
      %add3A_25 = arith.addi %add3A_24, %mul3A_23 : i32
      "tpu.region"() ({
        %run_scoped3A = tpu.sem_alloc : memref<!tpu.dma_semaphore, #tpu.memory_space<semaphore_mem>>
        %dma_start3A_80 = arith.constant 0 : i32
        %dma_start3A_81 = tpu.memref_slice %arg2[%add3A_25, %add3A, %dma_start3A_80] : memref<4x32x10000xi32, #tpu.memory_space<hbm>> -> memref<1x1x10000xi32, #tpu.memory_space<hbm>>
        %dma_start3A_82 = tpu.memref_squeeze %dma_start3A_81 : memref<1x1x10000xi32, #tpu.memory_space<hbm>> -> memref<10000xi32, #tpu.memory_space<hbm>>
        %dma_start3A_83 = arith.constant 0 : i32
        %dma_start3A_84 = tpu.memref_slice %arg2[%add3A_25, %add3A, %dma_start3A_83] : memref<4x32x10000xi32, #tpu.memory_space<hbm>> -> memref<1x1x10000xi32, #tpu.memory_space<hbm>>
        %dma_start3A_85 = tpu.memref_squeeze %dma_start3A_84 : memref<1x1x10000xi32, #tpu.memory_space<hbm>> -> memref<10000xi32, #tpu.memory_space<hbm>>
        tpu.enqueue_dma source(%dma_start3A_85 : memref<10000xi32, #tpu.memory_space<hbm>>) target(%arg7 : memref<10000xi32, #tpu.memory_space<vmem>>) target_semaphore(%run_scoped3A : memref<!tpu.dma_semaphore, #tpu.memory_space<semaphore_mem>>)
        %dma_wait3A_86 = arith.constant 0 : i32
        %dma_wait3A_87 = tpu.memref_slice %arg2[%add3A_25, %add3A, %dma_wait3A_86] : memref<4x32x10000xi32, #tpu.memory_space<hbm>> -> memref<1x1x10000xi32, #tpu.memory_space<hbm>>
        %dma_wait3A_88 = tpu.memref_squeeze %dma_wait3A_87 : memref<1x1x10000xi32, #tpu.memory_space<hbm>> -> memref<10000xi32, #tpu.memory_space<hbm>>
        %dma_wait3A_89 = arith.constant 0 : i32
        %dma_wait3A_90 = tpu.memref_slice %arg2[%add3A_25, %add3A, %dma_wait3A_89] : memref<4x32x10000xi32, #tpu.memory_space<hbm>> -> memref<1x1x10000xi32, #tpu.memory_space<hbm>>
        %dma_wait3A_91 = tpu.memref_squeeze %dma_wait3A_90 : memref<1x1x10000xi32, #tpu.memory_space<hbm>> -> memref<10000xi32, #tpu.memory_space<hbm>>
        tpu.wait_dma2 semaphore(%run_scoped3A : memref<!tpu.dma_semaphore, #tpu.memory_space<semaphore_mem>>) src(%dma_wait3A_91 : memref<10000xi32, #tpu.memory_space<hbm>>) dst(%arg7 : memref<10000xi32, #tpu.memory_space<vmem>>)
        tpu.yield
      }) : () -> ()
      %dma_start3A = arith.constant 0 : i32
      %dma_start3A_26 = tpu.memref_slice %arg7[%dma_start3A] : memref<10000xi32, #tpu.memory_space<vmem>> -> memref<40xi32, #tpu.memory_space<vmem>>
      %dma_start3A_27 = arith.constant 0 : i32
      %dma_start3A_28 = arith.constant 0 : i32
      %dma_start3A_29 = tpu.memref_slice %arg5[%dma_start3A_27, %dma_start3A_28] : memref<40960x128xf32, #tpu.memory_space<hbm>> -> memref<40960x128xf32, #tpu.memory_space<hbm>>
      tpu.enqueue_indirect_dma source(%dma_start3A_29 : memref<40960x128xf32, #tpu.memory_space<hbm>>) target(%arg10 : memref<40x128xf32, #tpu.memory_space<vmem>>) offsets(%dma_start3A_26 : memref<40xi32, #tpu.memory_space<vmem>>) semaphore(%arg15 : memref<!tpu.dma_semaphore, #tpu.memory_space<semaphore_mem>>)
      %dma_start3A_30 = arith.constant 40 : i32
      %dma_start3A_31 = tpu.memref_slice %arg7[%dma_start3A_30] : memref<10000xi32, #tpu.memory_space<vmem>> -> memref<40xi32, #tpu.memory_space<vmem>>
      %dma_start3A_32 = arith.constant 0 : i32
      %dma_start3A_33 = arith.constant 0 : i32
      %dma_start3A_34 = tpu.memref_slice %arg5[%dma_start3A_32, %dma_start3A_33] : memref<40960x128xf32, #tpu.memory_space<hbm>> -> memref<40960x128xf32, #tpu.memory_space<hbm>>
      tpu.enqueue_indirect_dma source(%dma_start3A_34 : memref<40960x128xf32, #tpu.memory_space<hbm>>) target(%arg11 : memref<40x128xf32, #tpu.memory_space<vmem>>) offsets(%dma_start3A_31 : memref<40xi32, #tpu.memory_space<vmem>>) semaphore(%arg16 : memref<!tpu.dma_semaphore, #tpu.memory_space<semaphore_mem>>)
      %scan3A_35 = arith.constant 0 : i32
      %scan3A_36 = arith.constant 83 : i32
      %scan3A_37 = arith.addi %scan3A_35, %scan3A_36 : i32
      %scan3A_38 = arith.constant 1 : i32
      scf.for %scan3A_80 = %scan3A_35 to %scan3A_37 step %scan3A_38  : i32 {
        %mul3A_81 = arith.constant 1 : i32
        %mul3A_82 = arith.muli %scan3A_80, %mul3A_81 : i32
        %add3A_83 = arith.constant 0 : i32
        %add3A_84 = arith.addi %add3A_83, %mul3A_82 : i32
        %mul3A_85 = arith.constant 3 : i32
        %mul3A_86 = arith.muli %mul3A_85, %add3A_84 : i32
        %mul3A_87 = arith.constant 40 : i32
        %mul3A_88 = arith.muli %mul3A_86, %mul3A_87 : i32
        %dma_wait3A_89 = tpu.memref_slice %arg7[%mul3A_88] : memref<10000xi32, #tpu.memory_space<vmem>> -> memref<40xi32, #tpu.memory_space<vmem>>
        %dma_wait3A_90 = arith.constant 0 : i32
        %dma_wait3A_91 = arith.constant 0 : i32
        %dma_wait3A_92 = tpu.memref_slice %arg5[%dma_wait3A_90, %dma_wait3A_91] : memref<40960x128xf32, #tpu.memory_space<hbm>> -> memref<40960x128xf32, #tpu.memory_space<hbm>>
        tpu.wait_indirect_dma semaphore(%arg15 : memref<!tpu.dma_semaphore, #tpu.memory_space<semaphore_mem>>) src(%dma_wait3A_92 : memref<40960x128xf32, #tpu.memory_space<hbm>>) dst(%arg10 : memref<40x128xf32, #tpu.memory_space<vmem>>)
        %jit3A = arith.constant 50 : i32
        %eq3A = arith.constant 0 : i32
        %eq3A_93 = arith.cmpi eq, %jit3A, %eq3A : i32
        %jit3A_94 = arith.constant 1 : i32
        %select_n3A = arith.select %eq3A_93, %jit3A_94, %jit3A : i32
        %rem3A = arith.remsi %mul3A_86, %select_n3A : i32
        %ne3A = arith.constant 0 : i32
        %ne3A_95 = arith.cmpi ne, %rem3A, %ne3A : i32
        %lt3A_96 = arith.constant 0 : i32
        %lt3A_97 = arith.cmpi slt, %rem3A, %lt3A_96 : i32
        %lt3A_98 = arith.constant 0 : i32
        %lt3A_99 = arith.cmpi slt, %select_n3A, %lt3A_98 : i32
        %ne3A_100 = arith.xori %lt3A_97, %lt3A_99 : i1
        %and3A = arith.andi %ne3A_100, %ne3A_95 : i1
        %add3A_101 = arith.addi %rem3A, %select_n3A : i32
        %select_n3A_102 = arith.select %and3A, %add3A_101, %rem3A : i32
        %eq3A_103 = arith.constant 0 : i32
        %eq3A_104 = arith.cmpi eq, %select_n3A_102, %eq3A_103 : i32
        %ge3A = arith.constant 1 : i32
        %ge3A_105 = arith.cmpi sge, %mul3A_86, %ge3A : i32
        %and3A_106 = arith.andi %eq3A_104, %ge3A_105 : i1
        %convert_element_type3A_107 = arith.extui %and3A_106 : i1 to i32
        %cond3A_108 = arith.constant 0 : i32
        %cond3A_109 = arith.cmpi ne, %convert_element_type3A_107, %cond3A_108 : i32
        scf.if %cond3A_109 {
          %dma_wait3A_465 = arith.constant 0 : i32
          %dma_wait3A_466 = arith.constant 0 : i32
          %dma_wait3A_467 = tpu.memref_slice %arg8[%dma_wait3A_465, %dma_wait3A_466] : memref<50x40xi32, #tpu.memory_space<vmem>> -> memref<1x40xi32, #tpu.memory_space<vmem>>
          %dma_wait3A_468 = tpu.memref_squeeze %dma_wait3A_467 : memref<1x40xi32, #tpu.memory_space<vmem>> -> memref<40xi32, #tpu.memory_space<vmem>>
          %dma_wait3A_469 = arith.constant 0 : i32
          %dma_wait3A_470 = arith.constant 0 : i32
          %dma_wait3A_471 = tpu.memref_slice %arg14[%dma_wait3A_469, %dma_wait3A_470] : memref<10240x128xf32, #tpu.memory_space<vmem_shared>> -> memref<10240x128xf32, #tpu.memory_space<vmem_shared>>
          tpu.wait_indirect_dma semaphore(%arg20 : memref<!tpu.dma_semaphore, #tpu.memory_space<semaphore_mem>>) src(%arg12 : memref<40x128xf32, #tpu.memory_space<vmem>>) dst(%dma_wait3A_471 : memref<10240x128xf32, #tpu.memory_space<vmem_shared>>)
        } else {
        }
        %jit3A_110 = arith.constant 50 : i32
        %eq3A_111 = arith.constant 0 : i32
        %eq3A_112 = arith.cmpi eq, %jit3A_110, %eq3A_111 : i32
        %jit3A_113 = arith.constant 1 : i32
        %select_n3A_114 = arith.select %eq3A_112, %jit3A_113, %jit3A_110 : i32
        %rem3A_115 = arith.remsi %mul3A_86, %select_n3A_114 : i32
        %ne3A_116 = arith.constant 0 : i32
        %ne3A_117 = arith.cmpi ne, %rem3A_115, %ne3A_116 : i32
        %lt3A_118 = arith.constant 0 : i32
        %lt3A_119 = arith.cmpi slt, %rem3A_115, %lt3A_118 : i32
        %lt3A_120 = arith.constant 0 : i32
        %lt3A_121 = arith.cmpi slt, %select_n3A_114, %lt3A_120 : i32
        %ne3A_122 = arith.xori %lt3A_119, %lt3A_121 : i1
        %and3A_123 = arith.andi %ne3A_122, %ne3A_117 : i1
        %add3A_124 = arith.addi %rem3A_115, %select_n3A_114 : i32
        %select_n3A_125 = arith.select %and3A_123, %add3A_124, %rem3A_115 : i32
        %eq3A_126 = arith.constant 0 : i32
        %eq3A_127 = arith.cmpi eq, %select_n3A_125, %eq3A_126 : i32
        %convert_element_type3A_128 = arith.extui %eq3A_127 : i1 to i32
        %cond3A_129 = arith.constant 0 : i32
        %cond3A_130 = arith.cmpi ne, %convert_element_type3A_128, %cond3A_129 : i32
        scf.if %cond3A_130 {
          %jit3A_465 = arith.constant 50 : i32
          %div3A = arith.divsi %mul3A_86, %jit3A_465 : i32
          %sign3A = arith.constant 0 : i32
          %sign3A_466 = arith.cmpi sgt, %mul3A_86, %sign3A : i32
          %sign3A_467 = arith.extui %sign3A_466 : i1 to i32
          %sign3A_468 = arith.constant 0 : i32
          %sign3A_469 = arith.cmpi slt, %mul3A_86, %sign3A_468 : i32
          %sign3A_470 = arith.extui %sign3A_469 : i1 to i32
          %sign3A_471 = arith.subi %sign3A_467, %sign3A_470 : i32
          %sign3A_472 = arith.constant 0 : i32
          %sign3A_473 = arith.cmpi sgt, %jit3A_465, %sign3A_472 : i32
          %sign3A_474 = arith.extui %sign3A_473 : i1 to i32
          %sign3A_475 = arith.constant 0 : i32
          %sign3A_476 = arith.cmpi slt, %jit3A_465, %sign3A_475 : i32
          %sign3A_477 = arith.extui %sign3A_476 : i1 to i32
          %sign3A_478 = arith.subi %sign3A_474, %sign3A_477 : i32
          %ne3A_479 = arith.cmpi ne, %sign3A_471, %sign3A_478 : i32
          %rem3A_480 = arith.remsi %mul3A_86, %jit3A_465 : i32
          %ne3A_481 = arith.constant 0 : i32
          %ne3A_482 = arith.cmpi ne, %rem3A_480, %ne3A_481 : i32
          %and3A_483 = arith.andi %ne3A_479, %ne3A_482 : i1
          %sub3A = arith.constant 1 : i32
          %sub3A_484 = arith.subi %div3A, %sub3A : i32
          %select_n3A_485 = arith.select %and3A_483, %sub3A_484, %div3A : i32
          "tpu.region"() ({
            %run_scoped3A = tpu.sem_alloc : memref<!tpu.dma_semaphore, #tpu.memory_space<semaphore_mem>>
            %dma_start3A_510 = arith.constant 0 : i32
            %dma_start3A_511 = arith.constant 0 : i32
            %dma_start3A_512 = tpu.memref_slice %arg3[%add3A_25, %add3A, %select_n3A_485, %dma_start3A_510, %dma_start3A_511] : memref<4x32x5x50x40xi32, #tpu.memory_space<hbm>> -> memref<1x1x1x50x40xi32, #tpu.memory_space<hbm>>
            %dma_start3A_513 = tpu.memref_squeeze %dma_start3A_512 : memref<1x1x1x50x40xi32, #tpu.memory_space<hbm>> -> memref<50x40xi32, #tpu.memory_space<hbm>>
            %dma_start3A_514 = arith.constant 0 : i32
            %dma_start3A_515 = arith.constant 0 : i32
            %dma_start3A_516 = tpu.memref_slice %arg3[%add3A_25, %add3A, %select_n3A_485, %dma_start3A_514, %dma_start3A_515] : memref<4x32x5x50x40xi32, #tpu.memory_space<hbm>> -> memref<1x1x1x50x40xi32, #tpu.memory_space<hbm>>
            %dma_start3A_517 = tpu.memref_squeeze %dma_start3A_516 : memref<1x1x1x50x40xi32, #tpu.memory_space<hbm>> -> memref<50x40xi32, #tpu.memory_space<hbm>>
            tpu.enqueue_dma source(%dma_start3A_517 : memref<50x40xi32, #tpu.memory_space<hbm>>) target(%arg8 : memref<50x40xi32, #tpu.memory_space<vmem>>) target_semaphore(%run_scoped3A : memref<!tpu.dma_semaphore, #tpu.memory_space<semaphore_mem>>)
            %dma_wait3A_518 = arith.constant 0 : i32
            %dma_wait3A_519 = arith.constant 0 : i32
            %dma_wait3A_520 = tpu.memref_slice %arg3[%add3A_25, %add3A, %select_n3A_485, %dma_wait3A_518, %dma_wait3A_519] : memref<4x32x5x50x40xi32, #tpu.memory_space<hbm>> -> memref<1x1x1x50x40xi32, #tpu.memory_space<hbm>>
            %dma_wait3A_521 = tpu.memref_squeeze %dma_wait3A_520 : memref<1x1x1x50x40xi32, #tpu.memory_space<hbm>> -> memref<50x40xi32, #tpu.memory_space<hbm>>
            %dma_wait3A_522 = arith.constant 0 : i32
            %dma_wait3A_523 = arith.constant 0 : i32
            %dma_wait3A_524 = tpu.memref_slice %arg3[%add3A_25, %add3A, %select_n3A_485, %dma_wait3A_522, %dma_wait3A_523] : memref<4x32x5x50x40xi32, #tpu.memory_space<hbm>> -> memref<1x1x1x50x40xi32, #tpu.memory_space<hbm>>
            %dma_wait3A_525 = tpu.memref_squeeze %dma_wait3A_524 : memref<1x1x1x50x40xi32, #tpu.memory_space<hbm>> -> memref<50x40xi32, #tpu.memory_space<hbm>>
            tpu.wait_dma2 semaphore(%run_scoped3A : memref<!tpu.dma_semaphore, #tpu.memory_space<semaphore_mem>>) src(%dma_wait3A_525 : memref<50x40xi32, #tpu.memory_space<hbm>>) dst(%arg8 : memref<50x40xi32, #tpu.memory_space<vmem>>)
            tpu.yield
          }) : () -> ()
          %jit3A_486 = arith.constant 50 : i32
          %div3A_487 = arith.divsi %mul3A_86, %jit3A_486 : i32
          %sign3A_488 = arith.constant 0 : i32
          %sign3A_489 = arith.cmpi sgt, %mul3A_86, %sign3A_488 : i32
          %sign3A_490 = arith.extui %sign3A_489 : i1 to i32
          %sign3A_491 = arith.constant 0 : i32
          %sign3A_492 = arith.cmpi slt, %mul3A_86, %sign3A_491 : i32
          %sign3A_493 = arith.extui %sign3A_492 : i1 to i32
          %sign3A_494 = arith.subi %sign3A_490, %sign3A_493 : i32
          %sign3A_495 = arith.constant 0 : i32
          %sign3A_496 = arith.cmpi sgt, %jit3A_486, %sign3A_495 : i32
          %sign3A_497 = arith.extui %sign3A_496 : i1 to i32
          %sign3A_498 = arith.constant 0 : i32
          %sign3A_499 = arith.cmpi slt, %jit3A_486, %sign3A_498 : i32
          %sign3A_500 = arith.extui %sign3A_499 : i1 to i32
          %sign3A_501 = arith.subi %sign3A_497, %sign3A_500 : i32
          %ne3A_502 = arith.cmpi ne, %sign3A_494, %sign3A_501 : i32
          %rem3A_503 = arith.remsi %mul3A_86, %jit3A_486 : i32
          %ne3A_504 = arith.constant 0 : i32
          %ne3A_505 = arith.cmpi ne, %rem3A_503, %ne3A_504 : i32
          %and3A_506 = arith.andi %ne3A_502, %ne3A_505 : i1
          %sub3A_507 = arith.constant 1 : i32
          %sub3A_508 = arith.subi %div3A_487, %sub3A_507 : i32
          %select_n3A_509 = arith.select %and3A_506, %sub3A_508, %div3A_487 : i32
          "tpu.region"() ({
            %run_scoped3A = tpu.sem_alloc : memref<!tpu.dma_semaphore, #tpu.memory_space<semaphore_mem>>
            %dma_start3A_510 = arith.constant 0 : i32
            %dma_start3A_511 = tpu.memref_slice %arg4[%add3A_25, %add3A, %select_n3A_509, %dma_start3A_510] : memref<4x32x5x2000xf32, #tpu.memory_space<hbm>> -> memref<1x1x1x2000xf32, #tpu.memory_space<hbm>>
            %dma_start3A_512 = tpu.memref_squeeze %dma_start3A_511 : memref<1x1x1x2000xf32, #tpu.memory_space<hbm>> -> memref<2000xf32, #tpu.memory_space<hbm>>
            %dma_start3A_513 = arith.constant 0 : i32
            %dma_start3A_514 = tpu.memref_slice %arg4[%add3A_25, %add3A, %select_n3A_509, %dma_start3A_513] : memref<4x32x5x2000xf32, #tpu.memory_space<hbm>> -> memref<1x1x1x2000xf32, #tpu.memory_space<hbm>>
            %dma_start3A_515 = tpu.memref_squeeze %dma_start3A_514 : memref<1x1x1x2000xf32, #tpu.memory_space<hbm>> -> memref<2000xf32, #tpu.memory_space<hbm>>
            tpu.enqueue_dma source(%dma_start3A_515 : memref<2000xf32, #tpu.memory_space<hbm>>) target(%arg9 : memref<2000xf32, #tpu.memory_space<vmem>>) target_semaphore(%run_scoped3A : memref<!tpu.dma_semaphore, #tpu.memory_space<semaphore_mem>>)
            %dma_wait3A_516 = arith.constant 0 : i32
            %dma_wait3A_517 = tpu.memref_slice %arg4[%add3A_25, %add3A, %select_n3A_509, %dma_wait3A_516] : memref<4x32x5x2000xf32, #tpu.memory_space<hbm>> -> memref<1x1x1x2000xf32, #tpu.memory_space<hbm>>
            %dma_wait3A_518 = tpu.memref_squeeze %dma_wait3A_517 : memref<1x1x1x2000xf32, #tpu.memory_space<hbm>> -> memref<2000xf32, #tpu.memory_space<hbm>>
            %dma_wait3A_519 = arith.constant 0 : i32
            %dma_wait3A_520 = tpu.memref_slice %arg4[%add3A_25, %add3A, %select_n3A_509, %dma_wait3A_519] : memref<4x32x5x2000xf32, #tpu.memory_space<hbm>> -> memref<1x1x1x2000xf32, #tpu.memory_space<hbm>>
            %dma_wait3A_521 = tpu.memref_squeeze %dma_wait3A_520 : memref<1x1x1x2000xf32, #tpu.memory_space<hbm>> -> memref<2000xf32, #tpu.memory_space<hbm>>
            tpu.wait_dma2 semaphore(%run_scoped3A : memref<!tpu.dma_semaphore, #tpu.memory_space<semaphore_mem>>) src(%dma_wait3A_521 : memref<2000xf32, #tpu.memory_space<hbm>>) dst(%arg9 : memref<2000xf32, #tpu.memory_space<vmem>>)
            tpu.yield
          }) : () -> ()
        } else {
        }
        %jit3A_131 = arith.constant 50 : i32
        %eq3A_132 = arith.constant 0 : i32
        %eq3A_133 = arith.cmpi eq, %jit3A_131, %eq3A_132 : i32
        %jit3A_134 = arith.constant 1 : i32
        %select_n3A_135 = arith.select %eq3A_133, %jit3A_134, %jit3A_131 : i32
        %rem3A_136 = arith.remsi %mul3A_86, %select_n3A_135 : i32
        %ne3A_137 = arith.constant 0 : i32
        %ne3A_138 = arith.cmpi ne, %rem3A_136, %ne3A_137 : i32
        %lt3A_139 = arith.constant 0 : i32
        %lt3A_140 = arith.cmpi slt, %rem3A_136, %lt3A_139 : i32
        %lt3A_141 = arith.constant 0 : i32
        %lt3A_142 = arith.cmpi slt, %select_n3A_135, %lt3A_141 : i32
        %ne3A_143 = arith.xori %lt3A_140, %lt3A_142 : i1
        %and3A_144 = arith.andi %ne3A_143, %ne3A_138 : i1
        %add3A_145 = arith.addi %rem3A_136, %select_n3A_135 : i32
        %select_n3A_146 = arith.select %and3A_144, %add3A_145, %rem3A_136 : i32
        %mul3A_147 = arith.constant 40 : i32
        %mul3A_148 = arith.muli %select_n3A_146, %mul3A_147 : i32
        %scan3A_149 = arith.constant 0 : i32
        %scan3A_150 = arith.constant 40 : i32
        %scan3A_151 = arith.addi %scan3A_149, %scan3A_150 : i32
        %scan3A_152 = arith.constant 1 : i32
        scf.for %scan3A_465 = %scan3A_149 to %scan3A_151 step %scan3A_152  : i32 {
          %mul3A_466 = arith.constant 1 : i32
          %mul3A_467 = arith.muli %scan3A_465, %mul3A_466 : i32
          %add3A_468 = arith.constant 0 : i32
          %add3A_469 = arith.addi %add3A_468, %mul3A_467 : i32
          %add3A_470 = arith.addi %mul3A_148, %add3A_469 : i32
          %broadcast_in_dim3A_471 = vector.broadcast %add3A_470 : i32 to vector<16xi32>
          %gather3A = tpu.vector_load_idx %arg9[%broadcast_in_dim3A_471] : memref<2000xf32, #tpu.memory_space<vmem>>[vector<16xi32>], vector<16xf32>,
          %get3A = arith.index_cast %add3A_469 : i32 to index
          %get3A_472 = arith.constant 0 : index
          %get3A_473 = tpu.vector_load %arg10[%get3A, %get3A_472] {strides = array<i32>} : memref<40x128xf32, #tpu.memory_space<vmem>>, vector<16xf32>,
          %mul3A_474 = arith.mulf %get3A_473, %gather3A : vector<16xf32>
          %swap3A = arith.index_cast %add3A_469 : i32 to index
          %swap3A_475 = arith.constant 0 : index
          %swap3A_476 = tpu.vector_load %arg10[%swap3A, %swap3A_475] {strides = array<i32>} : memref<40x128xf32, #tpu.memory_space<vmem>>, vector<16xf32>,
          tpu.vector_store %arg10[%swap3A, %swap3A_475], %mul3A_474 {strides = array<i32>} : memref<40x128xf32, #tpu.memory_space<vmem>>, vector<16xf32>,
          %get3A_477 = arith.index_cast %add3A_469 : i32 to index
          %get3A_478 = arith.constant 16 : index
          %get3A_479 = tpu.vector_load %arg10[%get3A_477, %get3A_478] {strides = array<i32>} : memref<40x128xf32, #tpu.memory_space<vmem>>, vector<16xf32>,
          %mul3A_480 = arith.mulf %get3A_479, %gather3A : vector<16xf32>
          %swap3A_481 = arith.index_cast %add3A_469 : i32 to index
          %swap3A_482 = arith.constant 16 : index
          %swap3A_483 = tpu.vector_load %arg10[%swap3A_481, %swap3A_482] {strides = array<i32>} : memref<40x128xf32, #tpu.memory_space<vmem>>, vector<16xf32>,
          tpu.vector_store %arg10[%swap3A_481, %swap3A_482], %mul3A_480 {strides = array<i32>} : memref<40x128xf32, #tpu.memory_space<vmem>>, vector<16xf32>,
          %get3A_484 = arith.index_cast %add3A_469 : i32 to index
          %get3A_485 = arith.constant 32 : index
          %get3A_486 = tpu.vector_load %arg10[%get3A_484, %get3A_485] {strides = array<i32>} : memref<40x128xf32, #tpu.memory_space<vmem>>, vector<16xf32>,
          %mul3A_487 = arith.mulf %get3A_486, %gather3A : vector<16xf32>
          %swap3A_488 = arith.index_cast %add3A_469 : i32 to index
          %swap3A_489 = arith.constant 32 : index
          %swap3A_490 = tpu.vector_load %arg10[%swap3A_488, %swap3A_489] {strides = array<i32>} : memref<40x128xf32, #tpu.memory_space<vmem>>, vector<16xf32>,
          tpu.vector_store %arg10[%swap3A_488, %swap3A_489], %mul3A_487 {strides = array<i32>} : memref<40x128xf32, #tpu.memory_space<vmem>>, vector<16xf32>,
          %get3A_491 = arith.index_cast %add3A_469 : i32 to index
          %get3A_492 = arith.constant 48 : index
          %get3A_493 = tpu.vector_load %arg10[%get3A_491, %get3A_492] {strides = array<i32>} : memref<40x128xf32, #tpu.memory_space<vmem>>, vector<16xf32>,
          %mul3A_494 = arith.mulf %get3A_493, %gather3A : vector<16xf32>
          %swap3A_495 = arith.index_cast %add3A_469 : i32 to index
          %swap3A_496 = arith.constant 48 : index
          %swap3A_497 = tpu.vector_load %arg10[%swap3A_495, %swap3A_496] {strides = array<i32>} : memref<40x128xf32, #tpu.memory_space<vmem>>, vector<16xf32>,
          tpu.vector_store %arg10[%swap3A_495, %swap3A_496], %mul3A_494 {strides = array<i32>} : memref<40x128xf32, #tpu.memory_space<vmem>>, vector<16xf32>,
          %get3A_498 = arith.index_cast %add3A_469 : i32 to index
          %get3A_499 = arith.constant 64 : index
          %get3A_500 = tpu.vector_load %arg10[%get3A_498, %get3A_499] {strides = array<i32>} : memref<40x128xf32, #tpu.memory_space<vmem>>, vector<16xf32>,
          %mul3A_501 = arith.mulf %get3A_500, %gather3A : vector<16xf32>
          %swap3A_502 = arith.index_cast %add3A_469 : i32 to index
          %swap3A_503 = arith.constant 64 : index
          %swap3A_504 = tpu.vector_load %arg10[%swap3A_502, %swap3A_503] {strides = array<i32>} : memref<40x128xf32, #tpu.memory_space<vmem>>, vector<16xf32>,
          tpu.vector_store %arg10[%swap3A_502, %swap3A_503], %mul3A_501 {strides = array<i32>} : memref<40x128xf32, #tpu.memory_space<vmem>>, vector<16xf32>,
          %get3A_505 = arith.index_cast %add3A_469 : i32 to index
          %get3A_506 = arith.constant 80 : index
          %get3A_507 = tpu.vector_load %arg10[%get3A_505, %get3A_506] {strides = array<i32>} : memref<40x128xf32, #tpu.memory_space<vmem>>, vector<16xf32>,
          %mul3A_508 = arith.mulf %get3A_507, %gather3A : vector<16xf32>
          %swap3A_509 = arith.index_cast %add3A_469 : i32 to index
          %swap3A_510 = arith.constant 80 : index
          %swap3A_511 = tpu.vector_load %arg10[%swap3A_509, %swap3A_510] {strides = array<i32>} : memref<40x128xf32, #tpu.memory_space<vmem>>, vector<16xf32>,
          tpu.vector_store %arg10[%swap3A_509, %swap3A_510], %mul3A_508 {strides = array<i32>} : memref<40x128xf32, #tpu.memory_space<vmem>>, vector<16xf32>,
          %get3A_512 = arith.index_cast %add3A_469 : i32 to index
          %get3A_513 = arith.constant 96 : index
          %get3A_514 = tpu.vector_load %arg10[%get3A_512, %get3A_513] {strides = array<i32>} : memref<40x128xf32, #tpu.memory_space<vmem>>, vector<16xf32>,
          %mul3A_515 = arith.mulf %get3A_514, %gather3A : vector<16xf32>
          %swap3A_516 = arith.index_cast %add3A_469 : i32 to index
          %swap3A_517 = arith.constant 96 : index
          %swap3A_518 = tpu.vector_load %arg10[%swap3A_516, %swap3A_517] {strides = array<i32>} : memref<40x128xf32, #tpu.memory_space<vmem>>, vector<16xf32>,
          tpu.vector_store %arg10[%swap3A_516, %swap3A_517], %mul3A_515 {strides = array<i32>} : memref<40x128xf32, #tpu.memory_space<vmem>>, vector<16xf32>,
          %get3A_519 = arith.index_cast %add3A_469 : i32 to index
          %get3A_520 = arith.constant 112 : index
          %get3A_521 = tpu.vector_load %arg10[%get3A_519, %get3A_520] {strides = array<i32>} : memref<40x128xf32, #tpu.memory_space<vmem>>, vector<16xf32>,
          %mul3A_522 = arith.mulf %get3A_521, %gather3A : vector<16xf32>
          %swap3A_523 = arith.index_cast %add3A_469 : i32 to index
          %swap3A_524 = arith.constant 112 : index
          %swap3A_525 = tpu.vector_load %arg10[%swap3A_523, %swap3A_524] {strides = array<i32>} : memref<40x128xf32, #tpu.memory_space<vmem>>, vector<16xf32>,
          tpu.vector_store %arg10[%swap3A_523, %swap3A_524], %mul3A_522 {strides = array<i32>} : memref<40x128xf32, #tpu.memory_space<vmem>>, vector<16xf32>,
        }
        %scan3A_153 = arith.constant 40 : i32
        %jit3A_154 = arith.constant 50 : i32
        %eq3A_155 = arith.constant 0 : i32
        %eq3A_156 = arith.cmpi eq, %jit3A_154, %eq3A_155 : i32
        %jit3A_157 = arith.constant 1 : i32
        %select_n3A_158 = arith.select %eq3A_156, %jit3A_157, %jit3A_154 : i32
        %rem3A_159 = arith.remsi %mul3A_86, %select_n3A_158 : i32
        %ne3A_160 = arith.constant 0 : i32
        %ne3A_161 = arith.cmpi ne, %rem3A_159, %ne3A_160 : i32
        %lt3A_162 = arith.constant 0 : i32
        %lt3A_163 = arith.cmpi slt, %rem3A_159, %lt3A_162 : i32
        %lt3A_164 = arith.constant 0 : i32
        %lt3A_165 = arith.cmpi slt, %select_n3A_158, %lt3A_164 : i32
        %ne3A_166 = arith.xori %lt3A_163, %lt3A_165 : i1
        %and3A_167 = arith.andi %ne3A_166, %ne3A_161 : i1
        %add3A_168 = arith.addi %rem3A_159, %select_n3A_158 : i32
        %select_n3A_169 = arith.select %and3A_167, %add3A_168, %rem3A_159 : i32
        %dma_start3A_170 = arith.constant 0 : i32
        %dma_start3A_171 = tpu.memref_slice %arg8[%select_n3A_169, %dma_start3A_170] : memref<50x40xi32, #tpu.memory_space<vmem>> -> memref<1x40xi32, #tpu.memory_space<vmem>>
        %dma_start3A_172 = tpu.memref_squeeze %dma_start3A_171 : memref<1x40xi32, #tpu.memory_space<vmem>> -> memref<40xi32, #tpu.memory_space<vmem>>
        %dma_start3A_173 = arith.constant 0 : i32
        %dma_start3A_174 = arith.constant 0 : i32
        %dma_start3A_175 = tpu.memref_slice %arg14[%dma_start3A_173, %dma_start3A_174] : memref<10240x128xf32, #tpu.memory_space<vmem_shared>> -> memref<10240x128xf32, #tpu.memory_space<vmem_shared>>
        tpu.enqueue_indirect_dma source(%arg10 : memref<40x128xf32, #tpu.memory_space<vmem>>) target(%dma_start3A_175 : memref<10240x128xf32, #tpu.memory_space<vmem_shared>>) offsets(%dma_start3A_172 : memref<40xi32, #tpu.memory_space<vmem>>) semaphore(%arg18 : memref<!tpu.dma_semaphore, #tpu.memory_space<semaphore_mem>>) {add = true}
        %jit3A_176 = arith.constant 50 : i32
        %eq3A_177 = arith.constant 0 : i32
        %eq3A_178 = arith.cmpi eq, %jit3A_176, %eq3A_177 : i32
        %jit3A_179 = arith.constant 1 : i32
        %select_n3A_180 = arith.select %eq3A_178, %jit3A_179, %jit3A_176 : i32
        %rem3A_181 = arith.remsi %mul3A_86, %select_n3A_180 : i32
        %ne3A_182 = arith.constant 0 : i32
        %ne3A_183 = arith.cmpi ne, %rem3A_181, %ne3A_182 : i32
        %lt3A_184 = arith.constant 0 : i32
        %lt3A_185 = arith.cmpi slt, %rem3A_181, %lt3A_184 : i32
        %lt3A_186 = arith.constant 0 : i32
        %lt3A_187 = arith.cmpi slt, %select_n3A_180, %lt3A_186 : i32
        %ne3A_188 = arith.xori %lt3A_185, %lt3A_187 : i1
        %and3A_189 = arith.andi %ne3A_188, %ne3A_183 : i1
        %add3A_190 = arith.addi %rem3A_181, %select_n3A_180 : i32
        %select_n3A_191 = arith.select %and3A_189, %add3A_190, %rem3A_181 : i32
        %ne3A_192 = arith.constant 0 : i32
        %ne3A_193 = arith.cmpi ne, %select_n3A_191, %ne3A_192 : i32
        %ge3A_194 = arith.constant 1 : i32
        %ge3A_195 = arith.cmpi sge, %mul3A_86, %ge3A_194 : i32
        %and3A_196 = arith.andi %ne3A_193, %ge3A_195 : i1
        %convert_element_type3A_197 = arith.extui %and3A_196 : i1 to i32
        %cond3A_198 = arith.constant 0 : i32
        %cond3A_199 = arith.cmpi ne, %convert_element_type3A_197, %cond3A_198 : i32
        scf.if %cond3A_199 {
          %sub3A = arith.constant 1 : i32
          %sub3A_465 = arith.subi %mul3A_86, %sub3A : i32
          %jit3A_466 = arith.constant 50 : i32
          %eq3A_467 = arith.constant 0 : i32
          %eq3A_468 = arith.cmpi eq, %jit3A_466, %eq3A_467 : i32
          %jit3A_469 = arith.constant 1 : i32
          %select_n3A_470 = arith.select %eq3A_468, %jit3A_469, %jit3A_466 : i32
          %rem3A_471 = arith.remsi %sub3A_465, %select_n3A_470 : i32
          %ne3A_472 = arith.constant 0 : i32
          %ne3A_473 = arith.cmpi ne, %rem3A_471, %ne3A_472 : i32
          %lt3A_474 = arith.constant 0 : i32
          %lt3A_475 = arith.cmpi slt, %rem3A_471, %lt3A_474 : i32
          %lt3A_476 = arith.constant 0 : i32
          %lt3A_477 = arith.cmpi slt, %select_n3A_470, %lt3A_476 : i32
          %ne3A_478 = arith.xori %lt3A_475, %lt3A_477 : i1
          %and3A_479 = arith.andi %ne3A_478, %ne3A_473 : i1
          %add3A_480 = arith.addi %rem3A_471, %select_n3A_470 : i32
          %select_n3A_481 = arith.select %and3A_479, %add3A_480, %rem3A_471 : i32
          %dma_wait3A_482 = arith.constant 0 : i32
          %dma_wait3A_483 = tpu.memref_slice %arg8[%select_n3A_481, %dma_wait3A_482] : memref<50x40xi32, #tpu.memory_space<vmem>> -> memref<1x40xi32, #tpu.memory_space<vmem>>
          %dma_wait3A_484 = tpu.memref_squeeze %dma_wait3A_483 : memref<1x40xi32, #tpu.memory_space<vmem>> -> memref<40xi32, #tpu.memory_space<vmem>>
          %dma_wait3A_485 = arith.constant 0 : i32
          %dma_wait3A_486 = arith.constant 0 : i32
          %dma_wait3A_487 = tpu.memref_slice %arg14[%dma_wait3A_485, %dma_wait3A_486] : memref<10240x128xf32, #tpu.memory_space<vmem_shared>> -> memref<10240x128xf32, #tpu.memory_space<vmem_shared>>
          tpu.wait_indirect_dma semaphore(%arg20 : memref<!tpu.dma_semaphore, #tpu.memory_space<semaphore_mem>>) src(%arg12 : memref<40x128xf32, #tpu.memory_space<vmem>>) dst(%dma_wait3A_487 : memref<10240x128xf32, #tpu.memory_space<vmem_shared>>)
        } else {
        }
        %add3A_200 = arith.constant 2 : i32
        %add3A_201 = arith.addi %mul3A_86, %add3A_200 : i32
        %lt3A_202 = arith.constant 250 : i32
        %lt3A_203 = arith.cmpi slt, %add3A_201, %lt3A_202 : i32
        %convert_element_type3A_204 = arith.extui %lt3A_203 : i1 to i32
        %cond3A_205 = arith.constant 0 : i32
        %cond3A_206 = arith.cmpi ne, %convert_element_type3A_204, %cond3A_205 : i32
        scf.if %cond3A_206 {
          %add3A_465 = arith.constant 2 : i32
          %add3A_466 = arith.addi %mul3A_86, %add3A_465 : i32
          %mul3A_467 = arith.constant 40 : i32
          %mul3A_468 = arith.muli %add3A_466, %mul3A_467 : i32
          %dma_start3A_469 = tpu.memref_slice %arg7[%mul3A_468] : memref<10000xi32, #tpu.memory_space<vmem>> -> memref<40xi32, #tpu.memory_space<vmem>>
          %dma_start3A_470 = arith.constant 0 : i32
          %dma_start3A_471 = arith.constant 0 : i32
          %dma_start3A_472 = tpu.memref_slice %arg5[%dma_start3A_470, %dma_start3A_471] : memref<40960x128xf32, #tpu.memory_space<hbm>> -> memref<40960x128xf32, #tpu.memory_space<hbm>>
          tpu.enqueue_indirect_dma source(%dma_start3A_472 : memref<40960x128xf32, #tpu.memory_space<hbm>>) target(%arg12 : memref<40x128xf32, #tpu.memory_space<vmem>>) offsets(%dma_start3A_469 : memref<40xi32, #tpu.memory_space<vmem>>) semaphore(%arg17 : memref<!tpu.dma_semaphore, #tpu.memory_space<semaphore_mem>>)
        } else {
        }
        %add3A_207 = arith.constant 1 : i32
        %add3A_208 = arith.addi %mul3A_86, %add3A_207 : i32
        %mul3A_209 = arith.constant 40 : i32
        %mul3A_210 = arith.muli %add3A_208, %mul3A_209 : i32
        %dma_wait3A_211 = tpu.memref_slice %arg7[%mul3A_210] : memref<10000xi32, #tpu.memory_space<vmem>> -> memref<40xi32, #tpu.memory_space<vmem>>
        %dma_wait3A_212 = arith.constant 0 : i32
        %dma_wait3A_213 = arith.constant 0 : i32
        %dma_wait3A_214 = tpu.memref_slice %arg5[%dma_wait3A_212, %dma_wait3A_213] : memref<40960x128xf32, #tpu.memory_space<hbm>> -> memref<40960x128xf32, #tpu.memory_space<hbm>>
        tpu.wait_indirect_dma semaphore(%arg16 : memref<!tpu.dma_semaphore, #tpu.memory_space<semaphore_mem>>) src(%dma_wait3A_214 : memref<40960x128xf32, #tpu.memory_space<hbm>>) dst(%arg11 : memref<40x128xf32, #tpu.memory_space<vmem>>)
        %jit3A_215 = arith.constant 50 : i32
        %eq3A_216 = arith.constant 0 : i32
        %eq3A_217 = arith.cmpi eq, %jit3A_215, %eq3A_216 : i32
        %jit3A_218 = arith.constant 1 : i32
        %select_n3A_219 = arith.select %eq3A_217, %jit3A_218, %jit3A_215 : i32
        %rem3A_220 = arith.remsi %add3A_208, %select_n3A_219 : i32
        %ne3A_221 = arith.constant 0 : i32
        %ne3A_222 = arith.cmpi ne, %rem3A_220, %ne3A_221 : i32
        %lt3A_223 = arith.constant 0 : i32
        %lt3A_224 = arith.cmpi slt, %rem3A_220, %lt3A_223 : i32
        %lt3A_225 = arith.constant 0 : i32
        %lt3A_226 = arith.cmpi slt, %select_n3A_219, %lt3A_225 : i32
        %ne3A_227 = arith.xori %lt3A_224, %lt3A_226 : i1
        %and3A_228 = arith.andi %ne3A_227, %ne3A_222 : i1
        %add3A_229 = arith.addi %rem3A_220, %select_n3A_219 : i32
        %select_n3A_230 = arith.select %and3A_228, %add3A_229, %rem3A_220 : i32
        %eq3A_231 = arith.constant 0 : i32
        %eq3A_232 = arith.cmpi eq, %select_n3A_230, %eq3A_231 : i32
        %ge3A_233 = arith.constant 1 : i32
        %ge3A_234 = arith.cmpi sge, %add3A_208, %ge3A_233 : i32
        %and3A_235 = arith.andi %eq3A_232, %ge3A_234 : i1
        %convert_element_type3A_236 = arith.extui %and3A_235 : i1 to i32
        %cond3A_237 = arith.constant 0 : i32
        %cond3A_238 = arith.cmpi ne, %convert_element_type3A_236, %cond3A_237 : i32
        scf.if %cond3A_238 {
          %dma_wait3A_465 = arith.constant 0 : i32
          %dma_wait3A_466 = arith.constant 0 : i32
          %dma_wait3A_467 = tpu.memref_slice %arg8[%dma_wait3A_465, %dma_wait3A_466] : memref<50x40xi32, #tpu.memory_space<vmem>> -> memref<1x40xi32, #tpu.memory_space<vmem>>
          %dma_wait3A_468 = tpu.memref_squeeze %dma_wait3A_467 : memref<1x40xi32, #tpu.memory_space<vmem>> -> memref<40xi32, #tpu.memory_space<vmem>>
          %dma_wait3A_469 = arith.constant 0 : i32
          %dma_wait3A_470 = arith.constant 0 : i32
          %dma_wait3A_471 = tpu.memref_slice %arg14[%dma_wait3A_469, %dma_wait3A_470] : memref<10240x128xf32, #tpu.memory_space<vmem_shared>> -> memref<10240x128xf32, #tpu.memory_space<vmem_shared>>
          tpu.wait_indirect_dma semaphore(%arg18 : memref<!tpu.dma_semaphore, #tpu.memory_space<semaphore_mem>>) src(%arg10 : memref<40x128xf32, #tpu.memory_space<vmem>>) dst(%dma_wait3A_471 : memref<10240x128xf32, #tpu.memory_space<vmem_shared>>)
        } else {
        }
        %jit3A_239 = arith.constant 50 : i32
        %eq3A_240 = arith.constant 0 : i32
        %eq3A_241 = arith.cmpi eq, %jit3A_239, %eq3A_240 : i32
        %jit3A_242 = arith.constant 1 : i32
        %select_n3A_243 = arith.select %eq3A_241, %jit3A_242, %jit3A_239 : i32
        %rem3A_244 = arith.remsi %add3A_208, %select_n3A_243 : i32
        %ne3A_245 = arith.constant 0 : i32
        %ne3A_246 = arith.cmpi ne, %rem3A_244, %ne3A_245 : i32
        %lt3A_247 = arith.constant 0 : i32
        %lt3A_248 = arith.cmpi slt, %rem3A_244, %lt3A_247 : i32
        %lt3A_249 = arith.constant 0 : i32
        %lt3A_250 = arith.cmpi slt, %select_n3A_243, %lt3A_249 : i32
        %ne3A_251 = arith.xori %lt3A_248, %lt3A_250 : i1
        %and3A_252 = arith.andi %ne3A_251, %ne3A_246 : i1
        %add3A_253 = arith.addi %rem3A_244, %select_n3A_243 : i32
        %select_n3A_254 = arith.select %and3A_252, %add3A_253, %rem3A_244 : i32
        %eq3A_255 = arith.constant 0 : i32
        %eq3A_256 = arith.cmpi eq, %select_n3A_254, %eq3A_255 : i32
        %convert_element_type3A_257 = arith.extui %eq3A_256 : i1 to i32
        %cond3A_258 = arith.constant 0 : i32
        %cond3A_259 = arith.cmpi ne, %convert_element_type3A_257, %cond3A_258 : i32
        scf.if %cond3A_259 {
          %jit3A_465 = arith.constant 50 : i32
          %div3A = arith.divsi %add3A_208, %jit3A_465 : i32
          %sign3A = arith.constant 0 : i32
          %sign3A_466 = arith.cmpi sgt, %add3A_208, %sign3A : i32
          %sign3A_467 = arith.extui %sign3A_466 : i1 to i32
          %sign3A_468 = arith.constant 0 : i32
          %sign3A_469 = arith.cmpi slt, %add3A_208, %sign3A_468 : i32
          %sign3A_470 = arith.extui %sign3A_469 : i1 to i32
          %sign3A_471 = arith.subi %sign3A_467, %sign3A_470 : i32
          %sign3A_472 = arith.constant 0 : i32
          %sign3A_473 = arith.cmpi sgt, %jit3A_465, %sign3A_472 : i32
          %sign3A_474 = arith.extui %sign3A_473 : i1 to i32
          %sign3A_475 = arith.constant 0 : i32
          %sign3A_476 = arith.cmpi slt, %jit3A_465, %sign3A_475 : i32
          %sign3A_477 = arith.extui %sign3A_476 : i1 to i32
          %sign3A_478 = arith.subi %sign3A_474, %sign3A_477 : i32
          %ne3A_479 = arith.cmpi ne, %sign3A_471, %sign3A_478 : i32
          %rem3A_480 = arith.remsi %add3A_208, %jit3A_465 : i32
          %ne3A_481 = arith.constant 0 : i32
          %ne3A_482 = arith.cmpi ne, %rem3A_480, %ne3A_481 : i32
          %and3A_483 = arith.andi %ne3A_479, %ne3A_482 : i1
          %sub3A = arith.constant 1 : i32
          %sub3A_484 = arith.subi %div3A, %sub3A : i32
          %select_n3A_485 = arith.select %and3A_483, %sub3A_484, %div3A : i32
          "tpu.region"() ({
            %run_scoped3A = tpu.sem_alloc : memref<!tpu.dma_semaphore, #tpu.memory_space<semaphore_mem>>
            %dma_start3A_510 = arith.constant 0 : i32
            %dma_start3A_511 = arith.constant 0 : i32
            %dma_start3A_512 = tpu.memref_slice %arg3[%add3A_25, %add3A, %select_n3A_485, %dma_start3A_510, %dma_start3A_511] : memref<4x32x5x50x40xi32, #tpu.memory_space<hbm>> -> memref<1x1x1x50x40xi32, #tpu.memory_space<hbm>>
            %dma_start3A_513 = tpu.memref_squeeze %dma_start3A_512 : memref<1x1x1x50x40xi32, #tpu.memory_space<hbm>> -> memref<50x40xi32, #tpu.memory_space<hbm>>
            %dma_start3A_514 = arith.constant 0 : i32
            %dma_start3A_515 = arith.constant 0 : i32
            %dma_start3A_516 = tpu.memref_slice %arg3[%add3A_25, %add3A, %select_n3A_485, %dma_start3A_514, %dma_start3A_515] : memref<4x32x5x50x40xi32, #tpu.memory_space<hbm>> -> memref<1x1x1x50x40xi32, #tpu.memory_space<hbm>>
            %dma_start3A_517 = tpu.memref_squeeze %dma_start3A_516 : memref<1x1x1x50x40xi32, #tpu.memory_space<hbm>> -> memref<50x40xi32, #tpu.memory_space<hbm>>
            tpu.enqueue_dma source(%dma_start3A_517 : memref<50x40xi32, #tpu.memory_space<hbm>>) target(%arg8 : memref<50x40xi32, #tpu.memory_space<vmem>>) target_semaphore(%run_scoped3A : memref<!tpu.dma_semaphore, #tpu.memory_space<semaphore_mem>>)
            %dma_wait3A_518 = arith.constant 0 : i32
            %dma_wait3A_519 = arith.constant 0 : i32
            %dma_wait3A_520 = tpu.memref_slice %arg3[%add3A_25, %add3A, %select_n3A_485, %dma_wait3A_518, %dma_wait3A_519] : memref<4x32x5x50x40xi32, #tpu.memory_space<hbm>> -> memref<1x1x1x50x40xi32, #tpu.memory_space<hbm>>
            %dma_wait3A_521 = tpu.memref_squeeze %dma_wait3A_520 : memref<1x1x1x50x40xi32, #tpu.memory_space<hbm>> -> memref<50x40xi32, #tpu.memory_space<hbm>>
            %dma_wait3A_522 = arith.constant 0 : i32
            %dma_wait3A_523 = arith.constant 0 : i32
            %dma_wait3A_524 = tpu.memref_slice %arg3[%add3A_25, %add3A, %select_n3A_485, %dma_wait3A_522, %dma_wait3A_523] : memref<4x32x5x50x40xi32, #tpu.memory_space<hbm>> -> memref<1x1x1x50x40xi32, #tpu.memory_space<hbm>>
            %dma_wait3A_525 = tpu.memref_squeeze %dma_wait3A_524 : memref<1x1x1x50x40xi32, #tpu.memory_space<hbm>> -> memref<50x40xi32, #tpu.memory_space<hbm>>
            tpu.wait_dma2 semaphore(%run_scoped3A : memref<!tpu.dma_semaphore, #tpu.memory_space<semaphore_mem>>) src(%dma_wait3A_525 : memref<50x40xi32, #tpu.memory_space<hbm>>) dst(%arg8 : memref<50x40xi32, #tpu.memory_space<vmem>>)
            tpu.yield
          }) : () -> ()
          %jit3A_486 = arith.constant 50 : i32
          %div3A_487 = arith.divsi %add3A_208, %jit3A_486 : i32
          %sign3A_488 = arith.constant 0 : i32
          %sign3A_489 = arith.cmpi sgt, %add3A_208, %sign3A_488 : i32
          %sign3A_490 = arith.extui %sign3A_489 : i1 to i32
          %sign3A_491 = arith.constant 0 : i32
          %sign3A_492 = arith.cmpi slt, %add3A_208, %sign3A_491 : i32
          %sign3A_493 = arith.extui %sign3A_492 : i1 to i32
          %sign3A_494 = arith.subi %sign3A_490, %sign3A_493 : i32
          %sign3A_495 = arith.constant 0 : i32
          %sign3A_496 = arith.cmpi sgt, %jit3A_486, %sign3A_495 : i32
          %sign3A_497 = arith.extui %sign3A_496 : i1 to i32
          %sign3A_498 = arith.constant 0 : i32
          %sign3A_499 = arith.cmpi slt, %jit3A_486, %sign3A_498 : i32
          %sign3A_500 = arith.extui %sign3A_499 : i1 to i32
          %sign3A_501 = arith.subi %sign3A_497, %sign3A_500 : i32
          %ne3A_502 = arith.cmpi ne, %sign3A_494, %sign3A_501 : i32
          %rem3A_503 = arith.remsi %add3A_208, %jit3A_486 : i32
          %ne3A_504 = arith.constant 0 : i32
          %ne3A_505 = arith.cmpi ne, %rem3A_503, %ne3A_504 : i32
          %and3A_506 = arith.andi %ne3A_502, %ne3A_505 : i1
          %sub3A_507 = arith.constant 1 : i32
          %sub3A_508 = arith.subi %div3A_487, %sub3A_507 : i32
          %select_n3A_509 = arith.select %and3A_506, %sub3A_508, %div3A_487 : i32
          "tpu.region"() ({
            %run_scoped3A = tpu.sem_alloc : memref<!tpu.dma_semaphore, #tpu.memory_space<semaphore_mem>>
            %dma_start3A_510 = arith.constant 0 : i32
            %dma_start3A_511 = tpu.memref_slice %arg4[%add3A_25, %add3A, %select_n3A_509, %dma_start3A_510] : memref<4x32x5x2000xf32, #tpu.memory_space<hbm>> -> memref<1x1x1x2000xf32, #tpu.memory_space<hbm>>
            %dma_start3A_512 = tpu.memref_squeeze %dma_start3A_511 : memref<1x1x1x2000xf32, #tpu.memory_space<hbm>> -> memref<2000xf32, #tpu.memory_space<hbm>>
            %dma_start3A_513 = arith.constant 0 : i32
            %dma_start3A_514 = tpu.memref_slice %arg4[%add3A_25, %add3A, %select_n3A_509, %dma_start3A_513] : memref<4x32x5x2000xf32, #tpu.memory_space<hbm>> -> memref<1x1x1x2000xf32, #tpu.memory_space<hbm>>
            %dma_start3A_515 = tpu.memref_squeeze %dma_start3A_514 : memref<1x1x1x2000xf32, #tpu.memory_space<hbm>> -> memref<2000xf32, #tpu.memory_space<hbm>>
            tpu.enqueue_dma source(%dma_start3A_515 : memref<2000xf32, #tpu.memory_space<hbm>>) target(%arg9 : memref<2000xf32, #tpu.memory_space<vmem>>) target_semaphore(%run_scoped3A : memref<!tpu.dma_semaphore, #tpu.memory_space<semaphore_mem>>)
            %dma_wait3A_516 = arith.constant 0 : i32
            %dma_wait3A_517 = tpu.memref_slice %arg4[%add3A_25, %add3A, %select_n3A_509, %dma_wait3A_516] : memref<4x32x5x2000xf32, #tpu.memory_space<hbm>> -> memref<1x1x1x2000xf32, #tpu.memory_space<hbm>>
            %dma_wait3A_518 = tpu.memref_squeeze %dma_wait3A_517 : memref<1x1x1x2000xf32, #tpu.memory_space<hbm>> -> memref<2000xf32, #tpu.memory_space<hbm>>
            %dma_wait3A_519 = arith.constant 0 : i32
            %dma_wait3A_520 = tpu.memref_slice %arg4[%add3A_25, %add3A, %select_n3A_509, %dma_wait3A_519] : memref<4x32x5x2000xf32, #tpu.memory_space<hbm>> -> memref<1x1x1x2000xf32, #tpu.memory_space<hbm>>
            %dma_wait3A_521 = tpu.memref_squeeze %dma_wait3A_520 : memref<1x1x1x2000xf32, #tpu.memory_space<hbm>> -> memref<2000xf32, #tpu.memory_space<hbm>>
            tpu.wait_dma2 semaphore(%run_scoped3A : memref<!tpu.dma_semaphore, #tpu.memory_space<semaphore_mem>>) src(%dma_wait3A_521 : memref<2000xf32, #tpu.memory_space<hbm>>) dst(%arg9 : memref<2000xf32, #tpu.memory_space<vmem>>)
            tpu.yield
          }) : () -> ()
        } else {
        }
        %jit3A_260 = arith.constant 50 : i32
        %eq3A_261 = arith.constant 0 : i32
        %eq3A_262 = arith.cmpi eq, %jit3A_260, %eq3A_261 : i32
        %jit3A_263 = arith.constant 1 : i32
        %select_n3A_264 = arith.select %eq3A_262, %jit3A_263, %jit3A_260 : i32
        %rem3A_265 = arith.remsi %add3A_208, %select_n3A_264 : i32
        %ne3A_266 = arith.constant 0 : i32
        %ne3A_267 = arith.cmpi ne, %rem3A_265, %ne3A_266 : i32
        %lt3A_268 = arith.constant 0 : i32
        %lt3A_269 = arith.cmpi slt, %rem3A_265, %lt3A_268 : i32
        %lt3A_270 = arith.constant 0 : i32
        %lt3A_271 = arith.cmpi slt, %select_n3A_264, %lt3A_270 : i32
        %ne3A_272 = arith.xori %lt3A_269, %lt3A_271 : i1
        %and3A_273 = arith.andi %ne3A_272, %ne3A_267 : i1
        %add3A_274 = arith.addi %rem3A_265, %select_n3A_264 : i32
        %select_n3A_275 = arith.select %and3A_273, %add3A_274, %rem3A_265 : i32
        %mul3A_276 = arith.constant 40 : i32
        %mul3A_277 = arith.muli %select_n3A_275, %mul3A_276 : i32
        %scan3A_278 = arith.constant 0 : i32
        %scan3A_279 = arith.constant 40 : i32
        %scan3A_280 = arith.addi %scan3A_278, %scan3A_279 : i32
        %scan3A_281 = arith.constant 1 : i32
        scf.for %scan3A_465 = %scan3A_278 to %scan3A_280 step %scan3A_281  : i32 {
          %mul3A_466 = arith.constant 1 : i32
          %mul3A_467 = arith.muli %scan3A_465, %mul3A_466 : i32
          %add3A_468 = arith.constant 0 : i32
          %add3A_469 = arith.addi %add3A_468, %mul3A_467 : i32
          %add3A_470 = arith.addi %mul3A_277, %add3A_469 : i32
          %broadcast_in_dim3A_471 = vector.broadcast %add3A_470 : i32 to vector<16xi32>
          %gather3A = tpu.vector_load_idx %arg9[%broadcast_in_dim3A_471] : memref<2000xf32, #tpu.memory_space<vmem>>[vector<16xi32>], vector<16xf32>,
          %get3A = arith.index_cast %add3A_469 : i32 to index
          %get3A_472 = arith.constant 0 : index
          %get3A_473 = tpu.vector_load %arg11[%get3A, %get3A_472] {strides = array<i32>} : memref<40x128xf32, #tpu.memory_space<vmem>>, vector<16xf32>,
          %mul3A_474 = arith.mulf %get3A_473, %gather3A : vector<16xf32>
          %swap3A = arith.index_cast %add3A_469 : i32 to index
          %swap3A_475 = arith.constant 0 : index
          %swap3A_476 = tpu.vector_load %arg11[%swap3A, %swap3A_475] {strides = array<i32>} : memref<40x128xf32, #tpu.memory_space<vmem>>, vector<16xf32>,
          tpu.vector_store %arg11[%swap3A, %swap3A_475], %mul3A_474 {strides = array<i32>} : memref<40x128xf32, #tpu.memory_space<vmem>>, vector<16xf32>,
          %get3A_477 = arith.index_cast %add3A_469 : i32 to index
          %get3A_478 = arith.constant 16 : index
          %get3A_479 = tpu.vector_load %arg11[%get3A_477, %get3A_478] {strides = array<i32>} : memref<40x128xf32, #tpu.memory_space<vmem>>, vector<16xf32>,
          %mul3A_480 = arith.mulf %get3A_479, %gather3A : vector<16xf32>
          %swap3A_481 = arith.index_cast %add3A_469 : i32 to index
          %swap3A_482 = arith.constant 16 : index
          %swap3A_483 = tpu.vector_load %arg11[%swap3A_481, %swap3A_482] {strides = array<i32>} : memref<40x128xf32, #tpu.memory_space<vmem>>, vector<16xf32>,
          tpu.vector_store %arg11[%swap3A_481, %swap3A_482], %mul3A_480 {strides = array<i32>} : memref<40x128xf32, #tpu.memory_space<vmem>>, vector<16xf32>,
          %get3A_484 = arith.index_cast %add3A_469 : i32 to index
          %get3A_485 = arith.constant 32 : index
          %get3A_486 = tpu.vector_load %arg11[%get3A_484, %get3A_485] {strides = array<i32>} : memref<40x128xf32, #tpu.memory_space<vmem>>, vector<16xf32>,
          %mul3A_487 = arith.mulf %get3A_486, %gather3A : vector<16xf32>
          %swap3A_488 = arith.index_cast %add3A_469 : i32 to index
          %swap3A_489 = arith.constant 32 : index
          %swap3A_490 = tpu.vector_load %arg11[%swap3A_488, %swap3A_489] {strides = array<i32>} : memref<40x128xf32, #tpu.memory_space<vmem>>, vector<16xf32>,
          tpu.vector_store %arg11[%swap3A_488, %swap3A_489], %mul3A_487 {strides = array<i32>} : memref<40x128xf32, #tpu.memory_space<vmem>>, vector<16xf32>,
          %get3A_491 = arith.index_cast %add3A_469 : i32 to index
          %get3A_492 = arith.constant 48 : index
          %get3A_493 = tpu.vector_load %arg11[%get3A_491, %get3A_492] {strides = array<i32>} : memref<40x128xf32, #tpu.memory_space<vmem>>, vector<16xf32>,
          %mul3A_494 = arith.mulf %get3A_493, %gather3A : vector<16xf32>
          %swap3A_495 = arith.index_cast %add3A_469 : i32 to index
          %swap3A_496 = arith.constant 48 : index
          %swap3A_497 = tpu.vector_load %arg11[%swap3A_495, %swap3A_496] {strides = array<i32>} : memref<40x128xf32, #tpu.memory_space<vmem>>, vector<16xf32>,
          tpu.vector_store %arg11[%swap3A_495, %swap3A_496], %mul3A_494 {strides = array<i32>} : memref<40x128xf32, #tpu.memory_space<vmem>>, vector<16xf32>,
          %get3A_498 = arith.index_cast %add3A_469 : i32 to index
          %get3A_499 = arith.constant 64 : index
          %get3A_500 = tpu.vector_load %arg11[%get3A_498, %get3A_499] {strides = array<i32>} : memref<40x128xf32, #tpu.memory_space<vmem>>, vector<16xf32>,
          %mul3A_501 = arith.mulf %get3A_500, %gather3A : vector<16xf32>
          %swap3A_502 = arith.index_cast %add3A_469 : i32 to index
          %swap3A_503 = arith.constant 64 : index
          %swap3A_504 = tpu.vector_load %arg11[%swap3A_502, %swap3A_503] {strides = array<i32>} : memref<40x128xf32, #tpu.memory_space<vmem>>, vector<16xf32>,
          tpu.vector_store %arg11[%swap3A_502, %swap3A_503], %mul3A_501 {strides = array<i32>} : memref<40x128xf32, #tpu.memory_space<vmem>>, vector<16xf32>,
          %get3A_505 = arith.index_cast %add3A_469 : i32 to index
          %get3A_506 = arith.constant 80 : index
          %get3A_507 = tpu.vector_load %arg11[%get3A_505, %get3A_506] {strides = array<i32>} : memref<40x128xf32, #tpu.memory_space<vmem>>, vector<16xf32>,
          %mul3A_508 = arith.mulf %get3A_507, %gather3A : vector<16xf32>
          %swap3A_509 = arith.index_cast %add3A_469 : i32 to index
          %swap3A_510 = arith.constant 80 : index
          %swap3A_511 = tpu.vector_load %arg11[%swap3A_509, %swap3A_510] {strides = array<i32>} : memref<40x128xf32, #tpu.memory_space<vmem>>, vector<16xf32>,
          tpu.vector_store %arg11[%swap3A_509, %swap3A_510], %mul3A_508 {strides = array<i32>} : memref<40x128xf32, #tpu.memory_space<vmem>>, vector<16xf32>,
          %get3A_512 = arith.index_cast %add3A_469 : i32 to index
          %get3A_513 = arith.constant 96 : index
          %get3A_514 = tpu.vector_load %arg11[%get3A_512, %get3A_513] {strides = array<i32>} : memref<40x128xf32, #tpu.memory_space<vmem>>, vector<16xf32>,
          %mul3A_515 = arith.mulf %get3A_514, %gather3A : vector<16xf32>
          %swap3A_516 = arith.index_cast %add3A_469 : i32 to index
          %swap3A_517 = arith.constant 96 : index
          %swap3A_518 = tpu.vector_load %arg11[%swap3A_516, %swap3A_517] {strides = array<i32>} : memref<40x128xf32, #tpu.memory_space<vmem>>, vector<16xf32>,
          tpu.vector_store %arg11[%swap3A_516, %swap3A_517], %mul3A_515 {strides = array<i32>} : memref<40x128xf32, #tpu.memory_space<vmem>>, vector<16xf32>,
          %get3A_519 = arith.index_cast %add3A_469 : i32 to index
          %get3A_520 = arith.constant 112 : index
          %get3A_521 = tpu.vector_load %arg11[%get3A_519, %get3A_520] {strides = array<i32>} : memref<40x128xf32, #tpu.memory_space<vmem>>, vector<16xf32>,
          %mul3A_522 = arith.mulf %get3A_521, %gather3A : vector<16xf32>
          %swap3A_523 = arith.index_cast %add3A_469 : i32 to index
          %swap3A_524 = arith.constant 112 : index
          %swap3A_525 = tpu.vector_load %arg11[%swap3A_523, %swap3A_524] {strides = array<i32>} : memref<40x128xf32, #tpu.memory_space<vmem>>, vector<16xf32>,
          tpu.vector_store %arg11[%swap3A_523, %swap3A_524], %mul3A_522 {strides = array<i32>} : memref<40x128xf32, #tpu.memory_space<vmem>>, vector<16xf32>,
        }
        %scan3A_282 = arith.constant 40 : i32
        %jit3A_283 = arith.constant 50 : i32
        %eq3A_284 = arith.constant 0 : i32
        %eq3A_285 = arith.cmpi eq, %jit3A_283, %eq3A_284 : i32
        %jit3A_286 = arith.constant 1 : i32
        %select_n3A_287 = arith.select %eq3A_285, %jit3A_286, %jit3A_283 : i32
        %rem3A_288 = arith.remsi %add3A_208, %select_n3A_287 : i32
        %ne3A_289 = arith.constant 0 : i32
        %ne3A_290 = arith.cmpi ne, %rem3A_288, %ne3A_289 : i32
        %lt3A_291 = arith.constant 0 : i32
        %lt3A_292 = arith.cmpi slt, %rem3A_288, %lt3A_291 : i32
        %lt3A_293 = arith.constant 0 : i32
        %lt3A_294 = arith.cmpi slt, %select_n3A_287, %lt3A_293 : i32
        %ne3A_295 = arith.xori %lt3A_292, %lt3A_294 : i1
        %and3A_296 = arith.andi %ne3A_295, %ne3A_290 : i1
        %add3A_297 = arith.addi %rem3A_288, %select_n3A_287 : i32
        %select_n3A_298 = arith.select %and3A_296, %add3A_297, %rem3A_288 : i32
        %dma_start3A_299 = arith.constant 0 : i32
        %dma_start3A_300 = tpu.memref_slice %arg8[%select_n3A_298, %dma_start3A_299] : memref<50x40xi32, #tpu.memory_space<vmem>> -> memref<1x40xi32, #tpu.memory_space<vmem>>
        %dma_start3A_301 = tpu.memref_squeeze %dma_start3A_300 : memref<1x40xi32, #tpu.memory_space<vmem>> -> memref<40xi32, #tpu.memory_space<vmem>>
        %dma_start3A_302 = arith.constant 0 : i32
        %dma_start3A_303 = arith.constant 0 : i32
        %dma_start3A_304 = tpu.memref_slice %arg14[%dma_start3A_302, %dma_start3A_303] : memref<10240x128xf32, #tpu.memory_space<vmem_shared>> -> memref<10240x128xf32, #tpu.memory_space<vmem_shared>>
        tpu.enqueue_indirect_dma source(%arg11 : memref<40x128xf32, #tpu.memory_space<vmem>>) target(%dma_start3A_304 : memref<10240x128xf32, #tpu.memory_space<vmem_shared>>) offsets(%dma_start3A_301 : memref<40xi32, #tpu.memory_space<vmem>>) semaphore(%arg19 : memref<!tpu.dma_semaphore, #tpu.memory_space<semaphore_mem>>) {add = true}
        %jit3A_305 = arith.constant 50 : i32
        %eq3A_306 = arith.constant 0 : i32
        %eq3A_307 = arith.cmpi eq, %jit3A_305, %eq3A_306 : i32
        %jit3A_308 = arith.constant 1 : i32
        %select_n3A_309 = arith.select %eq3A_307, %jit3A_308, %jit3A_305 : i32
        %rem3A_310 = arith.remsi %add3A_208, %select_n3A_309 : i32
        %ne3A_311 = arith.constant 0 : i32
        %ne3A_312 = arith.cmpi ne, %rem3A_310, %ne3A_311 : i32
        %lt3A_313 = arith.constant 0 : i32
        %lt3A_314 = arith.cmpi slt, %rem3A_310, %lt3A_313 : i32
        %lt3A_315 = arith.constant 0 : i32
        %lt3A_316 = arith.cmpi slt, %select_n3A_309, %lt3A_315 : i32
        %ne3A_317 = arith.xori %lt3A_314, %lt3A_316 : i1
        %and3A_318 = arith.andi %ne3A_317, %ne3A_312 : i1
        %add3A_319 = arith.addi %rem3A_310, %select_n3A_309 : i32
        %select_n3A_320 = arith.select %and3A_318, %add3A_319, %rem3A_310 : i32
        %ne3A_321 = arith.constant 0 : i32
        %ne3A_322 = arith.cmpi ne, %select_n3A_320, %ne3A_321 : i32
        %ge3A_323 = arith.constant 1 : i32
        %ge3A_324 = arith.cmpi sge, %add3A_208, %ge3A_323 : i32
        %and3A_325 = arith.andi %ne3A_322, %ge3A_324 : i1
        %convert_element_type3A_326 = arith.extui %and3A_325 : i1 to i32
        %cond3A_327 = arith.constant 0 : i32
        %cond3A_328 = arith.cmpi ne, %convert_element_type3A_326, %cond3A_327 : i32
        scf.if %cond3A_328 {
          %sub3A = arith.constant 1 : i32
          %sub3A_465 = arith.subi %add3A_208, %sub3A : i32
          %jit3A_466 = arith.constant 50 : i32
          %eq3A_467 = arith.constant 0 : i32
          %eq3A_468 = arith.cmpi eq, %jit3A_466, %eq3A_467 : i32
          %jit3A_469 = arith.constant 1 : i32
          %select_n3A_470 = arith.select %eq3A_468, %jit3A_469, %jit3A_466 : i32
          %rem3A_471 = arith.remsi %sub3A_465, %select_n3A_470 : i32
          %ne3A_472 = arith.constant 0 : i32
          %ne3A_473 = arith.cmpi ne, %rem3A_471, %ne3A_472 : i32
          %lt3A_474 = arith.constant 0 : i32
          %lt3A_475 = arith.cmpi slt, %rem3A_471, %lt3A_474 : i32
          %lt3A_476 = arith.constant 0 : i32
          %lt3A_477 = arith.cmpi slt, %select_n3A_470, %lt3A_476 : i32
          %ne3A_478 = arith.xori %lt3A_475, %lt3A_477 : i1
          %and3A_479 = arith.andi %ne3A_478, %ne3A_473 : i1
          %add3A_480 = arith.addi %rem3A_471, %select_n3A_470 : i32
          %select_n3A_481 = arith.select %and3A_479, %add3A_480, %rem3A_471 : i32
          %dma_wait3A_482 = arith.constant 0 : i32
          %dma_wait3A_483 = tpu.memref_slice %arg8[%select_n3A_481, %dma_wait3A_482] : memref<50x40xi32, #tpu.memory_space<vmem>> -> memref<1x40xi32, #tpu.memory_space<vmem>>
          %dma_wait3A_484 = tpu.memref_squeeze %dma_wait3A_483 : memref<1x40xi32, #tpu.memory_space<vmem>> -> memref<40xi32, #tpu.memory_space<vmem>>
          %dma_wait3A_485 = arith.constant 0 : i32
          %dma_wait3A_486 = arith.constant 0 : i32
          %dma_wait3A_487 = tpu.memref_slice %arg14[%dma_wait3A_485, %dma_wait3A_486] : memref<10240x128xf32, #tpu.memory_space<vmem_shared>> -> memref<10240x128xf32, #tpu.memory_space<vmem_shared>>
          tpu.wait_indirect_dma semaphore(%arg18 : memref<!tpu.dma_semaphore, #tpu.memory_space<semaphore_mem>>) src(%arg10 : memref<40x128xf32, #tpu.memory_space<vmem>>) dst(%dma_wait3A_487 : memref<10240x128xf32, #tpu.memory_space<vmem_shared>>)
        } else {
        }
        %add3A_329 = arith.constant 2 : i32
        %add3A_330 = arith.addi %add3A_208, %add3A_329 : i32
        %lt3A_331 = arith.constant 250 : i32
        %lt3A_332 = arith.cmpi slt, %add3A_330, %lt3A_331 : i32
        %convert_element_type3A_333 = arith.extui %lt3A_332 : i1 to i32
        %cond3A_334 = arith.constant 0 : i32
        %cond3A_335 = arith.cmpi ne, %convert_element_type3A_333, %cond3A_334 : i32
        scf.if %cond3A_335 {
          %add3A_465 = arith.constant 2 : i32
          %add3A_466 = arith.addi %add3A_208, %add3A_465 : i32
          %mul3A_467 = arith.constant 40 : i32
          %mul3A_468 = arith.muli %add3A_466, %mul3A_467 : i32
          %dma_start3A_469 = tpu.memref_slice %arg7[%mul3A_468] : memref<10000xi32, #tpu.memory_space<vmem>> -> memref<40xi32, #tpu.memory_space<vmem>>
          %dma_start3A_470 = arith.constant 0 : i32
          %dma_start3A_471 = arith.constant 0 : i32
          %dma_start3A_472 = tpu.memref_slice %arg5[%dma_start3A_470, %dma_start3A_471] : memref<40960x128xf32, #tpu.memory_space<hbm>> -> memref<40960x128xf32, #tpu.memory_space<hbm>>
          tpu.enqueue_indirect_dma source(%dma_start3A_472 : memref<40960x128xf32, #tpu.memory_space<hbm>>) target(%arg10 : memref<40x128xf32, #tpu.memory_space<vmem>>) offsets(%dma_start3A_469 : memref<40xi32, #tpu.memory_space<vmem>>) semaphore(%arg15 : memref<!tpu.dma_semaphore, #tpu.memory_space<semaphore_mem>>)
        } else {
        }
        %add3A_336 = arith.constant 2 : i32
        %add3A_337 = arith.addi %mul3A_86, %add3A_336 : i32
        %mul3A_338 = arith.constant 40 : i32
        %mul3A_339 = arith.muli %add3A_337, %mul3A_338 : i32
        %dma_wait3A_340 = tpu.memref_slice %arg7[%mul3A_339] : memref<10000xi32, #tpu.memory_space<vmem>> -> memref<40xi32, #tpu.memory_space<vmem>>
        %dma_wait3A_341 = arith.constant 0 : i32
        %dma_wait3A_342 = arith.constant 0 : i32
        %dma_wait3A_343 = tpu.memref_slice %arg5[%dma_wait3A_341, %dma_wait3A_342] : memref<40960x128xf32, #tpu.memory_space<hbm>> -> memref<40960x128xf32, #tpu.memory_space<hbm>>
        tpu.wait_indirect_dma semaphore(%arg17 : memref<!tpu.dma_semaphore, #tpu.memory_space<semaphore_mem>>) src(%dma_wait3A_343 : memref<40960x128xf32, #tpu.memory_space<hbm>>) dst(%arg12 : memref<40x128xf32, #tpu.memory_space<vmem>>)
        %jit3A_344 = arith.constant 50 : i32
        %eq3A_345 = arith.constant 0 : i32
        %eq3A_346 = arith.cmpi eq, %jit3A_344, %eq3A_345 : i32
        %jit3A_347 = arith.constant 1 : i32
        %select_n3A_348 = arith.select %eq3A_346, %jit3A_347, %jit3A_344 : i32
        %rem3A_349 = arith.remsi %add3A_337, %select_n3A_348 : i32
        %ne3A_350 = arith.constant 0 : i32
        %ne3A_351 = arith.cmpi ne, %rem3A_349, %ne3A_350 : i32
        %lt3A_352 = arith.constant 0 : i32
        %lt3A_353 = arith.cmpi slt, %rem3A_349, %lt3A_352 : i32
        %lt3A_354 = arith.constant 0 : i32
        %lt3A_355 = arith.cmpi slt, %select_n3A_348, %lt3A_354 : i32
        %ne3A_356 = arith.xori %lt3A_353, %lt3A_355 : i1
        %and3A_357 = arith.andi %ne3A_356, %ne3A_351 : i1
        %add3A_358 = arith.addi %rem3A_349, %select_n3A_348 : i32
        %select_n3A_359 = arith.select %and3A_357, %add3A_358, %rem3A_349 : i32
        %eq3A_360 = arith.constant 0 : i32
        %eq3A_361 = arith.cmpi eq, %select_n3A_359, %eq3A_360 : i32
        %ge3A_362 = arith.constant 1 : i32
        %ge3A_363 = arith.cmpi sge, %add3A_337, %ge3A_362 : i32
        %and3A_364 = arith.andi %eq3A_361, %ge3A_363 : i1
        %convert_element_type3A_365 = arith.extui %and3A_364 : i1 to i32
        %cond3A_366 = arith.constant 0 : i32
        %cond3A_367 = arith.cmpi ne, %convert_element_type3A_365, %cond3A_366 : i32
        scf.if %cond3A_367 {
          %dma_wait3A_465 = arith.constant 0 : i32
          %dma_wait3A_466 = arith.constant 0 : i32
          %dma_wait3A_467 = tpu.memref_slice %arg8[%dma_wait3A_465, %dma_wait3A_466] : memref<50x40xi32, #tpu.memory_space<vmem>> -> memref<1x40xi32, #tpu.memory_space<vmem>>
          %dma_wait3A_468 = tpu.memref_squeeze %dma_wait3A_467 : memref<1x40xi32, #tpu.memory_space<vmem>> -> memref<40xi32, #tpu.memory_space<vmem>>
          %dma_wait3A_469 = arith.constant 0 : i32
          %dma_wait3A_470 = arith.constant 0 : i32
          %dma_wait3A_471 = tpu.memref_slice %arg14[%dma_wait3A_469, %dma_wait3A_470] : memref<10240x128xf32, #tpu.memory_space<vmem_shared>> -> memref<10240x128xf32, #tpu.memory_space<vmem_shared>>
          tpu.wait_indirect_dma semaphore(%arg19 : memref<!tpu.dma_semaphore, #tpu.memory_space<semaphore_mem>>) src(%arg11 : memref<40x128xf32, #tpu.memory_space<vmem>>) dst(%dma_wait3A_471 : memref<10240x128xf32, #tpu.memory_space<vmem_shared>>)
        } else {
        }
        %jit3A_368 = arith.constant 50 : i32
        %eq3A_369 = arith.constant 0 : i32
        %eq3A_370 = arith.cmpi eq, %jit3A_368, %eq3A_369 : i32
        %jit3A_371 = arith.constant 1 : i32
        %select_n3A_372 = arith.select %eq3A_370, %jit3A_371, %jit3A_368 : i32
        %rem3A_373 = arith.remsi %add3A_337, %select_n3A_372 : i32
        %ne3A_374 = arith.constant 0 : i32
        %ne3A_375 = arith.cmpi ne, %rem3A_373, %ne3A_374 : i32
        %lt3A_376 = arith.constant 0 : i32
        %lt3A_377 = arith.cmpi slt, %rem3A_373, %lt3A_376 : i32
        %lt3A_378 = arith.constant 0 : i32
        %lt3A_379 = arith.cmpi slt, %select_n3A_372, %lt3A_378 : i32
        %ne3A_380 = arith.xori %lt3A_377, %lt3A_379 : i1
        %and3A_381 = arith.andi %ne3A_380, %ne3A_375 : i1
        %add3A_382 = arith.addi %rem3A_373, %select_n3A_372 : i32
        %select_n3A_383 = arith.select %and3A_381, %add3A_382, %rem3A_373 : i32
        %eq3A_384 = arith.constant 0 : i32
        %eq3A_385 = arith.cmpi eq, %select_n3A_383, %eq3A_384 : i32
        %convert_element_type3A_386 = arith.extui %eq3A_385 : i1 to i32
        %cond3A_387 = arith.constant 0 : i32
        %cond3A_388 = arith.cmpi ne, %convert_element_type3A_386, %cond3A_387 : i32
        scf.if %cond3A_388 {
          %jit3A_465 = arith.constant 50 : i32
          %div3A = arith.divsi %add3A_337, %jit3A_465 : i32
          %sign3A = arith.constant 0 : i32
          %sign3A_466 = arith.cmpi sgt, %add3A_337, %sign3A : i32
          %sign3A_467 = arith.extui %sign3A_466 : i1 to i32
          %sign3A_468 = arith.constant 0 : i32
          %sign3A_469 = arith.cmpi slt, %add3A_337, %sign3A_468 : i32
          %sign3A_470 = arith.extui %sign3A_469 : i1 to i32
          %sign3A_471 = arith.subi %sign3A_467, %sign3A_470 : i32
          %sign3A_472 = arith.constant 0 : i32
          %sign3A_473 = arith.cmpi sgt, %jit3A_465, %sign3A_472 : i32
          %sign3A_474 = arith.extui %sign3A_473 : i1 to i32
          %sign3A_475 = arith.constant 0 : i32
          %sign3A_476 = arith.cmpi slt, %jit3A_465, %sign3A_475 : i32
          %sign3A_477 = arith.extui %sign3A_476 : i1 to i32
          %sign3A_478 = arith.subi %sign3A_474, %sign3A_477 : i32
          %ne3A_479 = arith.cmpi ne, %sign3A_471, %sign3A_478 : i32
          %rem3A_480 = arith.remsi %add3A_337, %jit3A_465 : i32
          %ne3A_481 = arith.constant 0 : i32
          %ne3A_482 = arith.cmpi ne, %rem3A_480, %ne3A_481 : i32
          %and3A_483 = arith.andi %ne3A_479, %ne3A_482 : i1
          %sub3A = arith.constant 1 : i32
          %sub3A_484 = arith.subi %div3A, %sub3A : i32
          %select_n3A_485 = arith.select %and3A_483, %sub3A_484, %div3A : i32
          "tpu.region"() ({
            %run_scoped3A = tpu.sem_alloc : memref<!tpu.dma_semaphore, #tpu.memory_space<semaphore_mem>>
            %dma_start3A_510 = arith.constant 0 : i32
            %dma_start3A_511 = arith.constant 0 : i32
            %dma_start3A_512 = tpu.memref_slice %arg3[%add3A_25, %add3A, %select_n3A_485, %dma_start3A_510, %dma_start3A_511] : memref<4x32x5x50x40xi32, #tpu.memory_space<hbm>> -> memref<1x1x1x50x40xi32, #tpu.memory_space<hbm>>
            %dma_start3A_513 = tpu.memref_squeeze %dma_start3A_512 : memref<1x1x1x50x40xi32, #tpu.memory_space<hbm>> -> memref<50x40xi32, #tpu.memory_space<hbm>>
            %dma_start3A_514 = arith.constant 0 : i32
            %dma_start3A_515 = arith.constant 0 : i32
            %dma_start3A_516 = tpu.memref_slice %arg3[%add3A_25, %add3A, %select_n3A_485, %dma_start3A_514, %dma_start3A_515] : memref<4x32x5x50x40xi32, #tpu.memory_space<hbm>> -> memref<1x1x1x50x40xi32, #tpu.memory_space<hbm>>
            %dma_start3A_517 = tpu.memref_squeeze %dma_start3A_516 : memref<1x1x1x50x40xi32, #tpu.memory_space<hbm>> -> memref<50x40xi32, #tpu.memory_space<hbm>>
            tpu.enqueue_dma source(%dma_start3A_517 : memref<50x40xi32, #tpu.memory_space<hbm>>) target(%arg8 : memref<50x40xi32, #tpu.memory_space<vmem>>) target_semaphore(%run_scoped3A : memref<!tpu.dma_semaphore, #tpu.memory_space<semaphore_mem>>)
            %dma_wait3A_518 = arith.constant 0 : i32
            %dma_wait3A_519 = arith.constant 0 : i32
            %dma_wait3A_520 = tpu.memref_slice %arg3[%add3A_25, %add3A, %select_n3A_485, %dma_wait3A_518, %dma_wait3A_519] : memref<4x32x5x50x40xi32, #tpu.memory_space<hbm>> -> memref<1x1x1x50x40xi32, #tpu.memory_space<hbm>>
            %dma_wait3A_521 = tpu.memref_squeeze %dma_wait3A_520 : memref<1x1x1x50x40xi32, #tpu.memory_space<hbm>> -> memref<50x40xi32, #tpu.memory_space<hbm>>
            %dma_wait3A_522 = arith.constant 0 : i32
            %dma_wait3A_523 = arith.constant 0 : i32
            %dma_wait3A_524 = tpu.memref_slice %arg3[%add3A_25, %add3A, %select_n3A_485, %dma_wait3A_522, %dma_wait3A_523] : memref<4x32x5x50x40xi32, #tpu.memory_space<hbm>> -> memref<1x1x1x50x40xi32, #tpu.memory_space<hbm>>
            %dma_wait3A_525 = tpu.memref_squeeze %dma_wait3A_524 : memref<1x1x1x50x40xi32, #tpu.memory_space<hbm>> -> memref<50x40xi32, #tpu.memory_space<hbm>>
            tpu.wait_dma2 semaphore(%run_scoped3A : memref<!tpu.dma_semaphore, #tpu.memory_space<semaphore_mem>>) src(%dma_wait3A_525 : memref<50x40xi32, #tpu.memory_space<hbm>>) dst(%arg8 : memref<50x40xi32, #tpu.memory_space<vmem>>)
            tpu.yield
          }) : () -> ()
          %jit3A_486 = arith.constant 50 : i32
          %div3A_487 = arith.divsi %add3A_337, %jit3A_486 : i32
          %sign3A_488 = arith.constant 0 : i32
          %sign3A_489 = arith.cmpi sgt, %add3A_337, %sign3A_488 : i32
          %sign3A_490 = arith.extui %sign3A_489 : i1 to i32
          %sign3A_491 = arith.constant 0 : i32
          %sign3A_492 = arith.cmpi slt, %add3A_337, %sign3A_491 : i32
          %sign3A_493 = arith.extui %sign3A_492 : i1 to i32
          %sign3A_494 = arith.subi %sign3A_490, %sign3A_493 : i32
          %sign3A_495 = arith.constant 0 : i32
          %sign3A_496 = arith.cmpi sgt, %jit3A_486, %sign3A_495 : i32
          %sign3A_497 = arith.extui %sign3A_496 : i1 to i32
          %sign3A_498 = arith.constant 0 : i32
          %sign3A_499 = arith.cmpi slt, %jit3A_486, %sign3A_498 : i32
          %sign3A_500 = arith.extui %sign3A_499 : i1 to i32
          %sign3A_501 = arith.subi %sign3A_497, %sign3A_500 : i32
          %ne3A_502 = arith.cmpi ne, %sign3A_494, %sign3A_501 : i32
          %rem3A_503 = arith.remsi %add3A_337, %jit3A_486 : i32
          %ne3A_504 = arith.constant 0 : i32
          %ne3A_505 = arith.cmpi ne, %rem3A_503, %ne3A_504 : i32
          %and3A_506 = arith.andi %ne3A_502, %ne3A_505 : i1
          %sub3A_507 = arith.constant 1 : i32
          %sub3A_508 = arith.subi %div3A_487, %sub3A_507 : i32
          %select_n3A_509 = arith.select %and3A_506, %sub3A_508, %div3A_487 : i32
          "tpu.region"() ({
            %run_scoped3A = tpu.sem_alloc : memref<!tpu.dma_semaphore, #tpu.memory_space<semaphore_mem>>
            %dma_start3A_510 = arith.constant 0 : i32
            %dma_start3A_511 = tpu.memref_slice %arg4[%add3A_25, %add3A, %select_n3A_509, %dma_start3A_510] : memref<4x32x5x2000xf32, #tpu.memory_space<hbm>> -> memref<1x1x1x2000xf32, #tpu.memory_space<hbm>>
            %dma_start3A_512 = tpu.memref_squeeze %dma_start3A_511 : memref<1x1x1x2000xf32, #tpu.memory_space<hbm>> -> memref<2000xf32, #tpu.memory_space<hbm>>
            %dma_start3A_513 = arith.constant 0 : i32
            %dma_start3A_514 = tpu.memref_slice %arg4[%add3A_25, %add3A, %select_n3A_509, %dma_start3A_513] : memref<4x32x5x2000xf32, #tpu.memory_space<hbm>> -> memref<1x1x1x2000xf32, #tpu.memory_space<hbm>>
            %dma_start3A_515 = tpu.memref_squeeze %dma_start3A_514 : memref<1x1x1x2000xf32, #tpu.memory_space<hbm>> -> memref<2000xf32, #tpu.memory_space<hbm>>
            tpu.enqueue_dma source(%dma_start3A_515 : memref<2000xf32, #tpu.memory_space<hbm>>) target(%arg9 : memref<2000xf32, #tpu.memory_space<vmem>>) target_semaphore(%run_scoped3A : memref<!tpu.dma_semaphore, #tpu.memory_space<semaphore_mem>>)
            %dma_wait3A_516 = arith.constant 0 : i32
            %dma_wait3A_517 = tpu.memref_slice %arg4[%add3A_25, %add3A, %select_n3A_509, %dma_wait3A_516] : memref<4x32x5x2000xf32, #tpu.memory_space<hbm>> -> memref<1x1x1x2000xf32, #tpu.memory_space<hbm>>
            %dma_wait3A_518 = tpu.memref_squeeze %dma_wait3A_517 : memref<1x1x1x2000xf32, #tpu.memory_space<hbm>> -> memref<2000xf32, #tpu.memory_space<hbm>>
            %dma_wait3A_519 = arith.constant 0 : i32
            %dma_wait3A_520 = tpu.memref_slice %arg4[%add3A_25, %add3A, %select_n3A_509, %dma_wait3A_519] : memref<4x32x5x2000xf32, #tpu.memory_space<hbm>> -> memref<1x1x1x2000xf32, #tpu.memory_space<hbm>>
            %dma_wait3A_521 = tpu.memref_squeeze %dma_wait3A_520 : memref<1x1x1x2000xf32, #tpu.memory_space<hbm>> -> memref<2000xf32, #tpu.memory_space<hbm>>
            tpu.wait_dma2 semaphore(%run_scoped3A : memref<!tpu.dma_semaphore, #tpu.memory_space<semaphore_mem>>) src(%dma_wait3A_521 : memref<2000xf32, #tpu.memory_space<hbm>>) dst(%arg9 : memref<2000xf32, #tpu.memory_space<vmem>>)
            tpu.yield
          }) : () -> ()
        } else {
        }
        %jit3A_389 = arith.constant 50 : i32
        %eq3A_390 = arith.constant 0 : i32
        %eq3A_391 = arith.cmpi eq, %jit3A_389, %eq3A_390 : i32
        %jit3A_392 = arith.constant 1 : i32
        %select_n3A_393 = arith.select %eq3A_391, %jit3A_392, %jit3A_389 : i32
        %rem3A_394 = arith.remsi %add3A_337, %select_n3A_393 : i32
        %ne3A_395 = arith.constant 0 : i32
        %ne3A_396 = arith.cmpi ne, %rem3A_394, %ne3A_395 : i32
        %lt3A_397 = arith.constant 0 : i32
        %lt3A_398 = arith.cmpi slt, %rem3A_394, %lt3A_397 : i32
        %lt3A_399 = arith.constant 0 : i32
        %lt3A_400 = arith.cmpi slt, %select_n3A_393, %lt3A_399 : i32
        %ne3A_401 = arith.xori %lt3A_398, %lt3A_400 : i1
        %and3A_402 = arith.andi %ne3A_401, %ne3A_396 : i1
        %add3A_403 = arith.addi %rem3A_394, %select_n3A_393 : i32
        %select_n3A_404 = arith.select %and3A_402, %add3A_403, %rem3A_394 : i32
        %mul3A_405 = arith.constant 40 : i32
        %mul3A_406 = arith.muli %select_n3A_404, %mul3A_405 : i32
        %scan3A_407 = arith.constant 0 : i32
        %scan3A_408 = arith.constant 40 : i32
        %scan3A_409 = arith.addi %scan3A_407, %scan3A_408 : i32
        %scan3A_410 = arith.constant 1 : i32
        scf.for %scan3A_465 = %scan3A_407 to %scan3A_409 step %scan3A_410  : i32 {
          %mul3A_466 = arith.constant 1 : i32
          %mul3A_467 = arith.muli %scan3A_465, %mul3A_466 : i32
          %add3A_468 = arith.constant 0 : i32
          %add3A_469 = arith.addi %add3A_468, %mul3A_467 : i32
          %add3A_470 = arith.addi %mul3A_406, %add3A_469 : i32
          %broadcast_in_dim3A_471 = vector.broadcast %add3A_470 : i32 to vector<16xi32>
          %gather3A = tpu.vector_load_idx %arg9[%broadcast_in_dim3A_471] : memref<2000xf32, #tpu.memory_space<vmem>>[vector<16xi32>], vector<16xf32>,
          %get3A = arith.index_cast %add3A_469 : i32 to index
          %get3A_472 = arith.constant 0 : index
          %get3A_473 = tpu.vector_load %arg12[%get3A, %get3A_472] {strides = array<i32>} : memref<40x128xf32, #tpu.memory_space<vmem>>, vector<16xf32>,
          %mul3A_474 = arith.mulf %get3A_473, %gather3A : vector<16xf32>
          %swap3A = arith.index_cast %add3A_469 : i32 to index
          %swap3A_475 = arith.constant 0 : index
          %swap3A_476 = tpu.vector_load %arg12[%swap3A, %swap3A_475] {strides = array<i32>} : memref<40x128xf32, #tpu.memory_space<vmem>>, vector<16xf32>,
          tpu.vector_store %arg12[%swap3A, %swap3A_475], %mul3A_474 {strides = array<i32>} : memref<40x128xf32, #tpu.memory_space<vmem>>, vector<16xf32>,
          %get3A_477 = arith.index_cast %add3A_469 : i32 to index
          %get3A_478 = arith.constant 16 : index
          %get3A_479 = tpu.vector_load %arg12[%get3A_477, %get3A_478] {strides = array<i32>} : memref<40x128xf32, #tpu.memory_space<vmem>>, vector<16xf32>,
          %mul3A_480 = arith.mulf %get3A_479, %gather3A : vector<16xf32>
          %swap3A_481 = arith.index_cast %add3A_469 : i32 to index
          %swap3A_482 = arith.constant 16 : index
          %swap3A_483 = tpu.vector_load %arg12[%swap3A_481, %swap3A_482] {strides = array<i32>} : memref<40x128xf32, #tpu.memory_space<vmem>>, vector<16xf32>,
          tpu.vector_store %arg12[%swap3A_481, %swap3A_482], %mul3A_480 {strides = array<i32>} : memref<40x128xf32, #tpu.memory_space<vmem>>, vector<16xf32>,
          %get3A_484 = arith.index_cast %add3A_469 : i32 to index
          %get3A_485 = arith.constant 32 : index
          %get3A_486 = tpu.vector_load %arg12[%get3A_484, %get3A_485] {strides = array<i32>} : memref<40x128xf32, #tpu.memory_space<vmem>>, vector<16xf32>,
          %mul3A_487 = arith.mulf %get3A_486, %gather3A : vector<16xf32>
          %swap3A_488 = arith.index_cast %add3A_469 : i32 to index
          %swap3A_489 = arith.constant 32 : index
          %swap3A_490 = tpu.vector_load %arg12[%swap3A_488, %swap3A_489] {strides = array<i32>} : memref<40x128xf32, #tpu.memory_space<vmem>>, vector<16xf32>,
          tpu.vector_store %arg12[%swap3A_488, %swap3A_489], %mul3A_487 {strides = array<i32>} : memref<40x128xf32, #tpu.memory_space<vmem>>, vector<16xf32>,
          %get3A_491 = arith.index_cast %add3A_469 : i32 to index
          %get3A_492 = arith.constant 48 : index
          %get3A_493 = tpu.vector_load %arg12[%get3A_491, %get3A_492] {strides = array<i32>} : memref<40x128xf32, #tpu.memory_space<vmem>>, vector<16xf32>,
          %mul3A_494 = arith.mulf %get3A_493, %gather3A : vector<16xf32>
          %swap3A_495 = arith.index_cast %add3A_469 : i32 to index
          %swap3A_496 = arith.constant 48 : index
          %swap3A_497 = tpu.vector_load %arg12[%swap3A_495, %swap3A_496] {strides = array<i32>} : memref<40x128xf32, #tpu.memory_space<vmem>>, vector<16xf32>,
          tpu.vector_store %arg12[%swap3A_495, %swap3A_496], %mul3A_494 {strides = array<i32>} : memref<40x128xf32, #tpu.memory_space<vmem>>, vector<16xf32>,
          %get3A_498 = arith.index_cast %add3A_469 : i32 to index
          %get3A_499 = arith.constant 64 : index
          %get3A_500 = tpu.vector_load %arg12[%get3A_498, %get3A_499] {strides = array<i32>} : memref<40x128xf32, #tpu.memory_space<vmem>>, vector<16xf32>,
          %mul3A_501 = arith.mulf %get3A_500, %gather3A : vector<16xf32>
          %swap3A_502 = arith.index_cast %add3A_469 : i32 to index
          %swap3A_503 = arith.constant 64 : index
          %swap3A_504 = tpu.vector_load %arg12[%swap3A_502, %swap3A_503] {strides = array<i32>} : memref<40x128xf32, #tpu.memory_space<vmem>>, vector<16xf32>,
          tpu.vector_store %arg12[%swap3A_502, %swap3A_503], %mul3A_501 {strides = array<i32>} : memref<40x128xf32, #tpu.memory_space<vmem>>, vector<16xf32>,
          %get3A_505 = arith.index_cast %add3A_469 : i32 to index
          %get3A_506 = arith.constant 80 : index
          %get3A_507 = tpu.vector_load %arg12[%get3A_505, %get3A_506] {strides = array<i32>} : memref<40x128xf32, #tpu.memory_space<vmem>>, vector<16xf32>,
          %mul3A_508 = arith.mulf %get3A_507, %gather3A : vector<16xf32>
          %swap3A_509 = arith.index_cast %add3A_469 : i32 to index
          %swap3A_510 = arith.constant 80 : index
          %swap3A_511 = tpu.vector_load %arg12[%swap3A_509, %swap3A_510] {strides = array<i32>} : memref<40x128xf32, #tpu.memory_space<vmem>>, vector<16xf32>,
          tpu.vector_store %arg12[%swap3A_509, %swap3A_510], %mul3A_508 {strides = array<i32>} : memref<40x128xf32, #tpu.memory_space<vmem>>, vector<16xf32>,
          %get3A_512 = arith.index_cast %add3A_469 : i32 to index
          %get3A_513 = arith.constant 96 : index
          %get3A_514 = tpu.vector_load %arg12[%get3A_512, %get3A_513] {strides = array<i32>} : memref<40x128xf32, #tpu.memory_space<vmem>>, vector<16xf32>,
          %mul3A_515 = arith.mulf %get3A_514, %gather3A : vector<16xf32>
          %swap3A_516 = arith.index_cast %add3A_469 : i32 to index
          %swap3A_517 = arith.constant 96 : index
          %swap3A_518 = tpu.vector_load %arg12[%swap3A_516, %swap3A_517] {strides = array<i32>} : memref<40x128xf32, #tpu.memory_space<vmem>>, vector<16xf32>,
          tpu.vector_store %arg12[%swap3A_516, %swap3A_517], %mul3A_515 {strides = array<i32>} : memref<40x128xf32, #tpu.memory_space<vmem>>, vector<16xf32>,
          %get3A_519 = arith.index_cast %add3A_469 : i32 to index
          %get3A_520 = arith.constant 112 : index
          %get3A_521 = tpu.vector_load %arg12[%get3A_519, %get3A_520] {strides = array<i32>} : memref<40x128xf32, #tpu.memory_space<vmem>>, vector<16xf32>,
          %mul3A_522 = arith.mulf %get3A_521, %gather3A : vector<16xf32>
          %swap3A_523 = arith.index_cast %add3A_469 : i32 to index
          %swap3A_524 = arith.constant 112 : index
          %swap3A_525 = tpu.vector_load %arg12[%swap3A_523, %swap3A_524] {strides = array<i32>} : memref<40x128xf32, #tpu.memory_space<vmem>>, vector<16xf32>,
          tpu.vector_store %arg12[%swap3A_523, %swap3A_524], %mul3A_522 {strides = array<i32>} : memref<40x128xf32, #tpu.memory_space<vmem>>, vector<16xf32>,
        }
        %scan3A_411 = arith.constant 40 : i32
        %jit3A_412 = arith.constant 50 : i32
        %eq3A_413 = arith.constant 0 : i32
        %eq3A_414 = arith.cmpi eq, %jit3A_412, %eq3A_413 : i32
        %jit3A_415 = arith.constant 1 : i32
        %select_n3A_416 = arith.select %eq3A_414, %jit3A_415, %jit3A_412 : i32
        %rem3A_417 = arith.remsi %add3A_337, %select_n3A_416 : i32
        %ne3A_418 = arith.constant 0 : i32
        %ne3A_419 = arith.cmpi ne, %rem3A_417, %ne3A_418 : i32
        %lt3A_420 = arith.constant 0 : i32
        %lt3A_421 = arith.cmpi slt, %rem3A_417, %lt3A_420 : i32
        %lt3A_422 = arith.constant 0 : i32
        %lt3A_423 = arith.cmpi slt, %select_n3A_416, %lt3A_422 : i32
        %ne3A_424 = arith.xori %lt3A_421, %lt3A_423 : i1
        %and3A_425 = arith.andi %ne3A_424, %ne3A_419 : i1
        %add3A_426 = arith.addi %rem3A_417, %select_n3A_416 : i32
        %select_n3A_427 = arith.select %and3A_425, %add3A_426, %rem3A_417 : i32
        %dma_start3A_428 = arith.constant 0 : i32
        %dma_start3A_429 = tpu.memref_slice %arg8[%select_n3A_427, %dma_start3A_428] : memref<50x40xi32, #tpu.memory_space<vmem>> -> memref<1x40xi32, #tpu.memory_space<vmem>>
        %dma_start3A_430 = tpu.memref_squeeze %dma_start3A_429 : memref<1x40xi32, #tpu.memory_space<vmem>> -> memref<40xi32, #tpu.memory_space<vmem>>
        %dma_start3A_431 = arith.constant 0 : i32
        %dma_start3A_432 = arith.constant 0 : i32
        %dma_start3A_433 = tpu.memref_slice %arg14[%dma_start3A_431, %dma_start3A_432] : memref<10240x128xf32, #tpu.memory_space<vmem_shared>> -> memref<10240x128xf32, #tpu.memory_space<vmem_shared>>
        tpu.enqueue_indirect_dma source(%arg12 : memref<40x128xf32, #tpu.memory_space<vmem>>) target(%dma_start3A_433 : memref<10240x128xf32, #tpu.memory_space<vmem_shared>>) offsets(%dma_start3A_430 : memref<40xi32, #tpu.memory_space<vmem>>) semaphore(%arg20 : memref<!tpu.dma_semaphore, #tpu.memory_space<semaphore_mem>>) {add = true}
        %jit3A_434 = arith.constant 50 : i32
        %eq3A_435 = arith.constant 0 : i32
        %eq3A_436 = arith.cmpi eq, %jit3A_434, %eq3A_435 : i32
        %jit3A_437 = arith.constant 1 : i32
        %select_n3A_438 = arith.select %eq3A_436, %jit3A_437, %jit3A_434 : i32
        %rem3A_439 = arith.remsi %add3A_337, %select_n3A_438 : i32
        %ne3A_440 = arith.constant 0 : i32
        %ne3A_441 = arith.cmpi ne, %rem3A_439, %ne3A_440 : i32
        %lt3A_442 = arith.constant 0 : i32
        %lt3A_443 = arith.cmpi slt, %rem3A_439, %lt3A_442 : i32
        %lt3A_444 = arith.constant 0 : i32
        %lt3A_445 = arith.cmpi slt, %select_n3A_438, %lt3A_444 : i32
        %ne3A_446 = arith.xori %lt3A_443, %lt3A_445 : i1
        %and3A_447 = arith.andi %ne3A_446, %ne3A_441 : i1
        %add3A_448 = arith.addi %rem3A_439, %select_n3A_438 : i32
        %select_n3A_449 = arith.select %and3A_447, %add3A_448, %rem3A_439 : i32
        %ne3A_450 = arith.constant 0 : i32
        %ne3A_451 = arith.cmpi ne, %select_n3A_449, %ne3A_450 : i32
        %ge3A_452 = arith.constant 1 : i32
        %ge3A_453 = arith.cmpi sge, %add3A_337, %ge3A_452 : i32
        %and3A_454 = arith.andi %ne3A_451, %ge3A_453 : i1
        %convert_element_type3A_455 = arith.extui %and3A_454 : i1 to i32
        %cond3A_456 = arith.constant 0 : i32
        %cond3A_457 = arith.cmpi ne, %convert_element_type3A_455, %cond3A_456 : i32
        scf.if %cond3A_457 {
          %sub3A = arith.constant 1 : i32
          %sub3A_465 = arith.subi %add3A_337, %sub3A : i32
          %jit3A_466 = arith.constant 50 : i32
          %eq3A_467 = arith.constant 0 : i32
          %eq3A_468 = arith.cmpi eq, %jit3A_466, %eq3A_467 : i32
          %jit3A_469 = arith.constant 1 : i32
          %select_n3A_470 = arith.select %eq3A_468, %jit3A_469, %jit3A_466 : i32
          %rem3A_471 = arith.remsi %sub3A_465, %select_n3A_470 : i32
          %ne3A_472 = arith.constant 0 : i32
          %ne3A_473 = arith.cmpi ne, %rem3A_471, %ne3A_472 : i32
          %lt3A_474 = arith.constant 0 : i32
          %lt3A_475 = arith.cmpi slt, %rem3A_471, %lt3A_474 : i32
          %lt3A_476 = arith.constant 0 : i32
          %lt3A_477 = arith.cmpi slt, %select_n3A_470, %lt3A_476 : i32
          %ne3A_478 = arith.xori %lt3A_475, %lt3A_477 : i1
          %and3A_479 = arith.andi %ne3A_478, %ne3A_473 : i1
          %add3A_480 = arith.addi %rem3A_471, %select_n3A_470 : i32
          %select_n3A_481 = arith.select %and3A_479, %add3A_480, %rem3A_471 : i32
          %dma_wait3A_482 = arith.constant 0 : i32
          %dma_wait3A_483 = tpu.memref_slice %arg8[%select_n3A_481, %dma_wait3A_482] : memref<50x40xi32, #tpu.memory_space<vmem>> -> memref<1x40xi32, #tpu.memory_space<vmem>>
          %dma_wait3A_484 = tpu.memref_squeeze %dma_wait3A_483 : memref<1x40xi32, #tpu.memory_space<vmem>> -> memref<40xi32, #tpu.memory_space<vmem>>
          %dma_wait3A_485 = arith.constant 0 : i32
          %dma_wait3A_486 = arith.constant 0 : i32
          %dma_wait3A_487 = tpu.memref_slice %arg14[%dma_wait3A_485, %dma_wait3A_486] : memref<10240x128xf32, #tpu.memory_space<vmem_shared>> -> memref<10240x128xf32, #tpu.memory_space<vmem_shared>>
          tpu.wait_indirect_dma semaphore(%arg19 : memref<!tpu.dma_semaphore, #tpu.memory_space<semaphore_mem>>) src(%arg11 : memref<40x128xf32, #tpu.memory_space<vmem>>) dst(%dma_wait3A_487 : memref<10240x128xf32, #tpu.memory_space<vmem_shared>>)
        } else {
        }
        %add3A_458 = arith.constant 2 : i32
        %add3A_459 = arith.addi %add3A_337, %add3A_458 : i32
        %lt3A_460 = arith.constant 250 : i32
        %lt3A_461 = arith.cmpi slt, %add3A_459, %lt3A_460 : i32
        %convert_element_type3A_462 = arith.extui %lt3A_461 : i1 to i32
        %cond3A_463 = arith.constant 0 : i32
        %cond3A_464 = arith.cmpi ne, %convert_element_type3A_462, %cond3A_463 : i32
        scf.if %cond3A_464 {
          %add3A_465 = arith.constant 2 : i32
          %add3A_466 = arith.addi %add3A_337, %add3A_465 : i32
          %mul3A_467 = arith.constant 40 : i32
          %mul3A_468 = arith.muli %add3A_466, %mul3A_467 : i32
          %dma_start3A_469 = tpu.memref_slice %arg7[%mul3A_468] : memref<10000xi32, #tpu.memory_space<vmem>> -> memref<40xi32, #tpu.memory_space<vmem>>
          %dma_start3A_470 = arith.constant 0 : i32
          %dma_start3A_471 = arith.constant 0 : i32
          %dma_start3A_472 = tpu.memref_slice %arg5[%dma_start3A_470, %dma_start3A_471] : memref<40960x128xf32, #tpu.memory_space<hbm>> -> memref<40960x128xf32, #tpu.memory_space<hbm>>
          tpu.enqueue_indirect_dma source(%dma_start3A_472 : memref<40960x128xf32, #tpu.memory_space<hbm>>) target(%arg11 : memref<40x128xf32, #tpu.memory_space<vmem>>) offsets(%dma_start3A_469 : memref<40xi32, #tpu.memory_space<vmem>>) semaphore(%arg16 : memref<!tpu.dma_semaphore, #tpu.memory_space<semaphore_mem>>)
        } else {
        }
      }
      %scan3A_39 = arith.constant 83 : i32
      %dma_wait3A = arith.constant 9960 : i32
      %dma_wait3A_40 = tpu.memref_slice %arg7[%dma_wait3A] : memref<10000xi32, #tpu.memory_space<vmem>> -> memref<40xi32, #tpu.memory_space<vmem>>
      %dma_wait3A_41 = arith.constant 0 : i32
      %dma_wait3A_42 = arith.constant 0 : i32
      %dma_wait3A_43 = tpu.memref_slice %arg5[%dma_wait3A_41, %dma_wait3A_42] : memref<40960x128xf32, #tpu.memory_space<hbm>> -> memref<40960x128xf32, #tpu.memory_space<hbm>>
      tpu.wait_indirect_dma semaphore(%arg15 : memref<!tpu.dma_semaphore, #tpu.memory_space<semaphore_mem>>) src(%dma_wait3A_43 : memref<40960x128xf32, #tpu.memory_space<hbm>>) dst(%arg10 : memref<40x128xf32, #tpu.memory_space<vmem>>)
      %scan3A_44 = arith.constant 0 : i32
      %scan3A_45 = arith.constant 40 : i32
      %scan3A_46 = arith.addi %scan3A_44, %scan3A_45 : i32
      %scan3A_47 = arith.constant 1 : i32
      scf.for %scan3A_80 = %scan3A_44 to %scan3A_46 step %scan3A_47  : i32 {
        %mul3A_81 = arith.constant 1 : i32
        %mul3A_82 = arith.muli %scan3A_80, %mul3A_81 : i32
        %add3A_83 = arith.constant 0 : i32
        %add3A_84 = arith.addi %add3A_83, %mul3A_82 : i32
        %add3A_85 = arith.constant 1960 : i32
        %add3A_86 = arith.addi %add3A_85, %add3A_84 : i32
        %broadcast_in_dim3A_87 = vector.broadcast %add3A_86 : i32 to vector<16xi32>
        %gather3A = tpu.vector_load_idx %arg9[%broadcast_in_dim3A_87] : memref<2000xf32, #tpu.memory_space<vmem>>[vector<16xi32>], vector<16xf32>,
        %get3A = arith.index_cast %add3A_84 : i32 to index
        %get3A_88 = arith.constant 0 : index
        %get3A_89 = tpu.vector_load %arg10[%get3A, %get3A_88] {strides = array<i32>} : memref<40x128xf32, #tpu.memory_space<vmem>>, vector<16xf32>,
        %mul3A_90 = arith.mulf %get3A_89, %gather3A : vector<16xf32>
        %swap3A = arith.index_cast %add3A_84 : i32 to index
        %swap3A_91 = arith.constant 0 : index
        %swap3A_92 = tpu.vector_load %arg10[%swap3A, %swap3A_91] {strides = array<i32>} : memref<40x128xf32, #tpu.memory_space<vmem>>, vector<16xf32>,
        tpu.vector_store %arg10[%swap3A, %swap3A_91], %mul3A_90 {strides = array<i32>} : memref<40x128xf32, #tpu.memory_space<vmem>>, vector<16xf32>,
        %get3A_93 = arith.index_cast %add3A_84 : i32 to index
        %get3A_94 = arith.constant 16 : index
        %get3A_95 = tpu.vector_load %arg10[%get3A_93, %get3A_94] {strides = array<i32>} : memref<40x128xf32, #tpu.memory_space<vmem>>, vector<16xf32>,
        %mul3A_96 = arith.mulf %get3A_95, %gather3A : vector<16xf32>
        %swap3A_97 = arith.index_cast %add3A_84 : i32 to index
        %swap3A_98 = arith.constant 16 : index
        %swap3A_99 = tpu.vector_load %arg10[%swap3A_97, %swap3A_98] {strides = array<i32>} : memref<40x128xf32, #tpu.memory_space<vmem>>, vector<16xf32>,
        tpu.vector_store %arg10[%swap3A_97, %swap3A_98], %mul3A_96 {strides = array<i32>} : memref<40x128xf32, #tpu.memory_space<vmem>>, vector<16xf32>,
        %get3A_100 = arith.index_cast %add3A_84 : i32 to index
        %get3A_101 = arith.constant 32 : index
        %get3A_102 = tpu.vector_load %arg10[%get3A_100, %get3A_101] {strides = array<i32>} : memref<40x128xf32, #tpu.memory_space<vmem>>, vector<16xf32>,
        %mul3A_103 = arith.mulf %get3A_102, %gather3A : vector<16xf32>
        %swap3A_104 = arith.index_cast %add3A_84 : i32 to index
        %swap3A_105 = arith.constant 32 : index
        %swap3A_106 = tpu.vector_load %arg10[%swap3A_104, %swap3A_105] {strides = array<i32>} : memref<40x128xf32, #tpu.memory_space<vmem>>, vector<16xf32>,
        tpu.vector_store %arg10[%swap3A_104, %swap3A_105], %mul3A_103 {strides = array<i32>} : memref<40x128xf32, #tpu.memory_space<vmem>>, vector<16xf32>,
        %get3A_107 = arith.index_cast %add3A_84 : i32 to index
        %get3A_108 = arith.constant 48 : index
        %get3A_109 = tpu.vector_load %arg10[%get3A_107, %get3A_108] {strides = array<i32>} : memref<40x128xf32, #tpu.memory_space<vmem>>, vector<16xf32>,
        %mul3A_110 = arith.mulf %get3A_109, %gather3A : vector<16xf32>
        %swap3A_111 = arith.index_cast %add3A_84 : i32 to index
        %swap3A_112 = arith.constant 48 : index
        %swap3A_113 = tpu.vector_load %arg10[%swap3A_111, %swap3A_112] {strides = array<i32>} : memref<40x128xf32, #tpu.memory_space<vmem>>, vector<16xf32>,
        tpu.vector_store %arg10[%swap3A_111, %swap3A_112], %mul3A_110 {strides = array<i32>} : memref<40x128xf32, #tpu.memory_space<vmem>>, vector<16xf32>,
        %get3A_114 = arith.index_cast %add3A_84 : i32 to index
        %get3A_115 = arith.constant 64 : index
        %get3A_116 = tpu.vector_load %arg10[%get3A_114, %get3A_115] {strides = array<i32>} : memref<40x128xf32, #tpu.memory_space<vmem>>, vector<16xf32>,
        %mul3A_117 = arith.mulf %get3A_116, %gather3A : vector<16xf32>
        %swap3A_118 = arith.index_cast %add3A_84 : i32 to index
        %swap3A_119 = arith.constant 64 : index
        %swap3A_120 = tpu.vector_load %arg10[%swap3A_118, %swap3A_119] {strides = array<i32>} : memref<40x128xf32, #tpu.memory_space<vmem>>, vector<16xf32>,
        tpu.vector_store %arg10[%swap3A_118, %swap3A_119], %mul3A_117 {strides = array<i32>} : memref<40x128xf32, #tpu.memory_space<vmem>>, vector<16xf32>,
        %get3A_121 = arith.index_cast %add3A_84 : i32 to index
        %get3A_122 = arith.constant 80 : index
        %get3A_123 = tpu.vector_load %arg10[%get3A_121, %get3A_122] {strides = array<i32>} : memref<40x128xf32, #tpu.memory_space<vmem>>, vector<16xf32>,
        %mul3A_124 = arith.mulf %get3A_123, %gather3A : vector<16xf32>
        %swap3A_125 = arith.index_cast %add3A_84 : i32 to index
        %swap3A_126 = arith.constant 80 : index
        %swap3A_127 = tpu.vector_load %arg10[%swap3A_125, %swap3A_126] {strides = array<i32>} : memref<40x128xf32, #tpu.memory_space<vmem>>, vector<16xf32>,
        tpu.vector_store %arg10[%swap3A_125, %swap3A_126], %mul3A_124 {strides = array<i32>} : memref<40x128xf32, #tpu.memory_space<vmem>>, vector<16xf32>,
        %get3A_128 = arith.index_cast %add3A_84 : i32 to index
        %get3A_129 = arith.constant 96 : index
        %get3A_130 = tpu.vector_load %arg10[%get3A_128, %get3A_129] {strides = array<i32>} : memref<40x128xf32, #tpu.memory_space<vmem>>, vector<16xf32>,
        %mul3A_131 = arith.mulf %get3A_130, %gather3A : vector<16xf32>
        %swap3A_132 = arith.index_cast %add3A_84 : i32 to index
        %swap3A_133 = arith.constant 96 : index
        %swap3A_134 = tpu.vector_load %arg10[%swap3A_132, %swap3A_133] {strides = array<i32>} : memref<40x128xf32, #tpu.memory_space<vmem>>, vector<16xf32>,
        tpu.vector_store %arg10[%swap3A_132, %swap3A_133], %mul3A_131 {strides = array<i32>} : memref<40x128xf32, #tpu.memory_space<vmem>>, vector<16xf32>,
        %get3A_135 = arith.index_cast %add3A_84 : i32 to index
        %get3A_136 = arith.constant 112 : index
        %get3A_137 = tpu.vector_load %arg10[%get3A_135, %get3A_136] {strides = array<i32>} : memref<40x128xf32, #tpu.memory_space<vmem>>, vector<16xf32>,
        %mul3A_138 = arith.mulf %get3A_137, %gather3A : vector<16xf32>
        %swap3A_139 = arith.index_cast %add3A_84 : i32 to index
        %swap3A_140 = arith.constant 112 : index
        %swap3A_141 = tpu.vector_load %arg10[%swap3A_139, %swap3A_140] {strides = array<i32>} : memref<40x128xf32, #tpu.memory_space<vmem>>, vector<16xf32>,
        tpu.vector_store %arg10[%swap3A_139, %swap3A_140], %mul3A_138 {strides = array<i32>} : memref<40x128xf32, #tpu.memory_space<vmem>>, vector<16xf32>,
      }
      %scan3A_48 = arith.constant 40 : i32
      %dma_start3A_49 = arith.constant 49 : i32
      %dma_start3A_50 = arith.constant 0 : i32
      %dma_start3A_51 = tpu.memref_slice %arg8[%dma_start3A_49, %dma_start3A_50] : memref<50x40xi32, #tpu.memory_space<vmem>> -> memref<1x40xi32, #tpu.memory_space<vmem>>
      %dma_start3A_52 = tpu.memref_squeeze %dma_start3A_51 : memref<1x40xi32, #tpu.memory_space<vmem>> -> memref<40xi32, #tpu.memory_space<vmem>>
      %dma_start3A_53 = arith.constant 0 : i32
      %dma_start3A_54 = arith.constant 0 : i32
      %dma_start3A_55 = tpu.memref_slice %arg14[%dma_start3A_53, %dma_start3A_54] : memref<10240x128xf32, #tpu.memory_space<vmem_shared>> -> memref<10240x128xf32, #tpu.memory_space<vmem_shared>>
      tpu.enqueue_indirect_dma source(%arg10 : memref<40x128xf32, #tpu.memory_space<vmem>>) target(%dma_start3A_55 : memref<10240x128xf32, #tpu.memory_space<vmem_shared>>) offsets(%dma_start3A_52 : memref<40xi32, #tpu.memory_space<vmem>>) semaphore(%arg18 : memref<!tpu.dma_semaphore, #tpu.memory_space<semaphore_mem>>) {add = true}
      %dma_wait3A_56 = arith.constant 48 : i32
      %dma_wait3A_57 = arith.constant 0 : i32
      %dma_wait3A_58 = tpu.memref_slice %arg8[%dma_wait3A_56, %dma_wait3A_57] : memref<50x40xi32, #tpu.memory_space<vmem>> -> memref<1x40xi32, #tpu.memory_space<vmem>>
      %dma_wait3A_59 = tpu.memref_squeeze %dma_wait3A_58 : memref<1x40xi32, #tpu.memory_space<vmem>> -> memref<40xi32, #tpu.memory_space<vmem>>
      %dma_wait3A_60 = arith.constant 0 : i32
      %dma_wait3A_61 = arith.constant 0 : i32
      %dma_wait3A_62 = tpu.memref_slice %arg14[%dma_wait3A_60, %dma_wait3A_61] : memref<10240x128xf32, #tpu.memory_space<vmem_shared>> -> memref<10240x128xf32, #tpu.memory_space<vmem_shared>>
      tpu.wait_indirect_dma semaphore(%arg20 : memref<!tpu.dma_semaphore, #tpu.memory_space<semaphore_mem>>) src(%arg12 : memref<40x128xf32, #tpu.memory_space<vmem>>) dst(%dma_wait3A_62 : memref<10240x128xf32, #tpu.memory_space<vmem_shared>>)
      %dma_wait3A_63 = arith.constant 49 : i32
      %dma_wait3A_64 = arith.constant 0 : i32
      %dma_wait3A_65 = tpu.memref_slice %arg8[%dma_wait3A_63, %dma_wait3A_64] : memref<50x40xi32, #tpu.memory_space<vmem>> -> memref<1x40xi32, #tpu.memory_space<vmem>>
      %dma_wait3A_66 = tpu.memref_squeeze %dma_wait3A_65 : memref<1x40xi32, #tpu.memory_space<vmem>> -> memref<40xi32, #tpu.memory_space<vmem>>
      %dma_wait3A_67 = arith.constant 0 : i32
      %dma_wait3A_68 = arith.constant 0 : i32
      %dma_wait3A_69 = tpu.memref_slice %arg14[%dma_wait3A_67, %dma_wait3A_68] : memref<10240x128xf32, #tpu.memory_space<vmem_shared>> -> memref<10240x128xf32, #tpu.memory_space<vmem_shared>>
      tpu.wait_indirect_dma semaphore(%arg18 : memref<!tpu.dma_semaphore, #tpu.memory_space<semaphore_mem>>) src(%arg10 : memref<40x128xf32, #tpu.memory_space<vmem>>) dst(%dma_wait3A_69 : memref<10240x128xf32, #tpu.memory_space<vmem_shared>>)
      %barrier3A_70 = arith.constant 0 : index
      tpu.barrier barrier_id(%barrier3A_70)
      %mul3A_71 = arith.constant 640 : i32
      %mul3A_72 = arith.muli %arg1, %mul3A_71 : i32
      %mul3A_73 = arith.constant 640 : i32
      %mul3A_74 = arith.muli %arg1, %mul3A_73 : i32
      "tpu.region"() ({
        %run_scoped3A = tpu.sem_alloc : memref<!tpu.dma_semaphore, #tpu.memory_space<semaphore_mem>>
        %dma_start3A_80 = arith.constant 0 : i32
        %dma_start3A_81 = tpu.memref_slice %arg6[%arg0, %add3A_25, %mul3A_74, %dma_start3A_80] : memref<2x4x10240x128xf32, #tpu.memory_space<hbm>> -> memref<1x1x640x128xf32, #tpu.memory_space<hbm>>
        %dma_start3A_82 = tpu.memref_squeeze %dma_start3A_81 : memref<1x1x640x128xf32, #tpu.memory_space<hbm>> -> memref<640x128xf32, #tpu.memory_space<hbm>>
        %dma_start3A_83 = arith.constant 0 : i32
        %dma_start3A_84 = tpu.memref_slice %arg14[%mul3A_72, %dma_start3A_83] : memref<10240x128xf32, #tpu.memory_space<vmem_shared>> -> memref<640x128xf32, #tpu.memory_space<vmem_shared>>
        tpu.enqueue_dma source(%dma_start3A_84 : memref<640x128xf32, #tpu.memory_space<vmem_shared>>) target(%dma_start3A_82 : memref<640x128xf32, #tpu.memory_space<hbm>>) target_semaphore(%run_scoped3A : memref<!tpu.dma_semaphore, #tpu.memory_space<semaphore_mem>>)
        %dma_wait3A_85 = arith.constant 0 : i32
        %dma_wait3A_86 = tpu.memref_slice %arg6[%arg0, %add3A_25, %mul3A_74, %dma_wait3A_85] : memref<2x4x10240x128xf32, #tpu.memory_space<hbm>> -> memref<1x1x640x128xf32, #tpu.memory_space<hbm>>
        %dma_wait3A_87 = tpu.memref_squeeze %dma_wait3A_86 : memref<1x1x640x128xf32, #tpu.memory_space<hbm>> -> memref<640x128xf32, #tpu.memory_space<hbm>>
        %dma_wait3A_88 = arith.constant 0 : i32
        %dma_wait3A_89 = tpu.memref_slice %arg14[%mul3A_72, %dma_wait3A_88] : memref<10240x128xf32, #tpu.memory_space<vmem_shared>> -> memref<640x128xf32, #tpu.memory_space<vmem_shared>>
        tpu.wait_dma2 semaphore(%run_scoped3A : memref<!tpu.dma_semaphore, #tpu.memory_space<semaphore_mem>>) src(%dma_wait3A_89 : memref<640x128xf32, #tpu.memory_space<vmem_shared>>) dst(%dma_wait3A_87 : memref<640x128xf32, #tpu.memory_space<hbm>>)
        tpu.yield
      }) : () -> ()
      %add3A_75 = arith.constant 1 : i32
      %add3A_76 = arith.addi %add3A_25, %add3A_75 : i32
      %lt3A = arith.constant 4 : i32
      %lt3A_77 = arith.cmpi slt, %add3A_76, %lt3A : i32
      %convert_element_type3A = arith.extui %lt3A_77 : i1 to i32
      %cond3A = arith.constant 0 : i32
      %cond3A_78 = arith.cmpi ne, %convert_element_type3A, %cond3A : i32
      scf.if %cond3A_78 {
        %scan3A_80 = arith.constant 0 : i32
        %scan3A_81 = arith.constant 80 : i32
        %scan3A_82 = arith.addi %scan3A_80, %scan3A_81 : i32
        %scan3A_83 = arith.constant 1 : i32
        scf.for %scan3A_90 = %scan3A_80 to %scan3A_82 step %scan3A_83  : i32 {
          %mul3A_91 = arith.constant 1 : i32
          %mul3A_92 = arith.muli %scan3A_90, %mul3A_91 : i32
          %add3A_93 = arith.constant 0 : i32
          %add3A_94 = arith.addi %add3A_93, %mul3A_92 : i32
          %mul3A_95 = arith.constant 640 : i32
          %mul3A_96 = arith.muli %arg1, %mul3A_95 : i32
          %mul3A_97 = arith.constant 8 : i32
          %mul3A_98 = arith.muli %add3A_94, %mul3A_97 : i32
          %add3A_99 = arith.addi %mul3A_96, %mul3A_98 : i32
          %dma_start3A_100 = arith.constant 0 : i32
          %dma_start3A_101 = tpu.memref_slice %arg14[%add3A_99, %dma_start3A_100] : memref<10240x128xf32, #tpu.memory_space<vmem_shared>> -> memref<8x128xf32, #tpu.memory_space<vmem_shared>>
          %dma_start3A_102 = arith.constant 0 : i32
          %dma_start3A_103 = tpu.memref_slice %arg14[%add3A_99, %dma_start3A_102] : memref<10240x128xf32, #tpu.memory_space<vmem_shared>> -> memref<8x128xf32, #tpu.memory_space<vmem_shared>>
          tpu.enqueue_dma source(%arg13 : memref<8x128xf32, #tpu.memory_space<vmem>>) target(%dma_start3A_103 : memref<8x128xf32, #tpu.memory_space<vmem_shared>>) target_semaphore(%arg21 : memref<!tpu.dma_semaphore, #tpu.memory_space<semaphore_mem>>)
        }
        %scan3A_84 = arith.constant 80 : i32
        %scan3A_85 = arith.constant 0 : i32
        %scan3A_86 = arith.constant 80 : i32
        %scan3A_87 = arith.addi %scan3A_85, %scan3A_86 : i32
        %scan3A_88 = arith.constant 1 : i32
        scf.for %scan3A_90 = %scan3A_85 to %scan3A_87 step %scan3A_88  : i32 {
          %mul3A_91 = arith.constant 1 : i32
          %mul3A_92 = arith.muli %scan3A_90, %mul3A_91 : i32
          %add3A_93 = arith.constant 0 : i32
          %add3A_94 = arith.addi %add3A_93, %mul3A_92 : i32
          %mul3A_95 = arith.constant 640 : i32
          %mul3A_96 = arith.muli %arg1, %mul3A_95 : i32
          %mul3A_97 = arith.constant 8 : i32
          %mul3A_98 = arith.muli %add3A_94, %mul3A_97 : i32
          %add3A_99 = arith.addi %mul3A_96, %mul3A_98 : i32
          %dma_wait3A_100 = arith.constant 0 : i32
          %dma_wait3A_101 = tpu.memref_slice %arg14[%add3A_99, %dma_wait3A_100] : memref<10240x128xf32, #tpu.memory_space<vmem_shared>> -> memref<8x128xf32, #tpu.memory_space<vmem_shared>>
          %dma_wait3A_102 = arith.constant 0 : i32
          %dma_wait3A_103 = tpu.memref_slice %arg14[%add3A_99, %dma_wait3A_102] : memref<10240x128xf32, #tpu.memory_space<vmem_shared>> -> memref<8x128xf32, #tpu.memory_space<vmem_shared>>
          tpu.wait_dma2 semaphore(%arg21 : memref<!tpu.dma_semaphore, #tpu.memory_space<semaphore_mem>>) src(%arg13 : memref<8x128xf32, #tpu.memory_space<vmem>>) dst(%dma_wait3A_103 : memref<8x128xf32, #tpu.memory_space<vmem_shared>>)
        }
        %scan3A_89 = arith.constant 80 : i32
      } else {
      }
      %barrier3A_79 = arith.constant 0 : index
      tpu.barrier barrier_id(%barrier3A_79)
    }
    %scan3A_20 = arith.constant 4 : i32
    return
  }
}

#map = affine_map<(d0, d1) -> (0, 0, 0, 0, 0)>
#map1 = affine_map<(d0, d1) -> (0, 0, 0)>
module attributes {stable_mosaic.version = 14 : i64} {
  func.func @sc_deg(%arg0: i32, %arg1: i32, %arg2: memref<4x32x5x25x80xi32, #tpu.memory_space<hbm>>, %arg3: memref<4x32x5x25x80xf32, #tpu.memory_space<hbm>>, %arg4: memref<4x32x10240xf32, #tpu.memory_space<hbm>>, %arg5: memref<25x80xi32, #tpu.memory_space<vmem>>, %arg6: memref<25x80xf32, #tpu.memory_space<vmem>>, %arg7: memref<10240xf32, #tpu.memory_space<vmem>>) attributes {dimension_semantics = [#tpu.dimension_semantics<core_parallel>, #tpu.dimension_semantics<subcore_parallel>], iteration_bounds = array<i64: 2, 16>, scalar_prefetch = 0 : i64, scratch_operands = 3 : i64, tpu.core_type = #tpu.core_type<sc_vector_subcore>, window_params = [{transform_indices = #map}, {transform_indices = #map}, {transform_indices = #map1}]} {
    %mul3A = arith.constant 16 : i32
    %mul3A_0 = arith.muli %arg0, %mul3A : i32
    %add3A = arith.addi %mul3A_0, %arg1 : i32
    %broadcast_in_dim3A = arith.constant 0.000000e+00 : f32
    %broadcast_in_dim3A_1 = vector.broadcast %broadcast_in_dim3A : f32 to vector<16xf32>
    %scan3A = arith.constant 0 : i32
    %scan3A_2 = arith.constant 4 : i32
    %scan3A_3 = arith.addi %scan3A, %scan3A_2 : i32
    %scan3A_4 = arith.constant 1 : i32
    scf.for %scan3A_6 = %scan3A to %scan3A_3 step %scan3A_4  : i32 {
      %mul3A_7 = arith.constant 1 : i32
      %mul3A_8 = arith.muli %scan3A_6, %mul3A_7 : i32
      %add3A_9 = arith.constant 0 : i32
      %add3A_10 = arith.addi %add3A_9, %mul3A_8 : i32
      %scan3A_11 = arith.constant 0 : i32
      %scan3A_12 = arith.constant 640 : i32
      %scan3A_13 = arith.addi %scan3A_11, %scan3A_12 : i32
      %scan3A_14 = arith.constant 1 : i32
      scf.for %scan3A_21 = %scan3A_11 to %scan3A_13 step %scan3A_14  : i32 {
        %mul3A_22 = arith.constant 1 : i32
        %mul3A_23 = arith.muli %scan3A_21, %mul3A_22 : i32
        %add3A_24 = arith.constant 0 : i32
        %add3A_25 = arith.addi %add3A_24, %mul3A_23 : i32
        %mul3A_26 = arith.constant 16 : i32
        %mul3A_27 = arith.muli %add3A_25, %mul3A_26 : i32
        %swap3A = arith.index_cast %mul3A_27 : i32 to index
        %swap3A_28 = tpu.vector_load %arg7[%swap3A] {strides = array<i32>} : memref<10240xf32, #tpu.memory_space<vmem>>, vector<16xf32>,
        tpu.vector_store %arg7[%swap3A], %broadcast_in_dim3A_1 {strides = array<i32>} : memref<10240xf32, #tpu.memory_space<vmem>>, vector<16xf32>,
      }
      %scan3A_15 = arith.constant 640 : i32
      %scan3A_16 = arith.constant 0 : i32
      %scan3A_17 = arith.constant 5 : i32
      %scan3A_18 = arith.addi %scan3A_16, %scan3A_17 : i32
      %scan3A_19 = arith.constant 1 : i32
      scf.for %scan3A_21 = %scan3A_16 to %scan3A_18 step %scan3A_19  : i32 {
        %mul3A_22 = arith.constant 1 : i32
        %mul3A_23 = arith.muli %scan3A_21, %mul3A_22 : i32
        %add3A_24 = arith.constant 0 : i32
        %add3A_25 = arith.addi %add3A_24, %mul3A_23 : i32
        "tpu.region"() ({
          %run_scoped3A = tpu.sem_alloc : memref<!tpu.dma_semaphore, #tpu.memory_space<semaphore_mem>>
          %dma_start3A = arith.constant 0 : i32
          %dma_start3A_31 = arith.constant 0 : i32
          %dma_start3A_32 = tpu.memref_slice %arg2[%add3A_10, %add3A, %add3A_25, %dma_start3A, %dma_start3A_31] : memref<4x32x5x25x80xi32, #tpu.memory_space<hbm>> -> memref<1x1x1x25x80xi32, #tpu.memory_space<hbm>>
          %dma_start3A_33 = tpu.memref_squeeze %dma_start3A_32 : memref<1x1x1x25x80xi32, #tpu.memory_space<hbm>> -> memref<25x80xi32, #tpu.memory_space<hbm>>
          %dma_start3A_34 = arith.constant 0 : i32
          %dma_start3A_35 = arith.constant 0 : i32
          %dma_start3A_36 = tpu.memref_slice %arg2[%add3A_10, %add3A, %add3A_25, %dma_start3A_34, %dma_start3A_35] : memref<4x32x5x25x80xi32, #tpu.memory_space<hbm>> -> memref<1x1x1x25x80xi32, #tpu.memory_space<hbm>>
          %dma_start3A_37 = tpu.memref_squeeze %dma_start3A_36 : memref<1x1x1x25x80xi32, #tpu.memory_space<hbm>> -> memref<25x80xi32, #tpu.memory_space<hbm>>
          tpu.enqueue_dma source(%dma_start3A_37 : memref<25x80xi32, #tpu.memory_space<hbm>>) target(%arg5 : memref<25x80xi32, #tpu.memory_space<vmem>>) target_semaphore(%run_scoped3A : memref<!tpu.dma_semaphore, #tpu.memory_space<semaphore_mem>>)
          %dma_wait3A = arith.constant 0 : i32
          %dma_wait3A_38 = arith.constant 0 : i32
          %dma_wait3A_39 = tpu.memref_slice %arg2[%add3A_10, %add3A, %add3A_25, %dma_wait3A, %dma_wait3A_38] : memref<4x32x5x25x80xi32, #tpu.memory_space<hbm>> -> memref<1x1x1x25x80xi32, #tpu.memory_space<hbm>>
          %dma_wait3A_40 = tpu.memref_squeeze %dma_wait3A_39 : memref<1x1x1x25x80xi32, #tpu.memory_space<hbm>> -> memref<25x80xi32, #tpu.memory_space<hbm>>
          %dma_wait3A_41 = arith.constant 0 : i32
          %dma_wait3A_42 = arith.constant 0 : i32
          %dma_wait3A_43 = tpu.memref_slice %arg2[%add3A_10, %add3A, %add3A_25, %dma_wait3A_41, %dma_wait3A_42] : memref<4x32x5x25x80xi32, #tpu.memory_space<hbm>> -> memref<1x1x1x25x80xi32, #tpu.memory_space<hbm>>
          %dma_wait3A_44 = tpu.memref_squeeze %dma_wait3A_43 : memref<1x1x1x25x80xi32, #tpu.memory_space<hbm>> -> memref<25x80xi32, #tpu.memory_space<hbm>>
          tpu.wait_dma2 semaphore(%run_scoped3A : memref<!tpu.dma_semaphore, #tpu.memory_space<semaphore_mem>>) src(%dma_wait3A_44 : memref<25x80xi32, #tpu.memory_space<hbm>>) dst(%arg5 : memref<25x80xi32, #tpu.memory_space<vmem>>)
          tpu.yield
        }) : () -> ()
        "tpu.region"() ({
          %run_scoped3A = tpu.sem_alloc : memref<!tpu.dma_semaphore, #tpu.memory_space<semaphore_mem>>
          %dma_start3A = arith.constant 0 : i32
          %dma_start3A_31 = arith.constant 0 : i32
          %dma_start3A_32 = tpu.memref_slice %arg3[%add3A_10, %add3A, %add3A_25, %dma_start3A, %dma_start3A_31] : memref<4x32x5x25x80xf32, #tpu.memory_space<hbm>> -> memref<1x1x1x25x80xf32, #tpu.memory_space<hbm>>
          %dma_start3A_33 = tpu.memref_squeeze %dma_start3A_32 : memref<1x1x1x25x80xf32, #tpu.memory_space<hbm>> -> memref<25x80xf32, #tpu.memory_space<hbm>>
          %dma_start3A_34 = arith.constant 0 : i32
          %dma_start3A_35 = arith.constant 0 : i32
          %dma_start3A_36 = tpu.memref_slice %arg3[%add3A_10, %add3A, %add3A_25, %dma_start3A_34, %dma_start3A_35] : memref<4x32x5x25x80xf32, #tpu.memory_space<hbm>> -> memref<1x1x1x25x80xf32, #tpu.memory_space<hbm>>
          %dma_start3A_37 = tpu.memref_squeeze %dma_start3A_36 : memref<1x1x1x25x80xf32, #tpu.memory_space<hbm>> -> memref<25x80xf32, #tpu.memory_space<hbm>>
          tpu.enqueue_dma source(%dma_start3A_37 : memref<25x80xf32, #tpu.memory_space<hbm>>) target(%arg6 : memref<25x80xf32, #tpu.memory_space<vmem>>) target_semaphore(%run_scoped3A : memref<!tpu.dma_semaphore, #tpu.memory_space<semaphore_mem>>)
          %dma_wait3A = arith.constant 0 : i32
          %dma_wait3A_38 = arith.constant 0 : i32
          %dma_wait3A_39 = tpu.memref_slice %arg3[%add3A_10, %add3A, %add3A_25, %dma_wait3A, %dma_wait3A_38] : memref<4x32x5x25x80xf32, #tpu.memory_space<hbm>> -> memref<1x1x1x25x80xf32, #tpu.memory_space<hbm>>
          %dma_wait3A_40 = tpu.memref_squeeze %dma_wait3A_39 : memref<1x1x1x25x80xf32, #tpu.memory_space<hbm>> -> memref<25x80xf32, #tpu.memory_space<hbm>>
          %dma_wait3A_41 = arith.constant 0 : i32
          %dma_wait3A_42 = arith.constant 0 : i32
          %dma_wait3A_43 = tpu.memref_slice %arg3[%add3A_10, %add3A, %add3A_25, %dma_wait3A_41, %dma_wait3A_42] : memref<4x32x5x25x80xf32, #tpu.memory_space<hbm>> -> memref<1x1x1x25x80xf32, #tpu.memory_space<hbm>>
          %dma_wait3A_44 = tpu.memref_squeeze %dma_wait3A_43 : memref<1x1x1x25x80xf32, #tpu.memory_space<hbm>> -> memref<25x80xf32, #tpu.memory_space<hbm>>
          tpu.wait_dma2 semaphore(%run_scoped3A : memref<!tpu.dma_semaphore, #tpu.memory_space<semaphore_mem>>) src(%dma_wait3A_44 : memref<25x80xf32, #tpu.memory_space<hbm>>) dst(%arg6 : memref<25x80xf32, #tpu.memory_space<vmem>>)
          tpu.yield
        }) : () -> ()
        %scan3A_26 = arith.constant 0 : i32
        %scan3A_27 = arith.constant 25 : i32
        %scan3A_28 = arith.addi %scan3A_26, %scan3A_27 : i32
        %scan3A_29 = arith.constant 1 : i32
        scf.for %scan3A_31 = %scan3A_26 to %scan3A_28 step %scan3A_29  : i32 {
          %mul3A_32 = arith.constant 1 : i32
          %mul3A_33 = arith.muli %scan3A_31, %mul3A_32 : i32
          %add3A_34 = arith.constant 0 : i32
          %add3A_35 = arith.addi %add3A_34, %mul3A_33 : i32
          %get3A = arith.index_cast %add3A_35 : i32 to index
          %get3A_36 = arith.constant 0 : index
          %get3A_37 = tpu.vector_load %arg5[%get3A, %get3A_36] {strides = array<i32>} : memref<25x80xi32, #tpu.memory_space<vmem>>, vector<16xi32>,
          %get3A_38 = arith.index_cast %add3A_35 : i32 to index
          %get3A_39 = arith.constant 0 : index
          %get3A_40 = tpu.vector_load %arg6[%get3A_38, %get3A_39] {strides = array<i32>} : memref<25x80xf32, #tpu.memory_space<vmem>>, vector<16xf32>,
          tpu.vector_store_idx %arg7[%get3A_37], %get3A_40 {add = true} : memref<10240xf32, #tpu.memory_space<vmem>>[vector<16xi32>], vector<16xf32>,
          %get3A_41 = arith.index_cast %add3A_35 : i32 to index
          %get3A_42 = arith.constant 16 : index
          %get3A_43 = tpu.vector_load %arg5[%get3A_41, %get3A_42] {strides = array<i32>} : memref<25x80xi32, #tpu.memory_space<vmem>>, vector<16xi32>,
          %get3A_44 = arith.index_cast %add3A_35 : i32 to index
          %get3A_45 = arith.constant 16 : index
          %get3A_46 = tpu.vector_load %arg6[%get3A_44, %get3A_45] {strides = array<i32>} : memref<25x80xf32, #tpu.memory_space<vmem>>, vector<16xf32>,
          tpu.vector_store_idx %arg7[%get3A_43], %get3A_46 {add = true} : memref<10240xf32, #tpu.memory_space<vmem>>[vector<16xi32>], vector<16xf32>,
          %get3A_47 = arith.index_cast %add3A_35 : i32 to index
          %get3A_48 = arith.constant 32 : index
          %get3A_49 = tpu.vector_load %arg5[%get3A_47, %get3A_48] {strides = array<i32>} : memref<25x80xi32, #tpu.memory_space<vmem>>, vector<16xi32>,
          %get3A_50 = arith.index_cast %add3A_35 : i32 to index
          %get3A_51 = arith.constant 32 : index
          %get3A_52 = tpu.vector_load %arg6[%get3A_50, %get3A_51] {strides = array<i32>} : memref<25x80xf32, #tpu.memory_space<vmem>>, vector<16xf32>,
          tpu.vector_store_idx %arg7[%get3A_49], %get3A_52 {add = true} : memref<10240xf32, #tpu.memory_space<vmem>>[vector<16xi32>], vector<16xf32>,
          %get3A_53 = arith.index_cast %add3A_35 : i32 to index
          %get3A_54 = arith.constant 48 : index
          %get3A_55 = tpu.vector_load %arg5[%get3A_53, %get3A_54] {strides = array<i32>} : memref<25x80xi32, #tpu.memory_space<vmem>>, vector<16xi32>,
          %get3A_56 = arith.index_cast %add3A_35 : i32 to index
          %get3A_57 = arith.constant 48 : index
          %get3A_58 = tpu.vector_load %arg6[%get3A_56, %get3A_57] {strides = array<i32>} : memref<25x80xf32, #tpu.memory_space<vmem>>, vector<16xf32>,
          tpu.vector_store_idx %arg7[%get3A_55], %get3A_58 {add = true} : memref<10240xf32, #tpu.memory_space<vmem>>[vector<16xi32>], vector<16xf32>,
          %get3A_59 = arith.index_cast %add3A_35 : i32 to index
          %get3A_60 = arith.constant 64 : index
          %get3A_61 = tpu.vector_load %arg5[%get3A_59, %get3A_60] {strides = array<i32>} : memref<25x80xi32, #tpu.memory_space<vmem>>, vector<16xi32>,
          %get3A_62 = arith.index_cast %add3A_35 : i32 to index
          %get3A_63 = arith.constant 64 : index
          %get3A_64 = tpu.vector_load %arg6[%get3A_62, %get3A_63] {strides = array<i32>} : memref<25x80xf32, #tpu.memory_space<vmem>>, vector<16xf32>,
          tpu.vector_store_idx %arg7[%get3A_61], %get3A_64 {add = true} : memref<10240xf32, #tpu.memory_space<vmem>>[vector<16xi32>], vector<16xf32>,
        }
        %scan3A_30 = arith.constant 25 : i32
      }
      %scan3A_20 = arith.constant 5 : i32
      "tpu.region"() ({
        %run_scoped3A = tpu.sem_alloc : memref<!tpu.dma_semaphore, #tpu.memory_space<semaphore_mem>>
        %dma_start3A = arith.constant 0 : i32
        %dma_start3A_21 = tpu.memref_slice %arg4[%add3A_10, %add3A, %dma_start3A] : memref<4x32x10240xf32, #tpu.memory_space<hbm>> -> memref<1x1x10240xf32, #tpu.memory_space<hbm>>
        %dma_start3A_22 = tpu.memref_squeeze %dma_start3A_21 : memref<1x1x10240xf32, #tpu.memory_space<hbm>> -> memref<10240xf32, #tpu.memory_space<hbm>>
        %dma_start3A_23 = arith.constant 0 : i32
        %dma_start3A_24 = tpu.memref_slice %arg4[%add3A_10, %add3A, %dma_start3A_23] : memref<4x32x10240xf32, #tpu.memory_space<hbm>> -> memref<1x1x10240xf32, #tpu.memory_space<hbm>>
        %dma_start3A_25 = tpu.memref_squeeze %dma_start3A_24 : memref<1x1x10240xf32, #tpu.memory_space<hbm>> -> memref<10240xf32, #tpu.memory_space<hbm>>
        tpu.enqueue_dma source(%arg7 : memref<10240xf32, #tpu.memory_space<vmem>>) target(%dma_start3A_25 : memref<10240xf32, #tpu.memory_space<hbm>>) target_semaphore(%run_scoped3A : memref<!tpu.dma_semaphore, #tpu.memory_space<semaphore_mem>>)
        %dma_wait3A = arith.constant 0 : i32
        %dma_wait3A_26 = tpu.memref_slice %arg4[%add3A_10, %add3A, %dma_wait3A] : memref<4x32x10240xf32, #tpu.memory_space<hbm>> -> memref<1x1x10240xf32, #tpu.memory_space<hbm>>
        %dma_wait3A_27 = tpu.memref_squeeze %dma_wait3A_26 : memref<1x1x10240xf32, #tpu.memory_space<hbm>> -> memref<10240xf32, #tpu.memory_space<hbm>>
        %dma_wait3A_28 = arith.constant 0 : i32
        %dma_wait3A_29 = tpu.memref_slice %arg4[%add3A_10, %add3A, %dma_wait3A_28] : memref<4x32x10240xf32, #tpu.memory_space<hbm>> -> memref<1x1x10240xf32, #tpu.memory_space<hbm>>
        %dma_wait3A_30 = tpu.memref_squeeze %dma_wait3A_29 : memref<1x1x10240xf32, #tpu.memory_space<hbm>> -> memref<10240xf32, #tpu.memory_space<hbm>>
        tpu.wait_dma2 semaphore(%run_scoped3A : memref<!tpu.dma_semaphore, #tpu.memory_space<semaphore_mem>>) src(%arg7 : memref<10240xf32, #tpu.memory_space<vmem>>) dst(%dma_wait3A_30 : memref<10240xf32, #tpu.memory_space<hbm>>)
        tpu.yield
      }) : () -> ()
    }
    %scan3A_5 = arith.constant 4 : i32
    return
  }
}

module attributes {stable_mosaic.version = 14 : i64} {
  func.func @tc_prep(%arg0: i32, %arg1: i32, %arg2: memref<1x32x1024xf32, #tpu.memory_space<vmem>>, %arg3: memref<1x1024x128xf32, #tpu.memory_space<vmem>>, %arg4: memref<1x1024x128xf32, #tpu.memory_space<vmem>>, %arg5: memref<1x1024x128xf32, #tpu.memory_space<vmem>>) attributes {dimension_semantics = [#tpu.dimension_semantics<arbitrary>, #tpu.dimension_semantics<arbitrary>], iteration_bounds = array<i64: 4, 10>, scalar_prefetch = 0 : i64, scratch_operands = 0 : i64, tpu.core_type = #tpu.core_type<tc>, window_params = [{transform_indices = @transform_0, window_bounds = array<i64: 1, 32, 1024>}, {transform_indices = @transform_1, window_bounds = array<i64: 1, 1024, 128>}, {transform_indices = @transform_2, window_bounds = array<i64: 1, 1024, 128>}, {transform_indices = @transform_3, window_bounds = array<i64: 1, 1024, 128>}]} {
    %get3A = arith.constant 0 : index
    %get3A_0 = arith.constant 0 : index
    %get3A_1 = arith.constant 0 : index
    %get3A_2 = vector.load %arg2[%get3A, %get3A_0, %get3A_1] : memref<1x32x1024xf32, #tpu.memory_space<vmem>>, vector<1x32x1024xf32>
    %get3A_3 = vector.shape_cast %get3A_2 : vector<1x32x1024xf32> to vector<32x1024xf32>
    %reduce_sum3A = arith.constant dense<0.000000e+00> : vector<1024xf32>
    %reduce_sum3A_4 = vector.multi_reduction <add>, %get3A_3, %reduce_sum3A [0] : vector<32x1024xf32> to vector<1024xf32>
    %add3A = arith.constant 1.000000e+00 : f32
    %add3A_5 = vector.broadcast %add3A : f32 to vector<1024xf32>
    %add3A_6 = arith.addf %reduce_sum3A_4, %add3A_5 : vector<1024xf32>
    %gt3A = arith.constant 0.000000e+00 : f32
    %gt3A_7 = vector.broadcast %gt3A : f32 to vector<1024xf32>
    %gt3A_8 = arith.cmpf ogt, %add3A_6, %gt3A_7 : vector<1024xf32>
    %rsqrt3A = math.rsqrt %add3A_6 : vector<1024xf32>
    %jit3A = arith.constant 0.000000e+00 : f32
    %broadcast_in_dim3A = vector.broadcast %jit3A : f32 to vector<1024xf32>
    %select_n3A = arith.select %gt3A_8, %rsqrt3A, %broadcast_in_dim3A : vector<1024xi1>, vector<1024xf32>
    %broadcast_in_dim3A_9 = vector.shape_cast %select_n3A : vector<1024xf32> to vector<1024x1xf32>
    %broadcast_in_dim3A_10 = vector.broadcast %broadcast_in_dim3A_9 : vector<1024x1xf32> to vector<1024x128xf32>
    %get3A_11 = arith.constant 0 : index
    %get3A_12 = arith.constant 0 : index
    %get3A_13 = arith.constant 0 : index
    %get3A_14 = vector.load %arg3[%get3A_11, %get3A_12, %get3A_13] : memref<1x1024x128xf32, #tpu.memory_space<vmem>>, vector<1x1024x128xf32>
    %get3A_15 = vector.shape_cast %get3A_14 : vector<1x1024x128xf32> to vector<1024x128xf32>
    %mul3A = arith.mulf %broadcast_in_dim3A_10, %get3A_15 : vector<1024x128xf32>
    %swap3A = arith.constant 0 : index
    %swap3A_16 = arith.constant 0 : index
    %swap3A_17 = arith.constant 0 : index
    %swap3A_18 = vector.load %arg4[%swap3A, %swap3A_16, %swap3A_17] : memref<1x1024x128xf32, #tpu.memory_space<vmem>>, vector<1x1024x128xf32>
    %swap3A_19 = vector.shape_cast %swap3A_18 : vector<1x1024x128xf32> to vector<1024x128xf32>
    %swap3A_20 = vector.shape_cast %mul3A : vector<1024x128xf32> to vector<1x1024x128xf32>
    tpu.vector_store %arg4[%swap3A, %swap3A_16, %swap3A_17], %swap3A_20 {strides = array<i32>} : memref<1x1024x128xf32, #tpu.memory_space<vmem>>, vector<1x1024x128xf32>,
    %swap3A_21 = arith.constant 0 : index
    %swap3A_22 = arith.constant 0 : index
    %swap3A_23 = arith.constant 0 : index
    %swap3A_24 = vector.load %arg5[%swap3A_21, %swap3A_22, %swap3A_23] : memref<1x1024x128xf32, #tpu.memory_space<vmem>>, vector<1x1024x128xf32>
    %swap3A_25 = vector.shape_cast %swap3A_24 : vector<1x1024x128xf32> to vector<1024x128xf32>
    %swap3A_26 = vector.shape_cast %broadcast_in_dim3A_10 : vector<1024x128xf32> to vector<1x1024x128xf32>
    tpu.vector_store %arg5[%swap3A_21, %swap3A_22, %swap3A_23], %swap3A_26 {strides = array<i32>} : memref<1x1024x128xf32, #tpu.memory_space<vmem>>, vector<1x1024x128xf32>,
    return
  }
  func.func @transform_0(%arg0: i32, %arg1: i32) -> (i32, i32, i32) {
    %c0_i32 = arith.constant 0 : i32
    %c0_i32_0 = arith.constant 0 : i32
    return %arg0, %c0_i32, %arg1 : i32, i32, i32
  }
  func.func @transform_1(%arg0: i32, %arg1: i32) -> (i32, i32, i32) {
    %c0_i32 = arith.constant 0 : i32
    %c0_i32_0 = arith.constant 0 : i32
    return %arg0, %arg1, %c0_i32 : i32, i32, i32
  }
  func.func @transform_2(%arg0: i32, %arg1: i32) -> (i32, i32, i32) {
    %c0_i32 = arith.constant 0 : i32
    %c0_i32_0 = arith.constant 0 : i32
    return %arg0, %arg1, %c0_i32 : i32, i32, i32
  }
  func.func @transform_3(%arg0: i32, %arg1: i32) -> (i32, i32, i32) {
    %c0_i32 = arith.constant 0 : i32
    %c0_i32_0 = arith.constant 0 : i32
    return %arg0, %arg1, %c0_i32 : i32, i32, i32
  }
}

module attributes {stable_mosaic.version = 14 : i64} {
  func.func @tc_final(%arg0: i32, %arg1: i32, %arg2: memref<2x1x1024x128xf32, #tpu.memory_space<vmem>>, %arg3: memref<1x1024x128xf32, #tpu.memory_space<vmem>>, %arg4: memref<1x1024x128xf32, #tpu.memory_space<vmem>>, %arg5: memref<128x128xf32, #tpu.memory_space<vmem>>, %arg6: memref<256x128xf32, #tpu.memory_space<vmem>>, %arg7: memref<1x128xf32, #tpu.memory_space<vmem>>, %arg8: memref<1x128xf32, #tpu.memory_space<vmem>>, %arg9: memref<128x128xf32, #tpu.memory_space<vmem>>, %arg10: memref<256x128xf32, #tpu.memory_space<vmem>>, %arg11: memref<1x128xf32, #tpu.memory_space<vmem>>, %arg12: memref<1x128xf32, #tpu.memory_space<vmem>>, %arg13: memref<128x128xf32, #tpu.memory_space<vmem>>, %arg14: memref<1x128xf32, #tpu.memory_space<vmem>>, %arg15: memref<1024x128xf32, #tpu.memory_space<vmem>>, %arg16: memref<1024x128xf32, #tpu.memory_space<vmem>>) attributes {dimension_semantics = [#tpu.dimension_semantics<arbitrary>, #tpu.dimension_semantics<arbitrary>], iteration_bounds = array<i64: 10, 4>, scalar_prefetch = 0 : i64, scratch_operands = 1 : i64, tpu.core_type = #tpu.core_type<tc>, window_params = [{transform_indices = @transform_0, window_bounds = array<i64: 2, 1, 1024, 128>}, {transform_indices = @transform_1, window_bounds = array<i64: 1, 1024, 128>}, {transform_indices = @transform_2, window_bounds = array<i64: 1, 1024, 128>}, {pipeline_mode = #tpu.pipeline_mode<synchronous>, transform_indices = @transform_3, window_bounds = array<i64: 128, 128>}, {pipeline_mode = #tpu.pipeline_mode<synchronous>, transform_indices = @transform_4, window_bounds = array<i64: 256, 128>}, {pipeline_mode = #tpu.pipeline_mode<synchronous>, transform_indices = @transform_5, window_bounds = array<i64: 1, 128>}, {pipeline_mode = #tpu.pipeline_mode<synchronous>, transform_indices = @transform_6, window_bounds = array<i64: 1, 128>}, {pipeline_mode = #tpu.pipeline_mode<synchronous>, transform_indices = @transform_7, window_bounds = array<i64: 128, 128>}, {pipeline_mode = #tpu.pipeline_mode<synchronous>, transform_indices = @transform_8, window_bounds = array<i64: 256, 128>}, {pipeline_mode = #tpu.pipeline_mode<synchronous>, transform_indices = @transform_9, window_bounds = array<i64: 1, 128>}, {pipeline_mode = #tpu.pipeline_mode<synchronous>, transform_indices = @transform_10, window_bounds = array<i64: 1, 128>}, {pipeline_mode = #tpu.pipeline_mode<synchronous>, transform_indices = @transform_11, window_bounds = array<i64: 128, 128>}, {pipeline_mode = #tpu.pipeline_mode<synchronous>, transform_indices = @transform_12, window_bounds = array<i64: 1, 128>}, {transform_indices = @transform_13, window_bounds = array<i64: 1024, 128>}]} {
    %get3A = arith.constant 0 : index
    %get3A_0 = arith.constant 0 : index
    %get3A_1 = arith.constant 0 : index
    %get3A_2 = vector.load %arg3[%get3A, %get3A_0, %get3A_1] : memref<1x1024x128xf32, #tpu.memory_space<vmem>>, vector<1x1024x128xf32>
    %get3A_3 = vector.shape_cast %get3A_2 : vector<1x1024x128xf32> to vector<1024x128xf32>
    %get3A_4 = arith.constant 0 : index
    %get3A_5 = arith.constant 0 : index
    %get3A_6 = arith.constant 0 : index
    %get3A_7 = arith.constant 0 : index
    %get3A_8 = vector.load %arg2[%get3A_4, %get3A_5, %get3A_6, %get3A_7] : memref<2x1x1024x128xf32, #tpu.memory_space<vmem>>, vector<1x1x1024x128xf32>
    %get3A_9 = vector.shape_cast %get3A_8 : vector<1x1x1024x128xf32> to vector<1024x128xf32>
    %get3A_10 = arith.constant 1 : index
    %get3A_11 = arith.constant 0 : index
    %get3A_12 = arith.constant 0 : index
    %get3A_13 = arith.constant 0 : index
    %get3A_14 = vector.load %arg2[%get3A_10, %get3A_11, %get3A_12, %get3A_13] : memref<2x1x1024x128xf32, #tpu.memory_space<vmem>>, vector<1x1x1024x128xf32>
    %get3A_15 = vector.shape_cast %get3A_14 : vector<1x1x1024x128xf32> to vector<1024x128xf32>
    %add3A = arith.addf %get3A_9, %get3A_15 : vector<1024x128xf32>
    %get3A_16 = arith.constant 0 : index
    %get3A_17 = arith.constant 0 : index
    %get3A_18 = arith.constant 0 : index
    %get3A_19 = vector.load %arg4[%get3A_16, %get3A_17, %get3A_18] : memref<1x1024x128xf32, #tpu.memory_space<vmem>>, vector<1x1024x128xf32>
    %get3A_20 = vector.shape_cast %get3A_19 : vector<1x1024x128xf32> to vector<1024x128xf32>
    %add3A_21 = arith.addf %add3A, %get3A_20 : vector<1024x128xf32>
    %mul3A = arith.mulf %get3A_3, %add3A_21 : vector<1024x128xf32>
    %get3A_22 = arith.constant 0 : index
    %get3A_23 = arith.constant 0 : index
    %get3A_24 = vector.load %arg6[%get3A_22, %get3A_23] : memref<256x128xf32, #tpu.memory_space<vmem>>, vector<128x128xf32>
    %get3A_25 = arith.constant 0 : index
    %get3A_26 = arith.constant 0 : index
    %get3A_27 = vector.load %arg10[%get3A_25, %get3A_26] : memref<256x128xf32, #tpu.memory_space<vmem>>, vector<128x128xf32>
    %get3A_28 = arith.constant 0 : index
    %get3A_29 = arith.constant 0 : index
    %get3A_30 = vector.load %arg5[%get3A_28, %get3A_29] : memref<128x128xf32, #tpu.memory_space<vmem>>, vector<128x128xf32>
    %dot_general3A = arith.constant dense<0.000000e+00> : vector<128x128xf32>
    %dot_general3A_31 = tpu.matmul %get3A_30, %get3A_24, %dot_general3A {dimension_numbers = #tpu.dot_dimension_numbers<[1], [0], [0], [1], [0, 0, 1, 1], [], []>, precision = #tpu.contract_precision<fp32>, transpose_lhs_hint = false} : vector<128x128xf32>, vector<128x128xf32>, vector<128x128xf32> -> vector<128x128xf32>
    %get3A_32 = arith.constant 0 : index
    %get3A_33 = arith.constant 0 : index
    %get3A_34 = vector.load %arg9[%get3A_32, %get3A_33] : memref<128x128xf32, #tpu.memory_space<vmem>>, vector<128x128xf32>
    %dot_general3A_35 = arith.constant dense<0.000000e+00> : vector<128x128xf32>
    %dot_general3A_36 = tpu.matmul %get3A_34, %get3A_27, %dot_general3A_35 {dimension_numbers = #tpu.dot_dimension_numbers<[1], [0], [0], [1], [0, 0, 1, 1], [], []>, precision = #tpu.contract_precision<fp32>, transpose_lhs_hint = false} : vector<128x128xf32>, vector<128x128xf32>, vector<128x128xf32> -> vector<128x128xf32>
    %get3A_37 = arith.constant 0 : index
    %get3A_38 = arith.constant 0 : index
    %get3A_39 = vector.load %arg8[%get3A_37, %get3A_38] : memref<1x128xf32, #tpu.memory_space<vmem>>, vector<1x128xf32>
    %dot_general3A_40 = arith.constant dense<0.000000e+00> : vector<1x128xf32>
    %dot_general3A_41 = tpu.matmul %get3A_39, %get3A_24, %dot_general3A_40 {dimension_numbers = #tpu.dot_dimension_numbers<[1], [0], [0], [1], [0, 0, 1, 1], [], []>, precision = #tpu.contract_precision<fp32>, transpose_lhs_hint = false} : vector<1x128xf32>, vector<128x128xf32>, vector<1x128xf32> -> vector<1x128xf32>
    %get3A_42 = arith.constant 0 : index
    %get3A_43 = arith.constant 0 : index
    %get3A_44 = vector.load %arg7[%get3A_42, %get3A_43] : memref<1x128xf32, #tpu.memory_space<vmem>>, vector<1x128xf32>
    %add3A_45 = arith.addf %dot_general3A_41, %get3A_44 : vector<1x128xf32>
    %get3A_46 = arith.constant 0 : index
    %get3A_47 = arith.constant 0 : index
    %get3A_48 = vector.load %arg12[%get3A_46, %get3A_47] : memref<1x128xf32, #tpu.memory_space<vmem>>, vector<1x128xf32>
    %dot_general3A_49 = arith.constant dense<0.000000e+00> : vector<1x128xf32>
    %dot_general3A_50 = tpu.matmul %get3A_48, %get3A_27, %dot_general3A_49 {dimension_numbers = #tpu.dot_dimension_numbers<[1], [0], [0], [1], [0, 0, 1, 1], [], []>, precision = #tpu.contract_precision<fp32>, transpose_lhs_hint = false} : vector<1x128xf32>, vector<128x128xf32>, vector<1x128xf32> -> vector<1x128xf32>
    %get3A_51 = arith.constant 0 : index
    %get3A_52 = arith.constant 0 : index
    %get3A_53 = vector.load %arg11[%get3A_51, %get3A_52] : memref<1x128xf32, #tpu.memory_space<vmem>>, vector<1x128xf32>
    %add3A_54 = arith.addf %dot_general3A_50, %get3A_53 : vector<1x128xf32>
    %dot_general3A_55 = arith.constant dense<0.000000e+00> : vector<1024x128xf32>
    %dot_general3A_56 = tpu.matmul %mul3A, %dot_general3A_31, %dot_general3A_55 {dimension_numbers = #tpu.dot_dimension_numbers<[1], [0], [0], [1], [0, 0, 1, 1], [], []>, precision = #tpu.contract_precision<fp32>, transpose_lhs_hint = false} : vector<1024x128xf32>, vector<128x128xf32>, vector<1024x128xf32> -> vector<1024x128xf32>
    %add3A_57 = vector.broadcast %add3A_45 : vector<1x128xf32> to vector<1024x128xf32>
    %add3A_58 = arith.addf %dot_general3A_56, %add3A_57 : vector<1024x128xf32>
    %logistic3A = arith.negf %add3A_58 : vector<1024x128xf32>
    %logistic3A_59 = math.exp %logistic3A : vector<1024x128xf32>
    %logistic3A_60 = arith.constant 1.000000e+00 : f32
    %logistic3A_61 = vector.broadcast %logistic3A_60 : f32 to vector<1024x128xf32>
    %logistic3A_62 = arith.addf %logistic3A_61, %logistic3A_59 : vector<1024x128xf32>
    %logistic3A_63 = arith.divf %logistic3A_61, %logistic3A_62 : vector<1024x128xf32>
    %dot_general3A_64 = arith.constant dense<0.000000e+00> : vector<1024x128xf32>
    %dot_general3A_65 = tpu.matmul %mul3A, %dot_general3A_36, %dot_general3A_64 {dimension_numbers = #tpu.dot_dimension_numbers<[1], [0], [0], [1], [0, 0, 1, 1], [], []>, precision = #tpu.contract_precision<fp32>, transpose_lhs_hint = false} : vector<1024x128xf32>, vector<128x128xf32>, vector<1024x128xf32> -> vector<1024x128xf32>
    %add3A_66 = vector.broadcast %add3A_54 : vector<1x128xf32> to vector<1024x128xf32>
    %add3A_67 = arith.addf %dot_general3A_65, %add3A_66 : vector<1024x128xf32>
    %tanh3A = math.tanh %add3A_67 : vector<1024x128xf32>
    %sub3A = arith.constant 1.000000e+00 : f32
    %sub3A_68 = vector.broadcast %sub3A : f32 to vector<1024x128xf32>
    %sub3A_69 = arith.subf %sub3A_68, %logistic3A_63 : vector<1024x128xf32>
    %mul3A_70 = arith.mulf %sub3A_69, %tanh3A : vector<1024x128xf32>
    %eq3A = arith.constant 0 : i32
    %eq3A_71 = arith.cmpi eq, %arg1, %eq3A : i32
    %convert_element_type3A = arith.extui %eq3A_71 : i1 to i32
    %cond3A = arith.constant 0 : i32
    %cond3A_72 = arith.cmpi ne, %convert_element_type3A, %cond3A : i32
    scf.if %cond3A_72 {
      %swap3A = arith.constant 0 : index
      %swap3A_82 = arith.constant 0 : index
      %swap3A_83 = vector.load %arg16[%swap3A, %swap3A_82] : memref<1024x128xf32, #tpu.memory_space<vmem>>, vector<1024x128xf32>
      tpu.vector_store %arg16[%swap3A, %swap3A_82], %mul3A_70 {strides = array<i32>} : memref<1024x128xf32, #tpu.memory_space<vmem>>, vector<1024x128xf32>,
    } else {
    }
    %gt3A = arith.constant 0 : i32
    %gt3A_73 = arith.cmpi sgt, %arg1, %gt3A : i32
    %convert_element_type3A_74 = arith.extui %gt3A_73 : i1 to i32
    %cond3A_75 = arith.constant 0 : i32
    %cond3A_76 = arith.cmpi ne, %convert_element_type3A_74, %cond3A_75 : i32
    scf.if %cond3A_76 {
      %get3A_82 = arith.constant 0 : index
      %get3A_83 = arith.constant 0 : index
      %get3A_84 = vector.load %arg16[%get3A_82, %get3A_83] : memref<1024x128xf32, #tpu.memory_space<vmem>>, vector<1024x128xf32>
      %add3A_85 = arith.addf %get3A_84, %mul3A_70 : vector<1024x128xf32>
      %swap3A = arith.constant 0 : index
      %swap3A_86 = arith.constant 0 : index
      %swap3A_87 = vector.load %arg16[%swap3A, %swap3A_86] : memref<1024x128xf32, #tpu.memory_space<vmem>>, vector<1024x128xf32>
      tpu.vector_store %arg16[%swap3A, %swap3A_86], %add3A_85 {strides = array<i32>} : memref<1024x128xf32, #tpu.memory_space<vmem>>, vector<1024x128xf32>,
    } else {
    }
    %eq3A_77 = arith.constant 3 : i32
    %eq3A_78 = arith.cmpi eq, %arg1, %eq3A_77 : i32
    %convert_element_type3A_79 = arith.extui %eq3A_78 : i1 to i32
    %cond3A_80 = arith.constant 0 : i32
    %cond3A_81 = arith.cmpi ne, %convert_element_type3A_79, %cond3A_80 : i32
    scf.if %cond3A_81 {
      %get3A_82 = arith.constant 0 : index
      %get3A_83 = arith.constant 0 : index
      %get3A_84 = vector.load %arg16[%get3A_82, %get3A_83] : memref<1024x128xf32, #tpu.memory_space<vmem>>, vector<1024x128xf32>
      %get3A_85 = arith.constant 0 : index
      %get3A_86 = arith.constant 0 : index
      %get3A_87 = vector.load %arg13[%get3A_85, %get3A_86] : memref<128x128xf32, #tpu.memory_space<vmem>>, vector<128x128xf32>
      %mul3A_88 = arith.constant 2.500000e-01 : f32
      %mul3A_89 = vector.broadcast %mul3A_88 : f32 to vector<128x128xf32>
      %mul3A_90 = arith.mulf %get3A_87, %mul3A_89 : vector<128x128xf32>
      %dot_general3A_91 = arith.constant dense<0.000000e+00> : vector<1024x128xf32>
      %dot_general3A_92 = tpu.matmul %get3A_84, %mul3A_90, %dot_general3A_91 {dimension_numbers = #tpu.dot_dimension_numbers<[1], [0], [0], [1], [0, 0, 1, 1], [], []>, precision = #tpu.contract_precision<fp32>, transpose_lhs_hint = false} : vector<1024x128xf32>, vector<128x128xf32>, vector<1024x128xf32> -> vector<1024x128xf32>
      %get3A_93 = arith.constant 0 : index
      %get3A_94 = arith.constant 0 : index
      %get3A_95 = vector.load %arg14[%get3A_93, %get3A_94] : memref<1x128xf32, #tpu.memory_space<vmem>>, vector<1x128xf32>
      %add3A_96 = vector.broadcast %get3A_95 : vector<1x128xf32> to vector<1024x128xf32>
      %add3A_97 = arith.addf %dot_general3A_92, %add3A_96 : vector<1024x128xf32>
      %swap3A = arith.constant 0 : index
      %swap3A_98 = arith.constant 0 : index
      %swap3A_99 = vector.load %arg15[%swap3A, %swap3A_98] : memref<1024x128xf32, #tpu.memory_space<vmem>>, vector<1024x128xf32>
      tpu.vector_store %arg15[%swap3A, %swap3A_98], %add3A_97 {strides = array<i32>} : memref<1024x128xf32, #tpu.memory_space<vmem>>, vector<1024x128xf32>,
    } else {
    }
    return
  }
  func.func @transform_0(%arg0: i32, %arg1: i32) -> (i32, i32, i32, i32) {
    %c0_i32 = arith.constant 0 : i32
    %c0_i32_0 = arith.constant 0 : i32
    %c0_i32_1 = arith.constant 0 : i32
    return %c0_i32, %arg1, %arg0, %c0_i32_0 : i32, i32, i32, i32
  }
  func.func @transform_1(%arg0: i32, %arg1: i32) -> (i32, i32, i32) {
    %c0_i32 = arith.constant 0 : i32
    %c0_i32_0 = arith.constant 0 : i32
    return %arg1, %arg0, %c0_i32 : i32, i32, i32
  }
  func.func @transform_2(%arg0: i32, %arg1: i32) -> (i32, i32, i32) {
    %c0_i32 = arith.constant 0 : i32
    %c0_i32_0 = arith.constant 0 : i32
    return %arg1, %arg0, %c0_i32 : i32, i32, i32
  }
  func.func @transform_3(%arg0: i32, %arg1: i32) -> (i32, i32) {
    %c0_i32 = arith.constant 0 : i32
    %c0_i32_0 = arith.constant 0 : i32
    %c0_i32_1 = arith.constant 0 : i32
    return %c0_i32, %c0_i32_0 : i32, i32
  }
  func.func @transform_4(%arg0: i32, %arg1: i32) -> (i32, i32) {
    %c0_i32 = arith.constant 0 : i32
    %c0_i32_0 = arith.constant 0 : i32
    %c0_i32_1 = arith.constant 0 : i32
    return %c0_i32, %c0_i32_0 : i32, i32
  }
  func.func @transform_5(%arg0: i32, %arg1: i32) -> (i32, i32) {
    %c0_i32 = arith.constant 0 : i32
    %c0_i32_0 = arith.constant 0 : i32
    %c0_i32_1 = arith.constant 0 : i32
    return %c0_i32, %c0_i32_0 : i32, i32
  }
  func.func @transform_6(%arg0: i32, %arg1: i32) -> (i32, i32) {
    %c0_i32 = arith.constant 0 : i32
    %c0_i32_0 = arith.constant 0 : i32
    %c0_i32_1 = arith.constant 0 : i32
    return %c0_i32, %c0_i32_0 : i32, i32
  }
  func.func @transform_7(%arg0: i32, %arg1: i32) -> (i32, i32) {
    %c0_i32 = arith.constant 0 : i32
    %c0_i32_0 = arith.constant 0 : i32
    %c0_i32_1 = arith.constant 0 : i32
    return %c0_i32, %c0_i32_0 : i32, i32
  }
  func.func @transform_8(%arg0: i32, %arg1: i32) -> (i32, i32) {
    %c0_i32 = arith.constant 0 : i32
    %c0_i32_0 = arith.constant 0 : i32
    %c0_i32_1 = arith.constant 0 : i32
    return %c0_i32, %c0_i32_0 : i32, i32
  }
  func.func @transform_9(%arg0: i32, %arg1: i32) -> (i32, i32) {
    %c0_i32 = arith.constant 0 : i32
    %c0_i32_0 = arith.constant 0 : i32
    %c0_i32_1 = arith.constant 0 : i32
    return %c0_i32, %c0_i32_0 : i32, i32
  }
  func.func @transform_10(%arg0: i32, %arg1: i32) -> (i32, i32) {
    %c0_i32 = arith.constant 0 : i32
    %c0_i32_0 = arith.constant 0 : i32
    %c0_i32_1 = arith.constant 0 : i32
    return %c0_i32, %c0_i32_0 : i32, i32
  }
  func.func @transform_11(%arg0: i32, %arg1: i32) -> (i32, i32) {
    %c0_i32 = arith.constant 0 : i32
    %c0_i32_0 = arith.constant 0 : i32
    %c0_i32_1 = arith.constant 0 : i32
    return %c0_i32, %c0_i32_0 : i32, i32
  }
  func.func @transform_12(%arg0: i32, %arg1: i32) -> (i32, i32) {
    %c0_i32 = arith.constant 0 : i32
    %c0_i32_0 = arith.constant 0 : i32
    %c0_i32_1 = arith.constant 0 : i32
    return %c0_i32, %c0_i32_0 : i32, i32
  }
  func.func @transform_13(%arg0: i32, %arg1: i32) -> (i32, i32) {
    %c0_i32 = arith.constant 0 : i32
    %c0_i32_0 = arith.constant 0 : i32
    return %arg0, %c0_i32 : i32, i32
  }
}

</mosaic_0001>

<sc_bundles>
// kernel: sc_deg.3.cloned.1.call-start
scs
__scs_entry_jumppad:
0x0: {  	(pc) =	sbr.rel $0x88, $3  }
0x1: {  	(tag) =	ssettag $0x0;
	lr =	simm.s32 $0x1  }
0x2: {  	[smem:$0x3F94] =	sst lr;
	_ =	strace $0xD0000000  }
0x3: {  	_ = 	snop  }
0x4: {  	_ = 	snop  }
0x5: {  	_ = 	snop  }
0x6: {  	_ = 	snop  }
0x7: {  	_ = 	snop  }
__scs_overlays_trampoline_lowered:
0x8: {  	[smem:$0x3FA3] =	sst s0  }
0x9: {  	[smem:$0x3FA4] =	sst s1  }
0xa: {  	[smem:$0x3FA5] =	sst s2  }
0xb: {  	[smem:$0x3FA6] =	sst s3  }
0xc: {  	[smem:$0x3FA7] =	sst s4  }
0xd: {  	[smem:$0x3FA8] =	sst s5  }
0xe: {  	[smem:$0x3FA9] =	sst s6  }
0xf: {  	[smem:$0x3FAA] =	sst s7  }
0x10: {  	[smem:$0x3FAB] =	sst s8  }
0x11: {  	[smem:$0x3FAC] =	sst s9;
	s0 =	simm.s32 @!p0 $0x0  }
0x12: {  	s1 =	sld [smem:$0x3F92];
	s0 =	simm.s32 @p0 $0x1  }
0x13: {  	[smem:$0x3FAD] =	sst s0;
	s0 =	simm.s32 @!p1 $0x0  }
0x14: {  	s2 =	sld [smem:$0x3F91];
	s0 =	simm.s32 @p1 $0x1  }
0x15: {  	[smem:$0x3FAE] =	sst s0;
	s0 =	simm.s32 @!p2 $0x0  }
0x16: {  	s3 =	sld [smem:$0x3FDB];
	s0 =	simm.s32 @p2 $0x1  }
0x17: {  	s4 =	simm.s32 $0x1BF5;
	[smem:$0x3FB0] =	sst s0  }
0x18: {  	s0 =	sld [smem:$0x3F93];
	_ =	swait.ge [sflag:s4], $0x0  }
0x19: {  	s7 =	sld [smem:$0x3F94]  }
0x1a: {  	s8 =	sadd.s32 $0xFFFFE003, lr  }
0x1b: {  	s9 =	sadd.s32 $0xFFFFFEF7, lr;
	s5 =	simm.s32 $0xFFFFFFFF;
	p2 =	slt.u32 s8, $0xFFFFF086  }
0x1c: {  	p1 =	slt.u32 s9, $0xF7A;
	s5 =	simm.s32 @!p2 $0x0  }
0x1d: {  	s5 =	simm.s32 @p1 $0x1;
	p0 =	seq.s32 s7, s2  }
0x1e: {  	s7 =	smul.u32 @!p0 $0xF7A, s2;
	p2 =	seq.s32 @!p0 s5, $0x0  }
0x1f: {  	s9 =	smul.u32 $0xF7A, s1;
	s8 =	simm.s32 @!p0 $0x1BF5;
	p2 =	por !p2, p0  }
0x20: {  	[sflag:s8] =	ssyncset.s32 @!p0 $0xFFFFF086;
	s6 =	sadd.s32 @!p0 s3, s7;
	s7 =	simm.s32 @!p0 $0x108  }
0x21: {  	s3 =	sadd.s32 s3, s9;
	s6 =	sadd.s32 @!p0 $0x88, s6;
	s7 =	simm.s32 @p2 $0x1082  }
0x22: {  	[simem:s7], [sflag:s8] =	dma.local @!p0 [hbm:s6], $0xF7A  }
0x23: {  	s9 =	sor.u32 $0xD0000000, s2;
	s6 =	simm.s32 $0x108;
	_ =	swait.ge @!p0 [sflag:s8], $0x0  }
0x24: {  	s3 =	sadd.s32 $0x88, s3;
	s6 =	simm.s32 @!p1 $0x1082;
	[sflag:s4] =	ssyncset.s32 $0xFFFFF086  }
0x25: {  	[simem:s6], [sflag:s4] =	dma.local [hbm:s3], $0xF7A  }
0x26: {  	[smem:$0x3F94] =	sst s1;
	(tag) =	ssettag s2;
	_ =	strace s9  }
0x27: {  	s1 =	sld [smem:$0x3FA4]  }
0x28: {  	s2 =	sld [smem:$0x3FA5]  }
0x29: {  	s4 =	sld [smem:$0x3FA7]  }
0x2a: {  	p0 =	seq.s32 s5, $0x0;
	s5 =	sld [smem:$0x3FA8]  }
0x2b: {  	s6 =	sld [smem:$0x3FA9]  }
0x2c: {  	s7 =	sld [smem:$0x3FAA]  }
0x2d: {  	s3 =	simm.s32 $0x108;
	s8 =	sld [smem:$0x3FAB]  }
0x2e: {  	s3 =	simm.s32 @!p0 $0x1082;
	s9 =	sld [smem:$0x3FAC]  }
0x2f: {  	lr =	sadd.s32 s0, s3;
	s0 =	sld [smem:$0x3FA3]  }
0x30: {  	s3 =	sld [smem:$0x3FA6]  }
0x31: {  	[smem:$0x3FAF] =	sst s10  }
0x32: {  	s10 =	sld [smem:$0x3FAD];
	_ =	sdelay $0x3  }
0x33: {  	p0 =	seq.s32 s10, $0x1;
	s10 =	sld [smem:$0x3FAF];
	_ =	sdelay $0x3  }
0x34: {  	[smem:$0x3FAF] =	sst s10  }
0x35: {  	s10 =	sld [smem:$0x3FAE];
	_ =	sdelay $0x3  }
0x36: {  	p1 =	seq.s32 s10, $0x1;
	s10 =	sld [smem:$0x3FAF];
	_ =	sdelay $0x3  }
0x37: {  	[smem:$0x3FAF] =	sst s10  }
0x38: {  	s10 =	sld [smem:$0x3FB0]  }
0x39: {  	_ = 	snop;
	(pc) =	sbr.ind lr, $3  }
0x3a: {  	_ = 	snop  }
0x3b: {  	_ = 	snop  }
0x3c: {  	p2 =	seq.s32 s10, $0x1;
	s10 =	sld [smem:$0x3FAF]  }
0x3d: {  	_ =	shalt  }
0x3e: {  	_ =	shalt  }
0x3f: {  	_ =	shalt  }
0x40: {  	_ =	shalt  }
0x41: {  	_ =	shalt  }
0x42: {  	_ =	shalt  }
0x43: {  	_ =	shalt  }
0x44: {  	_ =	shalt  }
0x45: {  	_ =	shalt  }
0x46: {  	_ =	shalt  }
0x47: {  	_ =	shalt  }
0x48: {  	_ =	shalt  }
0x49: {  	_ =	shalt  }
0x4a: {  	_ =	shalt  }
0x4b: {  	_ =	shalt  }
0x4c: {  	_ =	shalt  }
0x4d: {  	_ =	shalt  }
0x4e: {  	_ =	shalt  }
0x4f: {  	_ =	shalt  }
0x50: {  	_ =	shalt  }
0x51: {  	_ =	shalt  }
0x52: {  	_ =	shalt  }
0x53: {  	_ =	shalt  }
0x54: {  	_ =	shalt  }
0x55: {  	_ =	shalt  }
0x56: {  	_ =	shalt  }
0x57: {  	_ =	shalt  }
0x58: {  	_ =	shalt  }
0x59: {  	_ =	shalt  }
0x5a: {  	_ =	shalt  }
0x5b: {  	_ =	shalt  }
0x5c: {  	_ =	shalt  }
0x5d: {  	_ =	shalt  }
0x5e: {  	_ =	shalt  }
0x5f: {  	_ =	shalt  }
0x60: {  	_ =	shalt  }
0x61: {  	_ =	shalt  }
0x62: {  	_ =	shalt  }
0x63: {  	_ =	shalt  }
0x64: {  	_ =	shalt  }
0x65: {  	_ =	shalt  }
0x66: {  	_ =	shalt  }
0x67: {  	_ =	shalt  }
0x68: {  	_ =	shalt  }
0x69: {  	_ =	shalt  }
0x6a: {  	_ =	shalt  }
0x6b: {  	_ =	shalt  }
0x6c: {  	_ =	shalt  }
0x6d: {  	_ =	shalt  }
0x6e: {  	_ =	shalt  }
0x6f: {  	_ =	shalt  }
0x70: {  	_ =	shalt  }
0x71: {  	_ =	shalt  }
0x72: {  	_ =	shalt  }
0x73: {  	_ =	shalt  }
0x74: {  	_ =	shalt  }
0x75: {  	_ =	shalt  }
0x76: {  	_ =	shalt  }
0x77: {  	_ =	shalt  }
0x78: {  	_ =	shalt  }
0x79: {  	_ =	shalt  }
0x7a: {  	_ =	shalt  }
0x7b: {  	_ =	shalt  }
0x7c: {  	_ =	shalt  }
0x7d: {  	_ =	shalt  }
0x7e: {  	_ =	shalt  }
0x7f: {  	_ =	shalt  }
0x80: {  	_ =	shalt  }
0x81: {  	_ =	shalt  }
0x82: {  	_ =	shalt  }
0x83: {  	_ =	shalt  }
0x84: {  	_ =	shalt  }
0x85: {  	_ =	shalt  }
0x86: {  	_ =	shalt  }
0x87: {  	_ =	shalt  }
.Lfunc_end0:
.L_simem_size_0:
called_computation_lowered:
.L_overlay_start_0:
0x88: {  	s2 =	sld [smem:$0x3FD9]  }
0x89: {  	s3 =	sld [smem:$0x3FFE];
	_ =	sdelay $0x1  }
0x8a: {  	s1 =	srdreg.scid  }
0x8b: {  	s0 =	sand.u32 $0x1, s1  }
0x8c: {  	s16 =	sshll.u32 s0, $0xA;
	s2 =	sadd.s32 s3, s2  }
0x8d: {  	s2 =	sadd.s32 s2, s16  }
0x8e: {  	[smem:$0x3FBB] =	sst s2  }
0x8f: {  	_ = 	snop  }
0x90: {  	(tm) =	ssettm $0x1  }
0x91: {  	s17 =	sld [smem:$0x3FFB];
	_ =	sdelay $0x3  }
0x92: {  	_ =	strace s17  }
0x93: {  	s2 =	sld [smem:$0x3FFC];
	_ =	sdelay $0x3  }
0x94: {  	_ =	strace s2  }
0x95: {  	s2 =	sld [smem:$0x3FFD];
	_ =	sdelay $0x3  }
0x96: {  	_ =	strace s2  }
0x97: {  	_ =	strace $0x8FFFFFFF  }
0x98: {  	s18 =	sld [smem:$0x3FDB];
	_ =	sdelay $0x1  }
0x99: {  	s19 =	simm.s32 $_scs_section_size  }
0x9a: {  	s4 =	simm.s32 $_size__tile_overlayer_lowered;
	s5 =	simm.s32 $_tile_overlayer_lowered  }
0x9b: {  	s22 =	simm.s32 $0x1BFF;
	s21 =	sshll.u32 s5, $0x1;
	s2 =	sadd.s32 s19, s18  }
0x9c: {  	s6 =	simm.s32 $0x0;
	s20 =	sshll.u32 s4, $0x1;
	s4 =	sadd.s32 s21, s2  }
0x9d: {  	[timem:s6], [sflag:s22] =	dma.local [hbm:s4], s20  }
0x9e: {  	_ =	swait.ge [sflag:s22], s20  }
0x9f: {  	s3 =	ssub.s32 $0x0, s20;
	[sflag:s22] =	ssyncset.done $0x0  }
0xa0: {  	[sflag:s22] =	ssyncadd.s32 s3;
	_ =	sdelay $0x1  }
0xa1: {  	s23 =	simm.s32 $0x1B8B  }
0xa2: {  	_ =	swait.ge [sflag:s23], $0x1  }
0xa3: {  	[sflag:s23] =	ssyncset.done $0x0  }
0xa4: {  	s25 =	simm.s32 $0x1B8E;
	s24 =	sld [smem:$0x3FFE];
	[sflag:s23] =	ssyncadd.s32 $0xFFFFFFFF  }
0xa5: {  	s26 =	simm.s32 $execute0_lowered;
	[smem:$0x3FD2] =	sst s25  }
0xa6: {  	s4 =	sshll.u32 s26, $0x1;
	_ =	strace $0x80000046;
	[dreg:$0x1] =	wrdreg $0xFFFFFFFF  }
0xa7: {  	s28 =	simm.s32 $_size_execute0_lowered;
	s2 =	sadd.s32 s2, s4;
	[dreg:$0x0] =	wrdreg $0x0  }
0xa8: {  	s4 =	sshll.u32 s28, $0x1;
	[dreg:$0x2] =	wrdreg s2  }
0xa9: {  	[dreg:$0x3] =	wrdreg s4  }
0xaa: {  	[dreg:$0x4] =	wrdreg $0xC0  }
0xab: {  	_ =	task [dreg:s6], $0x5FFFF  }
0xac: {  	[dreg:$0x1] =	wrdreg $0xFFFFFFFF  }
0xad: {  	[dreg:$0x0] =	wrdreg $0x60  }
0xae: {  	[dreg:$0x2] =	wrdreg s24  }
0xaf: {  	[dreg:$0x3] =	wrdreg $0x9  }
0xb0: {  	_ =	task.clear_ibuf [dreg:s6], $0x4FFFF;
	_ =	strace $0x90000046  }
0xb1: {  	s29 =	simm.s32 $0x9;
	_ =	strace $0x80000048  }
0xb2: {  	_ =	swait.ge [sflag:s29], $0x1  }
0xb3: {  	[sflag:s29] =	ssyncadd.s32 $0xFFFFFFFF  }
0xb4: {  	_ =	strace $0x90000048  }
0xb5: {  	_ =	sfence  }
0xb6: {  	s30 =	sld [smem:$0x0];
	_ =	sdelay $0x2  }
0xb7: {  	s31 =	sshll.u32 s1, $0xD;
	s1 =	sshrl.u32 s1, $0x2  }
0xb8: {  	s3 =	sand.u32 $0x4000, s31;
	s1 =	sadd.s32 s1, s30  }
0xb9: {  	s0 =	sor.u32 s3, s0;
	s1 =	sshll.u32 s1, $0x11  }
0xba: {  	s0 =	sor.u32 s1, s0  }
0xbb: {  	s0 =	sadd.s32 $0x8F2B, s0  }
0xbc: {  	[sflag:s0] =	ssyncadd.remote.s32 $0x1  }
0xbd: {  	_ =	sfence.sel $0xFFFF  }
0xbe: {  	[dreg:$0x0] =	wrdreg $0xFFFFFFFF;
	(pc) =	sbr.abs _section_cstart, $3  }
0xbf: {  	[dreg:$0x1] =	wrdreg $0xFFFFFFFF  }
0xc0: {  	_ =	task.clear_ibuf [dreg:s6], $0x2FFFF;
	_ =	strace $0x9FFFFFFF  }
0xc1: {  	(tm) =	ssettm $0x7FFFFFFF  }
tec
execute0_lowered:
.L_overlay_start_1:
0x0: {  	(tag) =	ssettag $0x1  }
0x1: {  	s5 =	rddreg [dreg:$0x0]  }
0x2: {  	s1 =	srdreg.scid;
	s0 =	rddreg [dreg:$0x1];
	s2 =	simm.s32 $0x0  }
0x3: {  	s11 =	simm.s32 $0x2000;
	s12 =	simm.s32 $0x80;
	s6 =	sand.u32 $0x1, s1  }
0x4: {  	s13 =	simm.s32 $0x400;
	s1 =	stileid.u32;
	s3 =	sshll.u32 s6, $0x4  }
0x5: {  	[smem:$0x7FF] =	sst s2;
	s4 =	sadd.s32 $0x3200, s5;
	s7 =	sor.u32 s1, s3  }
0x6: {  	_ =	strace $0x80000047;
	s6 =	ssub.s32 $0x2, s6;
	s8 =	sshrl.u32 s7, $0x3  }
0x7: {  	s9 =	sshll.u32 s1, $0x7;
	s3 =	sadd.s32 $0x53200, s5;
	s8 =	smul.u32 $0x14000, s8  }
0x8: {  	s5 =	sadd.s32 $0xA3200, s5;
	s10 =	sshrl.u32 s6, $0x1;
	s9 =	sand.u32 $0x380, s9  }
0x9: {  	s10 =	ssub.s32 s6, s10;
	s6 =	smul.u32 $0x5000, s7;
	s7 =	sor.u32 s9, s8  }
0xa: {  	v0 =	vimm.f32 $0.0e+00;
	s8 =	smax.u32 s10, $0x1;
	s9 =	simm.s32 $0x1;
	s10 =	simm.s32 $0x1000  }
.LBB2_1:
0xb: {  	s14 =	simm.s32 $0x0  }
.LBB2_2:
0xc: {  	s15 =	simm.s32 $0x40;
	s16 =	simm.s32 $0x0  }
.LBB2_3:
0xd: {  	p0 =	seq.s32 s15, $0x9FC0;
	[tilespmem:s16+$0x2000] =	vst v0;
	s16 =	smov.u32 s15;
	s15 =	sadd.s32 $0x40, s15  }
.Ltmp0:
0xe: {  	(pc) =	sbr.rel @!p0 .LBB2_3-.Ltmp0, $2  }
0xf: {  	_ =	sdelay $0x2  }
0x10: {  	s16 =	sshra.s32 s16, $0x2  }
0x11: {  	s15 =	smul.u32 $0xA0000, s14;
	_ =	sdelay $0x1  }
0x12: {  	[tilespmem:s16+$0x2000] =	vst v0;
	s16 =	simm.s32 $0x0;
	s17 =	simm.s32 $0x0;
	s15 =	sadd.s32 s6, s15  }
.LBB2_5:
0x13: {  	s18 =	sshll.u32 s17, $0xC  }
0x14: {  	s18 =	sadd.s32 s18, s15  }
0x15: {  	s18 =	sshrl.u32 s18, $0x3  }
0x16: {  	s19 =	sadd.s32 s3, s18  }
0x17: {  	[tilespmem:s16], [sflag:$0x1] =	stream.linear.gather [hbm4b:s19+s16], $0xC80, $0x38;
	[tilespmem:$0x4800] =	vst v63  }
0x18: {  	_ =	swait.ge [sflag:s9], $0xC80  }
0x19: {  	[sflag:s9] =	ssyncset.done $0x0  }
0x1a: {  	s18 =	sadd.s32 s4, s18;
	[sflag:s9] =	ssyncadd.s32 $0xFFFFF380  }
0x1b: {  	[tilespmem:s10], [sflag:$0x1] =	stream.linear.gather [hbm4b:s18+s16], $0xC80, $0x38;
	[tilespmem:$0x4800] =	vst v63  }
0x1c: {  	_ =	swait.ge [sflag:s9], $0xC80  }
0x1d: {  	[sflag:s9] =	ssyncset.done $0x0  }
0x1e: {  	s18 =	simm.s32 $0x0;
	[sflag:s9] =	ssyncadd.s32 $0xFFFFF380  }
.LBB2_6:
0x1f: {  	s19 =	sshra.s32 s18, $0x2  }
0x20: {  	v1 =	vld [tilespmem:s19+$0x0];
	_ =	sdelay $0x2  }
0x21: {  	v2 =	vld [tilespmem:s19+$0x1000];
	_ =	sdelay $0x4  }
0x22: {  	[tilespmem:v1+s11+$0x0] =	vst.idx.add.f32.msk $0xffff, v2  }
0x23: {  	v1 =	vld [tilespmem:s19+$0x10];
	_ =	sdelay $0x2  }
0x24: {  	v2 =	vld [tilespmem:s19+$0x1010];
	_ =	sdelay $0x4  }
0x25: {  	[tilespmem:v1+s11+$0x0] =	vst.idx.add.f32.msk $0xffff, v2  }
0x26: {  	v1 =	vld [tilespmem:s19+$0x20];
	_ =	sdelay $0x2  }
0x27: {  	v2 =	vld [tilespmem:s19+$0x1020];
	_ =	sdelay $0x4  }
0x28: {  	[tilespmem:v1+s11+$0x0] =	vst.idx.add.f32.msk $0xffff, v2  }
0x29: {  	v1 =	vld [tilespmem:s19+$0x30];
	_ =	sdelay $0x2  }
0x2a: {  	v2 =	vld [tilespmem:s19+$0x1030];
	_ =	sdelay $0x4  }
0x2b: {  	[tilespmem:v1+s11+$0x0] =	vst.idx.add.f32.msk $0xffff, v2  }
0x2c: {  	v1 =	vld [tilespmem:s19+$0x40];
	_ =	sdelay $0x2  }
0x2d: {  	p0 =	sne.s32 s18, $0x3000;
	v2 =	vld [tilespmem:s19+$0x1040]  }
.Ltmp1:
0x2e: {  	_ = 	snop;
	(pc) =	sbr.rel @p0 .LBB2_6-.Ltmp1, $2  }
0x2f: {  	_ =	sdelay $0x2  }
0x30: {  	s18 =	sadd.s32 $0x200, s18;
	[tilespmem:v1+s11+$0x0] =	vst.idx.add.f32.msk $0xffff, v2  }
0x31: {  	s17 =	sadd.s32 $0x1, s17  }
0x32: {  	p0 =	sne.s32 s17, $0x5  }
.Ltmp2:
0x33: {  	_ = 	snop;
	(pc) =	sbr.rel @p0 .LBB2_5-.Ltmp2, $1  }
0x34: {  	_ =	sdelay $0x3  }
0x35: {  	s15 =	smul.u32 $0x50000, s14;
	_ =	sdelay $0x1  }
0x36: {  	s14 =	sadd.s32 $0x1, s14;
	s15 =	sadd.s32 s7, s15  }
0x37: {  	p0 =	sne.s32 s14, $0x4;
	s15 =	sshrl.u32 s15, $0x3  }
.Ltmp3:
0x38: {  	s15 =	sadd.s32 s5, s15;
	(pc) =	sbr.rel @p0 .LBB2_2-.Ltmp3, $4  }
0x39: {  	[hbm4b:s15+s12] =	stream.strided.scatter [tilespmem:s11], [sflag:$0x1], $0x2800, s13, s12, $0x38;
	[tilespmem:$0x4800] =	vst v63  }
0x3a: {  	_ =	swait.ge [sflag:s9], $0x2800  }
0x3b: {  	[sflag:s9] =	ssyncset.done $0x0  }
0x3c: {  	[sflag:s9] =	ssyncadd.s32 $0xFFFFD800  }
0x3d: {  	s2 =	sadd.s32 $0x1, s2  }
0x3e: {  	p0 =	sne.s32 s2, s8  }
.Ltmp4:
0x3f: {  	_ = 	snop;
	(pc) =	sbr.rel @p0 .LBB2_1-.Ltmp4, $1  }
0x40: {  	_ =	sdelay $0x3  }
0x41: {  	_ =	sfence.sel $0x180000  }
0x42: {  	[bflag:$0x0] =	sbarrier.arrive $0xFFFF  }
0x43: {  	p0 =	sne.s32 s1, $0x0;
	_ =	strace $0x90000047  }
0x44: {  	s0 =	sadd.s32 @!p0 $0x100000, s0;
	[bflag:$0x2] =	sbarrier.arrive $0xFFFF  }
0x45: {  	[sflag:s0] =	ssyncadd.tile.s32 @!p0 $0x1;
	_ =	shalt  }
.Lfunc_end2:
_tile_overlayer_lowered:
.L_overlay_start_2:
0x46: {  	(tag) =	ssettag $0x2  }
0x47: {  	s0 =	rddreg [dreg:$0x0];
	s2 =	stileid.u32  }
0x48: {  	s1 =	rddreg [dreg:$0x1];
	p0 =	sne.s32 s2, $0x0  }
0x49: {  	s3 =	rddreg [dreg:$0x2];
	[bflag:$0x3] =	sbarrier.arrive $0xFFFF;
	s2 =	simm.s32 @!p0 $0x1C01  }
0x4a: {  	[timem:s3], [sflag:s2] =	dma.local @!p0 [hbm:s0], s1  }
0x4b: {  	s0 =	simm.s32 @!p0 $0x1  }
0x4c: {  	_ =	swait.ge @!p0 [sflag:s0], s1  }
0x4d: {  	s1 =	ssub.s32 @!p0 $0x0, s1;
	[sflag:s0] =	ssyncset.done @!p0 $0x0  }
0x4e: {  	[sflag:s0] =	ssyncadd.s32 @!p0 s1  }
0x4f: {  	[bflag:$0x3] =	sbarrier.arrive $0xFFFF  }
0x50: {  	_ =	shalt  }

// kernel: sc_main.3.cloned.1.call-start
scs
__scs_entry_jumppad:
0x0: {  	(pc) =	sbr.rel $0x88, $3  }
0x1: {  	(tag) =	ssettag $0x0;
	lr =	simm.s32 $0x1  }
0x2: {  	[smem:$0x3F94] =	sst lr;
	_ =	strace $0xD0000000  }
0x3: {  	_ = 	snop  }
0x4: {  	_ = 	snop  }
0x5: {  	_ = 	snop  }
0x6: {  	_ = 	snop  }
0x7: {  	_ = 	snop  }
__scs_overlays_trampoline_lowered:
0x8: {  	[smem:$0x3FA3] =	sst s0  }
0x9: {  	[smem:$0x3FA4] =	sst s1  }
0xa: {  	[smem:$0x3FA5] =	sst s2  }
0xb: {  	[smem:$0x3FA6] =	sst s3  }
0xc: {  	[smem:$0x3FA7] =	sst s4  }
0xd: {  	[smem:$0x3FA8] =	sst s5  }
0xe: {  	[smem:$0x3FA9] =	sst s6  }
0xf: {  	[smem:$0x3FAA] =	sst s7  }
0x10: {  	[smem:$0x3FAB] =	sst s8  }
0x11: {  	[smem:$0x3FAC] =	sst s9;
	s0 =	simm.s32 @!p0 $0x0  }
0x12: {  	s1 =	sld [smem:$0x3F92];
	s0 =	simm.s32 @p0 $0x1  }
0x13: {  	[smem:$0x3FAD] =	sst s0;
	s0 =	simm.s32 @!p1 $0x0  }
0x14: {  	s2 =	sld [smem:$0x3F91];
	s0 =	simm.s32 @p1 $0x1  }
0x15: {  	[smem:$0x3FAE] =	sst s0;
	s0 =	simm.s32 @!p2 $0x0  }
0x16: {  	s3 =	sld [smem:$0x3FDB];
	s0 =	simm.s32 @p2 $0x1  }
0x17: {  	s4 =	simm.s32 $0x1BF5;
	[smem:$0x3FB0] =	sst s0  }
0x18: {  	s0 =	sld [smem:$0x3F93];
	_ =	swait.ge [sflag:s4], $0x0  }
0x19: {  	s7 =	sld [smem:$0x3F94]  }
0x1a: {  	s8 =	sadd.s32 $0xFFFFE003, lr  }
0x1b: {  	s9 =	sadd.s32 $0xFFFFFEF7, lr;
	s5 =	simm.s32 $0xFFFFFFFF;
	p2 =	slt.u32 s8, $0xFFFFF086  }
0x1c: {  	p1 =	slt.u32 s9, $0xF7A;
	s5 =	simm.s32 @!p2 $0x0  }
0x1d: {  	s5 =	simm.s32 @p1 $0x1;
	p0 =	seq.s32 s7, s2  }
0x1e: {  	s7 =	smul.u32 @!p0 $0xF7A, s2;
	p2 =	seq.s32 @!p0 s5, $0x0  }
0x1f: {  	s9 =	smul.u32 $0xF7A, s1;
	s8 =	simm.s32 @!p0 $0x1BF5;
	p2 =	por !p2, p0  }
0x20: {  	[sflag:s8] =	ssyncset.s32 @!p0 $0xFFFFF086;
	s6 =	sadd.s32 @!p0 s3, s7;
	s7 =	simm.s32 @!p0 $0x108  }
0x21: {  	s3 =	sadd.s32 s3, s9;
	s6 =	sadd.s32 @!p0 $0x88, s6;
	s7 =	simm.s32 @p2 $0x1082  }
0x22: {  	[simem:s7], [sflag:s8] =	dma.local @!p0 [hbm:s6], $0xF7A  }
0x23: {  	s9 =	sor.u32 $0xD0000000, s2;
	s6 =	simm.s32 $0x108;
	_ =	swait.ge @!p0 [sflag:s8], $0x0  }
0x24: {  	s3 =	sadd.s32 $0x88, s3;
	s6 =	simm.s32 @!p1 $0x1082;
	[sflag:s4] =	ssyncset.s32 $0xFFFFF086  }
0x25: {  	[simem:s6], [sflag:s4] =	dma.local [hbm:s3], $0xF7A  }
0x26: {  	[smem:$0x3F94] =	sst s1;
	(tag) =	ssettag s2;
	_ =	strace s9  }
0x27: {  	s1 =	sld [smem:$0x3FA4]  }
0x28: {  	s2 =	sld [smem:$0x3FA5]  }
0x29: {  	s4 =	sld [smem:$0x3FA7]  }
0x2a: {  	p0 =	seq.s32 s5, $0x0;
	s5 =	sld [smem:$0x3FA8]  }
0x2b: {  	s6 =	sld [smem:$0x3FA9]  }
0x2c: {  	s7 =	sld [smem:$0x3FAA]  }
0x2d: {  	s3 =	simm.s32 $0x108;
	s8 =	sld [smem:$0x3FAB]  }
0x2e: {  	s3 =	simm.s32 @!p0 $0x1082;
	s9 =	sld [smem:$0x3FAC]  }
0x2f: {  	lr =	sadd.s32 s0, s3;
	s0 =	sld [smem:$0x3FA3]  }
0x30: {  	s3 =	sld [smem:$0x3FA6]  }
0x31: {  	[smem:$0x3FAF] =	sst s10  }
0x32: {  	s10 =	sld [smem:$0x3FAD];
	_ =	sdelay $0x3  }
0x33: {  	p0 =	seq.s32 s10, $0x1;
	s10 =	sld [smem:$0x3FAF];
	_ =	sdelay $0x3  }
0x34: {  	[smem:$0x3FAF] =	sst s10  }
0x35: {  	s10 =	sld [smem:$0x3FAE];
	_ =	sdelay $0x3  }
0x36: {  	p1 =	seq.s32 s10, $0x1;
	s10 =	sld [smem:$0x3FAF];
	_ =	sdelay $0x3  }
0x37: {  	[smem:$0x3FAF] =	sst s10  }
0x38: {  	s10 =	sld [smem:$0x3FB0]  }
0x39: {  	_ = 	snop;
	(pc) =	sbr.ind lr, $3  }
0x3a: {  	_ = 	snop  }
0x3b: {  	_ = 	snop  }
0x3c: {  	p2 =	seq.s32 s10, $0x1;
	s10 =	sld [smem:$0x3FAF]  }
0x3d: {  	_ =	shalt  }
0x3e: {  	_ =	shalt  }
0x3f: {  	_ =	shalt  }
0x40: {  	_ =	shalt  }
0x41: {  	_ =	shalt  }
0x42: {  	_ =	shalt  }
0x43: {  	_ =	shalt  }
0x44: {  	_ =	shalt  }
0x45: {  	_ =	shalt  }
0x46: {  	_ =	shalt  }
0x47: {  	_ =	shalt  }
0x48: {  	_ =	shalt  }
0x49: {  	_ =	shalt  }
0x4a: {  	_ =	shalt  }
0x4b: {  	_ =	shalt  }
0x4c: {  	_ =	shalt  }
0x4d: {  	_ =	shalt  }
0x4e: {  	_ =	shalt  }
0x4f: {  	_ =	shalt  }
0x50: {  	_ =	shalt  }
0x51: {  	_ =	shalt  }
0x52: {  	_ =	shalt  }
0x53: {  	_ =	shalt  }
0x54: {  	_ =	shalt  }
0x55: {  	_ =	shalt  }
0x56: {  	_ =	shalt  }
0x57: {  	_ =	shalt  }
0x58: {  	_ =	shalt  }
0x59: {  	_ =	shalt  }
0x5a: {  	_ =	shalt  }
0x5b: {  	_ =	shalt  }
0x5c: {  	_ =	shalt  }
0x5d: {  	_ =	shalt  }
0x5e: {  	_ =	shalt  }
0x5f: {  	_ =	shalt  }
0x60: {  	_ =	shalt  }
0x61: {  	_ =	shalt  }
0x62: {  	_ =	shalt  }
0x63: {  	_ =	shalt  }
0x64: {  	_ =	shalt  }
0x65: {  	_ =	shalt  }
0x66: {  	_ =	shalt  }
0x67: {  	_ =	shalt  }
0x68: {  	_ =	shalt  }
0x69: {  	_ =	shalt  }
0x6a: {  	_ =	shalt  }
0x6b: {  	_ =	shalt  }
0x6c: {  	_ =	shalt  }
0x6d: {  	_ =	shalt  }
0x6e: {  	_ =	shalt  }
0x6f: {  	_ =	shalt  }
0x70: {  	_ =	shalt  }
0x71: {  	_ =	shalt  }
0x72: {  	_ =	shalt  }
0x73: {  	_ =	shalt  }
0x74: {  	_ =	shalt  }
0x75: {  	_ =	shalt  }
0x76: {  	_ =	shalt  }
0x77: {  	_ =	shalt  }
0x78: {  	_ =	shalt  }
0x79: {  	_ =	shalt  }
0x7a: {  	_ =	shalt  }
0x7b: {  	_ =	shalt  }
0x7c: {  	_ =	shalt  }
0x7d: {  	_ =	shalt  }
0x7e: {  	_ =	shalt  }
0x7f: {  	_ =	shalt  }
0x80: {  	_ =	shalt  }
0x81: {  	_ =	shalt  }
0x82: {  	_ =	shalt  }
0x83: {  	_ =	shalt  }
0x84: {  	_ =	shalt  }
0x85: {  	_ =	shalt  }
0x86: {  	_ =	shalt  }
0x87: {  	_ =	shalt  }
.Lfunc_end0:
.L_simem_size_0:
called_computation.1_lowered:
.L_overlay_start_0:
0x88: {  	s2 =	sld [smem:$0x3FD9]  }
0x89: {  	s3 =	sld [smem:$0x3FFE];
	_ =	sdelay $0x1  }
0x8a: {  	s1 =	srdreg.scid  }
0x8b: {  	s0 =	sand.u32 $0x1, s1  }
0x8c: {  	s16 =	sshll.u32 s0, $0xA;
	s2 =	sadd.s32 s3, s2  }
0x8d: {  	s2 =	sadd.s32 s2, s16  }
0x8e: {  	[smem:$0x3FBB] =	sst s2  }
0x8f: {  	_ = 	snop  }
0x90: {  	(tm) =	ssettm $0x1  }
0x91: {  	s17 =	sld [smem:$0x3FFB];
	_ =	sdelay $0x3  }
0x92: {  	_ =	strace s17  }
0x93: {  	s2 =	sld [smem:$0x3FFC];
	_ =	sdelay $0x3  }
0x94: {  	_ =	strace s2  }
0x95: {  	s2 =	sld [smem:$0x3FFD];
	_ =	sdelay $0x3  }
0x96: {  	_ =	strace s2  }
0x97: {  	_ =	strace $0x8FFFFFFF  }
0x98: {  	s18 =	sld [smem:$0x3FDB];
	_ =	sdelay $0x1  }
0x99: {  	s19 =	simm.s32 $_scs_section_size  }
0x9a: {  	s4 =	simm.s32 $_size__tile_overlayer_lowered;
	s5 =	simm.s32 $_tile_overlayer_lowered  }
0x9b: {  	s22 =	simm.s32 $0x1BFF;
	s21 =	sshll.u32 s5, $0x1;
	s2 =	sadd.s32 s19, s18  }
0x9c: {  	s6 =	simm.s32 $0x0;
	s20 =	sshll.u32 s4, $0x1;
	s4 =	sadd.s32 s21, s2  }
0x9d: {  	[timem:s6], [sflag:s22] =	dma.local [hbm:s4], s20  }
0x9e: {  	_ =	swait.ge [sflag:s22], s20  }
0x9f: {  	s3 =	ssub.s32 $0x0, s20;
	[sflag:s22] =	ssyncset.done $0x0  }
0xa0: {  	[sflag:s22] =	ssyncadd.s32 s3;
	_ =	sdelay $0x1  }
0xa1: {  	s23 =	simm.s32 $0x1B8B  }
0xa2: {  	_ =	swait.ge [sflag:s23], $0x1  }
0xa3: {  	[sflag:s23] =	ssyncset.done $0x0  }
0xa4: {  	s25 =	simm.s32 $0x1B8E;
	s24 =	sld [smem:$0x3FFE];
	[sflag:s23] =	ssyncadd.s32 $0xFFFFFFFF  }
0xa5: {  	s26 =	simm.s32 $execute0_lowered;
	[smem:$0x3FD2] =	sst s25  }
0xa6: {  	s4 =	sshll.u32 s26, $0x1;
	_ =	strace $0x80000049;
	[dreg:$0x1] =	wrdreg $0xFFFFFFFF  }
0xa7: {  	s28 =	simm.s32 $_size_execute0_lowered;
	s2 =	sadd.s32 s2, s4;
	[dreg:$0x0] =	wrdreg $0x0  }
0xa8: {  	s4 =	sshll.u32 s28, $0x1;
	[dreg:$0x2] =	wrdreg s2  }
0xa9: {  	[dreg:$0x3] =	wrdreg s4  }
0xaa: {  	[dreg:$0x4] =	wrdreg $0xC0  }
0xab: {  	_ =	task [dreg:s6], $0x5FFFF  }
0xac: {  	[dreg:$0x1] =	wrdreg $0xFFFFFFFF  }
0xad: {  	[dreg:$0x0] =	wrdreg $0x60  }
0xae: {  	[dreg:$0x2] =	wrdreg s24  }
0xaf: {  	[dreg:$0x3] =	wrdreg $0x8B800  }
0xb0: {  	[dreg:$0x4] =	wrdreg $0x9  }
0xb1: {  	_ =	task.clear_ibuf [dreg:s6], $0x5FFFF;
	_ =	strace $0x90000049  }
0xb2: {  	s29 =	simm.s32 $0x9;
	_ =	strace $0x8000004B  }
0xb3: {  	_ =	swait.ge [sflag:s29], $0x1  }
0xb4: {  	[sflag:s29] =	ssyncadd.s32 $0xFFFFFFFF  }
0xb5: {  	_ =	strace $0x9000004B  }
0xb6: {  	_ =	sfence  }
0xb7: {  	s30 =	sld [smem:$0x0];
	_ =	sdelay $0x2  }
0xb8: {  	s31 =	sshll.u32 s1, $0xD;
	s1 =	sshrl.u32 s1, $0x2  }
0xb9: {  	s3 =	sand.u32 $0x4000, s31;
	s1 =	sadd.s32 s1, s30  }
0xba: {  	s0 =	sor.u32 s3, s0;
	s1 =	sshll.u32 s1, $0x11  }
0xbb: {  	s0 =	sor.u32 s1, s0  }
0xbc: {  	s0 =	sadd.s32 $0x8F2B, s0  }
0xbd: {  	[sflag:s0] =	ssyncadd.remote.s32 $0x1  }
0xbe: {  	_ =	sfence.sel $0xFFFF  }
0xbf: {  	[dreg:$0x0] =	wrdreg $0xFFFFFFFF;
	(pc) =	sbr.abs _section_cstart, $3  }
0xc0: {  	[dreg:$0x1] =	wrdreg $0xFFFFFFFF  }
0xc1: {  	_ =	task.clear_ibuf [dreg:s6], $0x2FFFF;
	_ =	strace $0x9FFFFFFF  }
0xc2: {  	(tm) =	ssettm $0x7FFFFFFF  }
0xc3: {  	_ =	shalt  }
tec
execute0_lowered:
.L_overlay_start_1:
0x0: {  	(tag) =	ssettag $0x1  }
0x1: {  	s0 =	rddreg [dreg:$0x0]  }
0x2: {  	s1 =	rddreg [dreg:$0x1]  }
0x3: {  	s2 =	srdreg.scid;
	s3 =	simm.s32 $0x0;
	s10 =	stileid.u32  }
0x4: {  	s15 =	simm.s32 $0x7;
	s18 =	simm.s32 $0x8;
	s19 =	simm.s32 $0x4B80  }
0x5: {  	s21 =	simm.s32 $0x1;
	s22 =	simm.s32 $0x6;
	s28 =	simm.s32 $0x2  }
0x6: {  	s29 =	simm.s32 $0x3;
	s2 =	sand.u32 $0x1, s2;
	s4 =	sadd.s32 $0x237200, s0  }
0x7: {  	[smem:$0x7FF] =	sst s3;
	s5 =	sadd.s32 $0x10B200, s0;
	s6 =	sadd.s32 $0x3200, s0  }
0x8: {  	s8 =	smul.u32 $0x50000, s10;
	s30 =	sshll.u32 s10, $0x7;
	s24 =	sshll.u32 s2, $0x4  }
0x9: {  	_ =	strace $0x8000004A;
	[dreg:$0x3] =	wrdreg s4;
	s7 =	ssub.s32 $0x2, s2  }
0xa: {  	s2 =	smul.u32 $0x500000, s2;
	s3 =	sor.u32 s10, s24;
	s26 =	sshrl.u32 s7, $0x1  }
0xb: {  	s8 =	sshrl.u32 s8, $0x2;
	s10 =	smul.u32 $0x14000, s10;
	s24 =	simm.s32 $0x4380  }
0xc: {  	s25 =	sshll.u32 s3, $0xB;
	s9 =	sshrl.u32 s3, $0x3;
	s8 =	sadd.s32 s8, s1  }
0xd: {  	s3 =	smul.u32 $0x8C00, s3;
	s4 =	sadd.s32 s25, s0;
	s0 =	sadd.s32 $0x2FEA00, s0  }
0xe: {  	s9 =	smul.u32 $0x13C00, s9;
	s2 =	sadd.s32 s2, s10;
	[dreg:$0x4] =	wrdreg s0  }
.Ltmp0:
0xf: {  	s0 =	ssub.s32 s7, s26;
	[dreg:$0x6] =	wrdreg s3;
	(pc) =	sbr.rel .LBB2_1-.Ltmp0, $4  }
0x10: {  	s7 =	sand.u32 $0x380, s30;
	s31 =	sadd.s32 $0xCB200, s4;
	[dreg:$0x8] =	wrdreg s2  }
0x11: {  	s25 =	simm.s32 $0x28;
	s7 =	sor.u32 s7, s9;
	[dreg:$0x7] =	wrdreg s31  }
0x12: {  	s3 =	simm.s32 $0x8780;
	s0 =	smax.u32 s0, $0x1;
	[dreg:$0x5] =	wrdreg s7  }
0x13: {  	v0 =	vimm.f32 $0.0e+00;
	s26 =	simm.s32 $0x5F80;
	s2 =	simm.s32 $0x0;
	[dreg:$0x9] =	wrdreg s0  }
.LBB2_29:
0x14: {  	[bflag:$0x0] =	sbarrier.arrive $0xFFFF;
	s3 =	simm.s32 $0x8780  }
.LBB2_27:
0x15: {  	s2 =	rddreg [dreg:$0xa]  }
0x16: {  	s0 =	rddreg [dreg:$0x9];
	s2 =	sadd.s32 $0x1, s2  }
0x17: {  	p0 =	sne.s32 s2, s0  }
.Ltmp1:
0x18: {  	_ = 	snop;
	(pc) =	sbr.rel @!p0 .LBB2_28-.Ltmp1, $1  }
0x19: {  	_ =	sdelay $0x3  }
.LBB2_1:
0x1a: {  	[tilespmem:$0x8780] =	vst v0  }
0x1b: {  	[tilespmem:$0x8790] =	vst v0  }
0x1c: {  	[tilespmem:$0x87A0] =	vst v0  }
0x1d: {  	[tilespmem:$0x87B0] =	vst v0  }
0x1e: {  	[tilespmem:$0x87C0] =	vst v0  }
0x1f: {  	[tilespmem:$0x87D0] =	vst v0  }
0x20: {  	[tilespmem:$0x87E0] =	vst v0  }
0x21: {  	[tilespmem:$0x87F0] =	vst v0  }
0x22: {  	[tilespmem:$0x8800] =	vst v0  }
0x23: {  	[tilespmem:$0x8810] =	vst v0  }
0x24: {  	[tilespmem:$0x8820] =	vst v0  }
0x25: {  	[tilespmem:$0x8830] =	vst v0  }
0x26: {  	[tilespmem:$0x8840] =	vst v0  }
0x27: {  	[tilespmem:$0x8850] =	vst v0  }
0x28: {  	[tilespmem:$0x8860] =	vst v0  }
0x29: {  	[tilespmem:$0x8870] =	vst v0  }
0x2a: {  	[tilespmem:$0x8880] =	vst v0  }
0x2b: {  	[tilespmem:$0x8890] =	vst v0  }
0x2c: {  	[tilespmem:$0x88A0] =	vst v0  }
0x2d: {  	[tilespmem:$0x88B0] =	vst v0  }
0x2e: {  	[tilespmem:$0x88C0] =	vst v0  }
0x2f: {  	[tilespmem:$0x88D0] =	vst v0  }
0x30: {  	[tilespmem:$0x88E0] =	vst v0  }
0x31: {  	[tilespmem:$0x88F0] =	vst v0  }
0x32: {  	[tilespmem:$0x8900] =	vst v0  }
0x33: {  	[tilespmem:$0x8910] =	vst v0  }
0x34: {  	[tilespmem:$0x8920] =	vst v0  }
0x35: {  	[tilespmem:$0x8930] =	vst v0  }
0x36: {  	[tilespmem:$0x8940] =	vst v0  }
0x37: {  	[tilespmem:$0x8950] =	vst v0  }
0x38: {  	[tilespmem:$0x8960] =	vst v0  }
0x39: {  	[tilespmem:$0x8970] =	vst v0  }
0x3a: {  	[tilespmem:$0x8980] =	vst v0  }
0x3b: {  	[tilespmem:$0x8990] =	vst v0  }
0x3c: {  	[tilespmem:$0x89A0] =	vst v0  }
0x3d: {  	[tilespmem:$0x89B0] =	vst v0  }
0x3e: {  	[tilespmem:$0x89C0] =	vst v0  }
0x3f: {  	[tilespmem:$0x89D0] =	vst v0  }
0x40: {  	[tilespmem:$0x89E0] =	vst v0  }
0x41: {  	[tilespmem:$0x89F0] =	vst v0  }
0x42: {  	[tilespmem:$0x8A00] =	vst v0  }
0x43: {  	[tilespmem:$0x8A10] =	vst v0  }
0x44: {  	[tilespmem:$0x8A20] =	vst v0  }
0x45: {  	[tilespmem:$0x8A30] =	vst v0  }
0x46: {  	[tilespmem:$0x8A40] =	vst v0  }
0x47: {  	[tilespmem:$0x8A50] =	vst v0  }
0x48: {  	[tilespmem:$0x8A60] =	vst v0  }
0x49: {  	[tilespmem:$0x8A70] =	vst v0  }
0x4a: {  	[tilespmem:$0x8A80] =	vst v0  }
0x4b: {  	[tilespmem:$0x8A90] =	vst v0  }
0x4c: {  	[tilespmem:$0x8AA0] =	vst v0  }
0x4d: {  	[tilespmem:$0x8AB0] =	vst v0  }
0x4e: {  	[tilespmem:$0x8AC0] =	vst v0  }
0x4f: {  	[tilespmem:$0x8AD0] =	vst v0  }
0x50: {  	[tilespmem:$0x8AE0] =	vst v0  }
0x51: {  	[tilespmem:$0x8AF0] =	vst v0  }
0x52: {  	[tilespmem:$0x8B00] =	vst v0  }
0x53: {  	[tilespmem:$0x8B10] =	vst v0  }
0x54: {  	[tilespmem:$0x8B20] =	vst v0  }
0x55: {  	[tilespmem:$0x8B30] =	vst v0  }
0x56: {  	[tilespmem:$0x8B40] =	vst v0  }
0x57: {  	[tilespmem:$0x8B50] =	vst v0  }
0x58: {  	[tilespmem:$0x8B60] =	vst v0  }
0x59: {  	[dreg:$0xa] =	wrdreg s2;
	[tilespmem:$0x8B70] =	vst v0;
	s0 =	simm.s32 $0x0  }
.LBB2_2:
0x5a: {  	p0 =	sne.s32 s0, $0x4F000  }
.Ltmp2:
0x5b: {  	_ = 	snop;
	(pc) =	sbr.rel @p0 .LBB2_2-.Ltmp2, $4  }
0x5c: {  	_ = 	snop  }
0x5d: {  	s2 =	sshra.s32 s0, $0x2  }
0x5e: {  	s0 =	sadd.s32 $0x1000, s0;
	s2 =	sadd.s32 s2, s8  }
0x5f: {  	[spmem:s2] =	stream.linear.scatter [tilespmem:s3], [sflag:$0x7], $0x400, $0x38;
	[tilespmem:$0x1CB80] =	vst v63  }
0x60: {  	_ =	swait.ge [sflag:s15], $0x400  }
0x61: {  	s0 =	simm.s32 $0x4F;
	[sflag:s15] =	ssyncset.done $0x0  }
.LBB2_4:
0x62: {  	p0 =	sne.s32 s0, $0x1;
	s0 =	sadd.s32 $0xFFFFFFFF, s0;
	[sflag:s15] =	ssyncadd.s32 $0xFFFFFC00  }
.Ltmp3:
0x63: {  	(pc) =	sbr.rel @p0 .LBB2_4-.Ltmp3, $3  }
0x64: {  	_ =	sdelay $0x1  }
0x65: {  	_ =	swait.ge [sflag:s15], $0x400  }
0x66: {  	[sflag:s15] =	ssyncset.done $0x0  }
0x67: {  	[sflag:s15] =	ssyncadd.s32 $0xFFFFFC00  }
0x68: {  	s7 =	simm.s32 $0x0;
	[bflag:$0x0] =	sbarrier.arrive $0xFFFF  }
.LBB2_6:
0x69: {  	s0 =	smul.u32 $0x4F000, s7  }
0x6a: {  	s2 =	rddreg [dreg:$0x5]  }
0x6b: {  	s0 =	sadd.s32 s2, s0  }
0x6c: {  	s16 =	rddreg [dreg:$0x3];
	s17 =	simm.s32 $0x80;
	s0 =	sshrl.u32 s0, $0x3  }
0x6d: {  	s3 =	simm.s32 $0x400;
	s4 =	simm.s32 $0x0;
	s0 =	sadd.s32 s16, s0  }
0x6e: {  	[tilespmem:s4], [sflag:$0x8] =	stream.strided.gather [hbm4b:s0+s17], $0x2780, s3, s17, $0x38;
	[tilespmem:$0x1CB80] =	vst v63  }
0x6f: {  	s20 =	smul.u32 $0x118000, s7;
	_ =	swait.ge [sflag:s18], $0x2780  }
0x70: {  	s23 =	sshll.u32 s7, $0x10;
	s9 =	simm.s32 $0x50;
	[sflag:s18] =	ssyncset.done $0x0  }
0x71: {  	s2 =	simm.s32 $0x28;
	[dreg:$0xb] =	wrdreg s7;
	[sflag:s18] =	ssyncadd.s32 $0xFFFFD880  }
0x72: {  	[tilespmem:s19], [sflag:$0x1] =	stream.indirect.gather [hbm4b:s6+s2], $0x80, s4, s2, $0xb8;
	[tilespmem:$0x1CB80] =	vst v63  }
0x73: {  	s10 =	simm.s32 $0x2;
	s11 =	simm.s32 $0x0;
	s31 =	rddreg [dreg:$0x7]  }
0x74: {  	[tilespmem:s26], [sflag:$0x2] =	stream.indirect.gather [hbm4b:s6+s2], $0x80, s2, s2, $0xb8;
	[tilespmem:$0x1CB80] =	vst v63  }
0x75: {  	s12 =	simm.s32 $0x0;
	s13 =	simm.s32 $0x0;
	s26 =	rddreg [dreg:$0x6]  }
0x76: {  	s7 =	simm.s32 $0x1;
	s4 =	sadd.s32 s23, s31;
	s30 =	sadd.s32 s26, s20  }
.LBB2_7:
0x77: {  	s3 =	smul.u32 $0x3, s13;
	_ =	sdelay $0x1  }
0x78: {  	s0 =	sand.u32 $0xFF, s3  }
0x79: {  	s0 =	smul.u32 $0x29, s0;
	_ =	sdelay $0x1  }
0x7a: {  	s0 =	sshrl.u32 s0, $0xB  }
0x7b: {  	s14 =	smul.u32 $0x32, s0;
	_ =	sdelay $0x1  }
0x7c: {  	p0 =	seq.s32 s13, $0x0;
	s14 =	ssub.s32 s3, s14  }
0x7d: {  	s16 =	sand.u32 @!p0 $0xFF, s14  }
0x7e: {  	p1 =	sne.s32 @!p0 s16, $0x0  }
0x7f: {  	p0 =	por p0, p1  }
.Ltmp4:
0x80: {  	_ = 	snop;
	(pc) =	sbr.rel @p0 .LBB2_9-.Ltmp4, $4  }
0x81: {  	_ = 	snop  }
0x82: {  	_ =	swait.ge [sflag:s21], $0x1400  }
0x83: {  	[sflag:s21] =	ssyncset.done $0x0  }
0x84: {  	[sflag:s21] =	ssyncadd.s32 $0xFFFFEC00;
	s23 =	sand.u32 $0xFF, s14  }
0x85: {  	_ =	swait.ge [sflag:s22], $0x1400  }
0x86: {  	[sflag:s22] =	ssyncset.done $0x0  }
0x87: {  	[sflag:s22] =	ssyncadd.s32 $0xFFFFEC00  }
.LBB2_10:
0x88: {  	s14 =	smul.u32 $0x1C00, s0;
	_ =	sdelay $0x1  }
0x89: {  	s14 =	sadd.s32 s14, s30  }
0x8a: {  	s14 =	sshrl.u32 s14, $0x3  }
0x8b: {  	s16 =	simm.s32 $0x0;
	s17 =	simm.s32 $0x2780;
	s14 =	sadd.s32 s5, s14  }
0x8c: {  	[tilespmem:s17], [sflag:$0x8] =	stream.linear.gather [hbm4b:s14+s16], $0x1900, $0x38;
	[tilespmem:$0x1CB80] =	vst v63  }
0x8d: {  	s20 =	sshll.u32 s0, $0x4;
	_ =	swait.ge [sflag:s18], $0x1900  }
0x8e: {  	s26 =	simm.s32 $0x80;
	s31 =	simm.s32 $0x400;
	[sflag:s18] =	ssyncset.done $0x0  }
.Ltmp5:
0x8f: {  	s0 =	sadd.s32 s20, s4;
	[sflag:s18] =	ssyncadd.s32 $0xFFFFE700;
	(pc) =	sbr.rel .LBB2_11-.Ltmp5, $4  }
0x90: {  	[tilespmem:s24], [sflag:$0x8] =	stream.strided.gather [hbm4b:s0+s26], $0x800, s31, s26, $0x38;
	[tilespmem:$0x1CB80] =	vst v63  }
0x91: {  	_ =	swait.ge [sflag:s18], $0x800  }
0x92: {  	[sflag:s18] =	ssyncset.done $0x0  }
0x93: {  	[sflag:s18] =	ssyncadd.s32 $0xFFFFF800  }
.LBB2_9:
0x94: {  	p0 =	sne.s32 s23, $0x0  }
.Ltmp6:
0x95: {  	_ = 	snop;
	(pc) =	sbr.rel @!p0 .LBB2_10-.Ltmp6, $1  }
0x96: {  	_ =	sdelay $0x3  }
.LBB2_11:
0x97: {  	s0 =	smulhi.u32 $0x51EB851F, s11;
	_ =	sdelay $0x1  }
0x98: {  	s0 =	sshrl.u32 s0, $0x4  }
0x99: {  	s0 =	smul.u32 $0x7D0, s0;
	_ =	sdelay $0x1  }
0x9a: {  	s17 =	ssub.s32 s12, s0  }
0x9b: {  	s0 =	sadd.s32 $0x0, s17  }
0x9c: {  	v1 =	vmov s0  }
0x9d: {  	s16 =	simm.s32 $0x4BC0  }
0x9e: {  	v5 =	vld [tilespmem:s16+$0x30]  }
0x9f: {  	v8 =	vld [tilespmem:s16+$0x10]  }
0xa0: {  	v6 =	vld [tilespmem:s16+$0xFFFFFFC0]  }
0xa1: {  	v1 =	vld.idx.msk [tilespmem:v1+s24+$0x0], $0xffff  }
0xa2: {  	s14 =	smulhi.u32 $0x51EB851F, s7;
	v10 =	vld [tilespmem:s16+$0xFFFFFFE0]  }
0xa3: {  	s26 =	smulhi.u32 $0x51EB851F, s10;
	v2 =	vld [tilespmem:s16+$0xFFFFFFF0]  }
0xa4: {  	v3 =	vld [tilespmem:s16+$0x20];
	s14 =	sshrl.u32 s14, $0x4  }
0xa5: {  	v4 =	vld [tilespmem:s16+$0xFFFFFFD0];
	s14 =	smul.u32 $0x7D0, s14;
	s0 =	sshrl.u32 s26, $0x4  }
0xa6: {  	s0 =	smul.u32 $0x7D0, s0;
	v9 =	vmul.f32 v5, v1;
	v5 =	vld [tilespmem:s16+$0x0]  }
0xa7: {  	s20 =	simm.s32 $0x4BC0;
	v7 =	vmul.f32 v6, v1  }
0xa8: {  	s31 =	ssub.s32 s9, s0;
	s0 =	ssub.s32 s2, s14;
	s14 =	simm.s32 $0x1;
	v6 =	vmul.f32 v10, v1;
	v8 =	vmul.f32 v8, v1  }
.LBB2_12:
0xa9: {  	p0 =	sne.s32 s14, $0x27  }
0xaa: {  	v4 =	vmul.f32 v4, v1;
	v3 =	vmul.f32 v3, v1;
	[tilespmem:s16+$0x30] =	vst v9;
	s20 =	sadd.s32 $0x80, s20;
	s26 =	smov.u32 s14;
	s14 =	sadd.s32 $0x1, s14  }
0xab: {  	[tilespmem:s16+$0xFFFFFFC0] =	vst v7;
	v7 =	vmul.f32 v2, v1;
	v1 =	vmul.f32 v5, v1  }
0xac: {  	s26 =	sadd.s32 s26, s17;
	[tilespmem:s16+$0x10] =	vst v8  }
0xad: {  	v5 =	vmov s26;
	[tilespmem:s16+$0xFFFFFFE0] =	vst v6  }
0xae: {  	v2 =	vld [tilespmem:s20+$0xFFFFFFF0];
	[tilespmem:s16+$0xFFFFFFF0] =	vst v7  }
0xaf: {  	v6 =	vld [tilespmem:s20+$0x30];
	[tilespmem:s16+$0x0] =	vst v1  }
0xb0: {  	v8 =	vld [tilespmem:s20+$0x10];
	[tilespmem:s16+$0x20] =	vst v3  }
0xb1: {  	v7 =	vld [tilespmem:s20+$0xFFFFFFC0];
	[tilespmem:s16+$0xFFFFFFD0] =	vst v4;
	s16 =	smov.u32 s20  }
0xb2: {  	v1 =	vld.idx.msk [tilespmem:v5+s24+$0x0], $0xffff  }
0xb3: {  	v10 =	vld [tilespmem:s20+$0xFFFFFFE0]  }
0xb4: {  	v3 =	vld [tilespmem:s20+$0x20]  }
.Ltmp7:
0xb5: {  	v4 =	vld [tilespmem:s20+$0xFFFFFFD0];
	(pc) =	sbr.rel @p0 .LBB2_12-.Ltmp7, $3  }
0xb6: {  	v5 =	vld [tilespmem:s20+$0x0];
	_ =	sdelay $0x1  }
0xb7: {  	v7 =	vmul.f32 v7, v1;
	v9 =	vmul.f32 v6, v1  }
0xb8: {  	v8 =	vmul.f32 v8, v1;
	v6 =	vmul.f32 v10, v1  }
0xb9: {  	[tilespmem:s16+$0x30] =	vst v9  }
0xba: {  	[tilespmem:s16+$0xFFFFFFC0] =	vst v7  }
0xbb: {  	v2 =	vmul.f32 v2, v1;
	[tilespmem:s16+$0x10] =	vst v8  }
0xbc: {  	v3 =	vmul.f32 v3, v1;
	[tilespmem:s16+$0xFFFFFFE0] =	vst v6  }
0xbd: {  	v5 =	vmul.f32 v5, v1;
	[tilespmem:s16+$0xFFFFFFF0] =	vst v2  }
0xbe: {  	v1 =	vmul.f32 v4, v1;
	[tilespmem:s16+$0x20] =	vst v3  }
0xbf: {  	s14 =	sshll.u32 s23, $0x7;
	[tilespmem:s16+$0x0] =	vst v5  }
0xc0: {  	s14 =	sadd.s32 $0x2780, s14;
	[tilespmem:s16+$0xFFFFFFD0] =	vst v1  }
0xc1: {  	[spmem:s1] =	stream.indirect.scatter.add.f32 [tilespmem:s19], [sflag:$0x4], $0x80, s14, s25, $0xb8;
	[tilespmem:$0x1CB80] =	vst v63  }
0xc2: {  	p0 =	seq.s32 s23, $0x0;
	s14 =	sadd.s32 $0x1, s3  }
0xc3: {  	s16 =	simm.s32 @!p0 $0x6;
	s3 =	sadd.s32 $0x2, s3;
	s17 =	smulhi.u32 $0x51EB851F, s14  }
0xc4: {  	_ =	swait.ge @!p0 [sflag:s16], $0x1400;
	s20 =	smul.u32 $0xA0, s3  }
0xc5: {  	s23 =	simm.s32 $0x7380;
	[sflag:s16] =	ssyncset.done @!p0 $0x0;
	s17 =	sshrl.u32 s17, $0x4  }
0xc6: {  	[sflag:s16] =	ssyncadd.s32 @!p0 $0xFFFFEC00;
	s20 =	sshra.s32 s20, $0x2;
	s17 =	smul.u32 $0x32, s17  }
0xc7: {  	[tilespmem:s23], [sflag:$0x3] =	stream.indirect.gather [hbm4b:s6+s25], $0x80, s20, s25, $0xb8;
	[tilespmem:$0x1CB80] =	vst v63  }
0xc8: {  	s23 =	ssub.s32 s14, s17  }
0xc9: {  	p0 =	sne.s32 s23, $0x0  }
0xca: {  	s14 =	smulhi.u32 @!p0 $0x51EB851F, s14;
	_ =	sdelay $0x1  }
0xcb: {  	_ =	swait.ge [sflag:s28], $0x1400;
	s16 =	sshrl.u32 @!p0 s14, $0x4  }
0xcc: {  	[sflag:s28] =	ssyncset.done $0x0;
	s16 =	smul.u32 @!p0 $0x1C00, s16  }
0xcd: {  	[sflag:s28] =	ssyncadd.s32 $0xFFFFEC00;
	s17 =	simm.s32 @!p0 $0x4  }
0xce: {  	_ =	swait.ge @!p0 [sflag:s17], $0x1400;
	s16 =	sadd.s32 @!p0 s16, s30  }
0xcf: {  	s20 =	simm.s32 @!p0 $0x2780;
	[sflag:s17] =	ssyncset.done @!p0 $0x0;
	s16 =	sshrl.u32 @!p0 s16, $0x3  }
0xd0: {  	[sflag:s17] =	ssyncadd.s32 @!p0 $0xFFFFEC00;
	s17 =	simm.s32 @!p0 $0x0;
	s16 =	sadd.s32 @!p0 s5, s16  }
0xd1: {  	[tilespmem:s20], [sflag:$0x8] =	stream.linear.gather @!p0 [hbm4b:s16+s17], $0x1900, $0x38;
	[tilespmem:$0x1CB80] =	vst v63  }
0xd2: {  	s26 =	simm.s32 @!p0 $0x4380;
	s16 =	simm.s32 @!p0 $0x8;
	s17 =	sshll.u32 @!p0 s14, $0x4  }
0xd3: {  	s14 =	sand.u32 @!p0 $0x70, s14;
	_ =	swait.ge @!p0 [sflag:s16], $0x1900;
	s17 =	sand.u32 @!p0 $0x1800, s17  }
0xd4: {  	s20 =	simm.s32 @!p0 $0x400;
	[sflag:s16] =	ssyncset.done @!p0 $0x0;
	s17 =	sadd.s32 @!p0 s17, s4  }
0xd5: {  	[sflag:s16] =	ssyncadd.s32 @!p0 $0xFFFFE700;
	s14 =	sadd.s32 @!p0 s14, s17;
	s17 =	simm.s32 @!p0 $0x80  }
0xd6: {  	[tilespmem:s26], [sflag:$0x8] =	stream.strided.gather @!p0 [hbm4b:s14+s17], $0x800, s20, s17, $0x38;
	[tilespmem:$0x1CB80] =	vst v63  }
0xd7: {  	s26 =	sadd.s32 $0x0, s0;
	_ =	swait.ge @!p0 [sflag:s16], $0x800  }
0xd8: {  	v1 =	vmov s26;
	[sflag:s16] =	ssyncset.done @!p0 $0x0  }
0xd9: {  	[sflag:s16] =	ssyncadd.s32 @!p0 $0xFFFFF800;
	s16 =	simm.s32 $0x5FC0  }
0xda: {  	v5 =	vld [tilespmem:s16+$0x30]  }
0xdb: {  	v8 =	vld [tilespmem:s16+$0x10]  }
0xdc: {  	v6 =	vld [tilespmem:s16+$0xFFFFFFC0]  }
0xdd: {  	v2 =	vld.idx.msk [tilespmem:v1+s24+$0x0], $0xffff  }
0xde: {  	v10 =	vld [tilespmem:s16+$0xFFFFFFE0]  }
0xdf: {  	v3 =	vld [tilespmem:s16+$0x20]  }
0xe0: {  	v4 =	vld [tilespmem:s16+$0xFFFFFFD0]  }
0xe1: {  	v1 =	vld [tilespmem:s16+$0xFFFFFFF0]  }
0xe2: {  	v9 =	vmul.f32 v5, v2;
	v5 =	vld [tilespmem:s16+$0x0]  }
0xe3: {  	v7 =	vmul.f32 v6, v2  }
0xe4: {  	s14 =	simm.s32 $0x1;
	s17 =	simm.s32 $0x5FC0;
	v6 =	vmul.f32 v10, v2;
	v8 =	vmul.f32 v8, v2  }
.LBB2_14:
0xe5: {  	p0 =	sne.s32 s14, $0x27  }
0xe6: {  	v4 =	vmul.f32 v4, v2;
	v3 =	vmul.f32 v3, v2;
	[tilespmem:s16+$0x30] =	vst v9;
	s17 =	sadd.s32 $0x80, s17;
	s20 =	smov.u32 s14;
	s14 =	sadd.s32 $0x1, s14  }
0xe7: {  	[tilespmem:s16+$0xFFFFFFC0] =	vst v7;
	v7 =	vmul.f32 v1, v2;
	v2 =	vmul.f32 v5, v2  }
0xe8: {  	s20 =	sadd.s32 s20, s0;
	[tilespmem:s16+$0x10] =	vst v8  }
0xe9: {  	v5 =	vmov s20;
	[tilespmem:s16+$0xFFFFFFE0] =	vst v6  }
0xea: {  	v1 =	vld [tilespmem:s17+$0xFFFFFFF0];
	[tilespmem:s16+$0xFFFFFFF0] =	vst v7  }
0xeb: {  	v6 =	vld [tilespmem:s17+$0x30];
	[tilespmem:s16+$0x0] =	vst v2  }
0xec: {  	v8 =	vld [tilespmem:s17+$0x10];
	[tilespmem:s16+$0x20] =	vst v3  }
0xed: {  	v7 =	vld [tilespmem:s17+$0xFFFFFFC0];
	[tilespmem:s16+$0xFFFFFFD0] =	vst v4;
	s16 =	smov.u32 s17  }
0xee: {  	v2 =	vld.idx.msk [tilespmem:v5+s24+$0x0], $0xffff  }
0xef: {  	v10 =	vld [tilespmem:s17+$0xFFFFFFE0]  }
0xf0: {  	v3 =	vld [tilespmem:s17+$0x20]  }
.Ltmp8:
0xf1: {  	v4 =	vld [tilespmem:s17+$0xFFFFFFD0];
	(pc) =	sbr.rel @p0 .LBB2_14-.Ltmp8, $3  }
0xf2: {  	v5 =	vld [tilespmem:s17+$0x0];
	_ =	sdelay $0x1  }
0xf3: {  	v7 =	vmul.f32 v7, v2;
	v9 =	vmul.f32 v6, v2  }
0xf4: {  	v8 =	vmul.f32 v8, v2;
	v6 =	vmul.f32 v10, v2  }
0xf5: {  	[tilespmem:s16+$0x30] =	vst v9  }
0xf6: {  	[tilespmem:s16+$0xFFFFFFC0] =	vst v7  }
0xf7: {  	v1 =	vmul.f32 v1, v2;
	[tilespmem:s16+$0x10] =	vst v8  }
0xf8: {  	v3 =	vmul.f32 v3, v2;
	[tilespmem:s16+$0xFFFFFFE0] =	vst v6  }
0xf9: {  	v5 =	vmul.f32 v5, v2;
	[tilespmem:s16+$0xFFFFFFF0] =	vst v1  }
0xfa: {  	s0 =	sshll.u32 s23, $0x7;
	p0 =	seq.s32 s23, $0x0;
	s23 =	smulhi.u32 $0x51EB851F, s3;
	v1 =	vmul.f32 v4, v2;
	[tilespmem:s16+$0x20] =	vst v3  }
0xfb: {  	s0 =	sand.u32 $0x3FFFFF80, s0;
	[tilespmem:s16+$0x0] =	vst v5  }
0xfc: {  	s26 =	simm.s32 $0x5F80;
	s0 =	sadd.s32 $0x2780, s0;
	[tilespmem:s16+$0xFFFFFFD0] =	vst v1;
	s16 =	sshrl.u32 s23, $0x4  }
0xfd: {  	[spmem:s1] =	stream.indirect.scatter.add.f32 [tilespmem:s26], [sflag:$0x5], $0x80, s0, s25, $0xb8;
	[tilespmem:$0x1CB80] =	vst v63  }
0xfe: {  	s14 =	simm.s32 @!p0 $0x4;
	s16 =	smul.u32 $0x32, s16  }
0xff: {  	s20 =	smul.u32 $0x1E0, s13;
	_ =	swait.ge @!p0 [sflag:s14], $0x1400  }
0x100: {  	[sflag:s14] =	ssyncset.done @!p0 $0x0;
	s23 =	ssub.s32 s3, s16  }
0x101: {  	s0 =	sshra.s32 s20, $0x2;
	[sflag:s14] =	ssyncadd.s32 @!p0 $0xFFFFEC00;
	p0 =	sne.s32 s23, $0x0  }
0x102: {  	s17 =	sadd.s32 $0x78, s0;
	s3 =	smulhi.u32 @!p0 $0x51EB851F, s3  }
0x103: {  	[tilespmem:s19], [sflag:$0x1] =	stream.indirect.gather [hbm4b:s6+s25], $0x80, s17, s25, $0xb8;
	[tilespmem:$0x1CB80] =	vst v63  }
0x104: {  	_ =	swait.ge [sflag:s29], $0x1400;
	s14 =	sshrl.u32 @!p0 s3, $0x4  }
0x105: {  	[sflag:s29] =	ssyncset.done $0x0;
	s14 =	smul.u32 @!p0 $0x1C00, s14  }
0x106: {  	s16 =	simm.s32 @!p0 $0x5;
	[sflag:s29] =	ssyncadd.s32 $0xFFFFEC00  }
0x107: {  	_ =	swait.ge @!p0 [sflag:s16], $0x1400;
	s14 =	sadd.s32 @!p0 s14, s30  }
0x108: {  	s17 =	simm.s32 @!p0 $0x2780;
	[sflag:s16] =	ssyncset.done @!p0 $0x0;
	s14 =	sshrl.u32 @!p0 s14, $0x3  }
0x109: {  	[sflag:s16] =	ssyncadd.s32 @!p0 $0xFFFFEC00;
	s16 =	simm.s32 @!p0 $0x0;
	s14 =	sadd.s32 @!p0 s5, s14  }
0x10a: {  	[tilespmem:s17], [sflag:$0x8] =	stream.linear.gather @!p0 [hbm4b:s14+s16], $0x1900, $0x38;
	[tilespmem:$0x1CB80] =	vst v63  }
0x10b: {  	s20 =	simm.s32 @!p0 $0x4380;
	s14 =	simm.s32 @!p0 $0x8;
	s16 =	sshll.u32 @!p0 s3, $0x4  }
0x10c: {  	s3 =	sand.u32 @!p0 $0x70, s3;
	_ =	swait.ge @!p0 [sflag:s14], $0x1900;
	s16 =	sand.u32 @!p0 $0x1800, s16  }
0x10d: {  	s17 =	simm.s32 @!p0 $0x400;
	[sflag:s14] =	ssyncset.done @!p0 $0x0;
	s16 =	sadd.s32 @!p0 s16, s4  }
0x10e: {  	[sflag:s14] =	ssyncadd.s32 @!p0 $0xFFFFE700;
	s3 =	sadd.s32 @!p0 s3, s16;
	s16 =	simm.s32 @!p0 $0x80  }
0x10f: {  	[tilespmem:s20], [sflag:$0x8] =	stream.strided.gather @!p0 [hbm4b:s3+s16], $0x800, s17, s16, $0x38;
	[tilespmem:$0x1CB80] =	vst v63  }
0x110: {  	s20 =	sadd.s32 $0x0, s31;
	_ =	swait.ge @!p0 [sflag:s14], $0x800  }
0x111: {  	v1 =	vmov s20;
	[sflag:s14] =	ssyncset.done @!p0 $0x0  }
0x112: {  	s3 =	simm.s32 $0x73C0;
	[sflag:s14] =	ssyncadd.s32 @!p0 $0xFFFFF800  }
0x113: {  	v5 =	vld [tilespmem:s3+$0x30]  }
0x114: {  	v8 =	vld [tilespmem:s3+$0x10]  }
0x115: {  	v6 =	vld [tilespmem:s3+$0xFFFFFFC0]  }
0x116: {  	v2 =	vld.idx.msk [tilespmem:v1+s24+$0x0], $0xffff  }
0x117: {  	v10 =	vld [tilespmem:s3+$0xFFFFFFE0]  }
0x118: {  	v3 =	vld [tilespmem:s3+$0x20]  }
0x119: {  	v4 =	vld [tilespmem:s3+$0xFFFFFFD0]  }
0x11a: {  	v1 =	vld [tilespmem:s3+$0xFFFFFFF0]  }
0x11b: {  	v9 =	vmul.f32 v5, v2;
	v5 =	vld [tilespmem:s3+$0x0]  }
0x11c: {  	v7 =	vmul.f32 v6, v2  }
0x11d: {  	s16 =	simm.s32 $0x73C0;
	s14 =	simm.s32 $0x1;
	v6 =	vmul.f32 v10, v2;
	v8 =	vmul.f32 v8, v2  }
.LBB2_16:
0x11e: {  	p0 =	sne.s32 s14, $0x27  }
0x11f: {  	v4 =	vmul.f32 v4, v2;
	v3 =	vmul.f32 v3, v2;
	[tilespmem:s3+$0x30] =	vst v9;
	s16 =	sadd.s32 $0x80, s16;
	s17 =	smov.u32 s14;
	s14 =	sadd.s32 $0x1, s14  }
0x120: {  	[tilespmem:s3+$0xFFFFFFC0] =	vst v7;
	v7 =	vmul.f32 v1, v2;
	v2 =	vmul.f32 v5, v2  }
0x121: {  	s17 =	sadd.s32 s17, s31;
	[tilespmem:s3+$0x10] =	vst v8  }
0x122: {  	v5 =	vmov s17;
	[tilespmem:s3+$0xFFFFFFE0] =	vst v6  }
0x123: {  	v1 =	vld [tilespmem:s16+$0xFFFFFFF0];
	[tilespmem:s3+$0xFFFFFFF0] =	vst v7  }
0x124: {  	v6 =	vld [tilespmem:s16+$0x30];
	[tilespmem:s3+$0x0] =	vst v2  }
0x125: {  	v8 =	vld [tilespmem:s16+$0x10];
	[tilespmem:s3+$0x20] =	vst v3  }
0x126: {  	v7 =	vld [tilespmem:s16+$0xFFFFFFC0];
	[tilespmem:s3+$0xFFFFFFD0] =	vst v4;
	s3 =	smov.u32 s16  }
0x127: {  	v2 =	vld.idx.msk [tilespmem:v5+s24+$0x0], $0xffff  }
0x128: {  	v10 =	vld [tilespmem:s16+$0xFFFFFFE0]  }
0x129: {  	v3 =	vld [tilespmem:s16+$0x20]  }
.Ltmp9:
0x12a: {  	v4 =	vld [tilespmem:s16+$0xFFFFFFD0];
	(pc) =	sbr.rel @p0 .LBB2_16-.Ltmp9, $3  }
0x12b: {  	v5 =	vld [tilespmem:s16+$0x0];
	_ =	sdelay $0x1  }
0x12c: {  	v7 =	vmul.f32 v7, v2;
	v9 =	vmul.f32 v6, v2  }
0x12d: {  	v8 =	vmul.f32 v8, v2;
	v6 =	vmul.f32 v10, v2  }
0x12e: {  	[tilespmem:s3+$0x30] =	vst v9  }
0x12f: {  	[tilespmem:s3+$0xFFFFFFC0] =	vst v7  }
0x130: {  	v1 =	vmul.f32 v1, v2;
	[tilespmem:s3+$0x10] =	vst v8  }
0x131: {  	v3 =	vmul.f32 v3, v2;
	[tilespmem:s3+$0xFFFFFFE0] =	vst v6  }
0x132: {  	v5 =	vmul.f32 v5, v2;
	[tilespmem:s3+$0xFFFFFFF0] =	vst v1  }
0x133: {  	s14 =	sshll.u32 s23, $0x7;
	p0 =	seq.s32 s23, $0x0;
	v1 =	vmul.f32 v4, v2;
	[tilespmem:s3+$0x20] =	vst v3  }
0x134: {  	s31 =	simm.s32 $0x7380;
	p1 =	seq.s32 s13, $0x52;
	s14 =	sand.u32 $0x3FFFFF80, s14;
	[tilespmem:s3+$0x0] =	vst v5  }
.Ltmp10:
0x135: {  	s23 =	sadd.s32 $0x2780, s14;
	[tilespmem:s3+$0xFFFFFFD0] =	vst v1;
	s3 =	simm.s32 @!p0 $0x5;
	(pc) =	sbr.rel @p1 .LBB2_19-.Ltmp10, $4  }
0x136: {  	[spmem:s1] =	stream.indirect.scatter.add.f32 [tilespmem:s31], [sflag:$0x6], $0x80, s23, s25, $0xb8;
	[tilespmem:$0x1CB80] =	vst v63  }
0x137: {  	_ =	swait.ge @!p0 [sflag:s3], $0x1400  }
0x138: {  	[sflag:s3] =	ssyncset.done @!p0 $0x0  }
0x139: {  	[sflag:s3] =	ssyncadd.s32 @!p0 $0xFFFFEC00  }
.Ltmp11:
0x13a: {  	(pc) =	sbr.rel .LBB2_7-.Ltmp11, $4  }
0x13b: {  	s0 =	sadd.s32 $0xA0, s0;
	s13 =	sadd.s32 $0x1, s13  }
0x13c: {  	s12 =	sadd.s32 $0x78, s12;
	s11 =	sadd.s32 $0x3, s11;
	s2 =	sadd.s32 $0x78, s2  }
0x13d: {  	s7 =	sadd.s32 $0x3, s7;
	s9 =	sadd.s32 $0x78, s9;
	s10 =	sadd.s32 $0x3, s10  }
0x13e: {  	[tilespmem:s26], [sflag:$0x2] =	stream.indirect.gather [hbm4b:s6+s25], $0x80, s0, s25, $0xb8;
	[tilespmem:$0x1CB80] =	vst v63  }
.LBB2_19:
0x13f: {  	_ =	swait.ge [sflag:s21], $0x1400;
	s0 =	simm.s32 $0x7A8  }
0x140: {  	[sflag:s21] =	ssyncset.done $0x0;
	v1 =	vmov s0  }
0x141: {  	s0 =	simm.s32 $0x4BC0;
	[sflag:s21] =	ssyncadd.s32 $0xFFFFEC00  }
0x142: {  	v5 =	vld [tilespmem:s0+$0x30]  }
0x143: {  	v8 =	vld [tilespmem:s0+$0x10]  }
0x144: {  	v6 =	vld [tilespmem:s0+$0xFFFFFFC0]  }
0x145: {  	v2 =	vld.idx.msk [tilespmem:v1+s24+$0x0], $0xffff  }
0x146: {  	v10 =	vld [tilespmem:s0+$0xFFFFFFE0]  }
0x147: {  	v3 =	vld [tilespmem:s0+$0x20]  }
0x148: {  	v4 =	vld [tilespmem:s0+$0xFFFFFFD0]  }
0x149: {  	v1 =	vld [tilespmem:s0+$0xFFFFFFF0]  }
0x14a: {  	v9 =	vmul.f32 v5, v2;
	v5 =	vld [tilespmem:s0+$0x0]  }
0x14b: {  	v7 =	vmul.f32 v6, v2  }
0x14c: {  	s2 =	simm.s32 $0x7A9;
	s3 =	simm.s32 $0x4BC0;
	v6 =	vmul.f32 v10, v2;
	v8 =	vmul.f32 v8, v2  }
.LBB2_20:
0x14d: {  	p0 =	sne.s32 s2, $0x7CF  }
0x14e: {  	v4 =	vmul.f32 v4, v2;
	v3 =	vmul.f32 v3, v2;
	[tilespmem:s0+$0x30] =	vst v9;
	s3 =	sadd.s32 $0x80, s3;
	s4 =	smov.u32 s2;
	s2 =	sadd.s32 $0x1, s2  }
0x14f: {  	[tilespmem:s0+$0xFFFFFFC0] =	vst v7;
	v7 =	vmul.f32 v1, v2;
	v2 =	vmul.f32 v5, v2  }
0x150: {  	[tilespmem:s0+$0x10] =	vst v8  }
0x151: {  	v5 =	vmov s4;
	[tilespmem:s0+$0xFFFFFFE0] =	vst v6  }
0x152: {  	v1 =	vld [tilespmem:s3+$0xFFFFFFF0];
	[tilespmem:s0+$0xFFFFFFF0] =	vst v7  }
0x153: {  	v6 =	vld [tilespmem:s3+$0x30];
	[tilespmem:s0+$0x0] =	vst v2  }
0x154: {  	v8 =	vld [tilespmem:s3+$0x10];
	[tilespmem:s0+$0x20] =	vst v3  }
0x155: {  	v7 =	vld [tilespmem:s3+$0xFFFFFFC0];
	[tilespmem:s0+$0xFFFFFFD0] =	vst v4;
	s0 =	smov.u32 s3  }
0x156: {  	v2 =	vld.idx.msk [tilespmem:v5+s24+$0x0], $0xffff  }
0x157: {  	v10 =	vld [tilespmem:s3+$0xFFFFFFE0]  }
0x158: {  	v3 =	vld [tilespmem:s3+$0x20]  }
.Ltmp12:
0x159: {  	v4 =	vld [tilespmem:s3+$0xFFFFFFD0];
	(pc) =	sbr.rel @p0 .LBB2_20-.Ltmp12, $3  }
0x15a: {  	v5 =	vld [tilespmem:s3+$0x0];
	_ =	sdelay $0x1  }
0x15b: {  	v7 =	vmul.f32 v7, v2;
	v9 =	vmul.f32 v6, v2  }
0x15c: {  	v8 =	vmul.f32 v8, v2;
	v6 =	vmul.f32 v10, v2  }
0x15d: {  	[tilespmem:s0+$0x30] =	vst v9  }
0x15e: {  	[tilespmem:s0+$0xFFFFFFC0] =	vst v7  }
0x15f: {  	v1 =	vmul.f32 v1, v2;
	[tilespmem:s0+$0x10] =	vst v8  }
0x160: {  	v3 =	vmul.f32 v3, v2;
	[tilespmem:s0+$0xFFFFFFE0] =	vst v6  }
0x161: {  	v5 =	vmul.f32 v5, v2;
	[tilespmem:s0+$0xFFFFFFF0] =	vst v1  }
0x162: {  	v1 =	vmul.f32 v4, v2;
	[tilespmem:s0+$0x20] =	vst v3  }
0x163: {  	[tilespmem:s0+$0x0] =	vst v5  }
0x164: {  	s17 =	simm.s32 $0x4000;
	[tilespmem:s0+$0xFFFFFFD0] =	vst v1  }
0x165: {  	[spmem:s1] =	stream.indirect.scatter.add.f32 [tilespmem:s19], [sflag:$0x4], $0x80, s17, s25, $0xb8;
	[tilespmem:$0x1CB80] =	vst v63  }
0x166: {  	_ =	swait.ge [sflag:s22], $0x1400  }
0x167: {  	[sflag:s22] =	ssyncset.done $0x0  }
0x168: {  	s2 =	simm.s32 $0x4;
	[sflag:s22] =	ssyncadd.s32 $0xFFFFEC00  }
0x169: {  	_ =	swait.ge [sflag:s2], $0x1400  }
0x16a: {  	s7 =	rddreg [dreg:$0xb]  }
0x16b: {  	s30 =	stileid.u32;
	[sflag:s2] =	ssyncset.done $0x0;
	s20 =	smul.u32 $0x140000, s7  }
0x16c: {  	s31 =	sshrl.u32 s8, $0x3;
	s23 =	rddreg [dreg:$0x8];
	[sflag:s2] =	ssyncadd.s32 $0xFFFFEC00  }
0x16d: {  	s2 =	sshll.u32 s30, $0x6;
	[bflag:$0x0] =	sbarrier.arrive $0xFFFF;
	s0 =	sadd.s32 s20, s23  }
0x16e: {  	p0 =	sne.s32 s7, $0x3;
	s3 =	rddreg [dreg:$0x4];
	s0 =	sshrl.u32 s0, $0x3  }
.Ltmp13:
0x16f: {  	s2 =	sor.u32 $0x1C08, s2;
	s0 =	sadd.s32 s3, s0;
	(pc) =	sbr.rel @!p0 .LBB2_29-.Ltmp13, $4  }
0x170: {  	[hbm:s0], [sflag:s2] =	dma.local [spmem:s31], $0x2800  }
0x171: {  	_ =	swait.ge [sflag:s18], $0x2800  }
0x172: {  	[sflag:s18] =	ssyncset.done $0x0  }
0x173: {  	[sflag:s18] =	ssyncadd.s32 $0xFFFFD800  }
0x174: {  	s7 =	sadd.s32 $0x1, s7;
	s0 =	simm.s32 $0x0;
	s3 =	simm.s32 $0x8780  }
.LBB2_23:
0x175: {  	p0 =	sne.s32 s0, $0x4F000  }
.Ltmp14:
0x176: {  	_ = 	snop;
	(pc) =	sbr.rel @p0 .LBB2_23-.Ltmp14, $4  }
0x177: {  	_ = 	snop  }
0x178: {  	s2 =	sshra.s32 s0, $0x2  }
0x179: {  	s0 =	sadd.s32 $0x1000, s0;
	s2 =	sadd.s32 s2, s8  }
0x17a: {  	[spmem:s2] =	stream.linear.scatter [tilespmem:s3], [sflag:$0x7], $0x400, $0x38;
	[tilespmem:$0x1CB80] =	vst v63  }
0x17b: {  	_ =	swait.ge [sflag:s15], $0x400  }
0x17c: {  	s0 =	simm.s32 $0x4F;
	[sflag:s15] =	ssyncset.done $0x0  }
.LBB2_25:
0x17d: {  	p0 =	sne.s32 s0, $0x1;
	s0 =	sadd.s32 $0xFFFFFFFF, s0;
	[sflag:s15] =	ssyncadd.s32 $0xFFFFFC00  }
.Ltmp15:
0x17e: {  	(pc) =	sbr.rel @p0 .LBB2_25-.Ltmp15, $3  }
0x17f: {  	_ =	sdelay $0x1  }
0x180: {  	_ =	swait.ge [sflag:s15], $0x400  }
0x181: {  	[sflag:s15] =	ssyncset.done $0x0  }
0x182: {  	p0 =	sne.s32 s7, $0x4  }
.Ltmp16:
0x183: {  	_ = 	snop;
	(pc) =	sbr.rel @p0 .LBB2_6-.Ltmp16, $4  }
.Ltmp17:
0x184: {  	_ = 	snop;
	(pc) =	sbr.rel @!p0 .LBB2_27-.Ltmp17, $4  }
0x185: {  	[sflag:s15] =	ssyncadd.s32 $0xFFFFFC00  }
0x186: {  	[bflag:$0x0] =	sbarrier.arrive $0xFFFF  }
0x187: {  	_ = 	snop  }
0x188: {  	_ = 	snop  }
.LBB2_28:
0x189: {  	_ =	sfence.sel $0x180000  }
0x18a: {  	[bflag:$0x0] =	sbarrier.arrive $0xFFFF  }
0x18b: {  	_ =	strace $0x9000004A  }
0x18c: {  	s0 =	stileid.u32;
	[bflag:$0x2] =	sbarrier.arrive $0xFFFF  }
0x18d: {  	p0 =	sne.s32 s0, $0x0;
	s0 =	rddreg [dreg:$0x2]  }
0x18e: {  	s0 =	sadd.s32 @!p0 $0x100000, s0  }
0x18f: {  	[sflag:s0] =	ssyncadd.tile.s32 @!p0 $0x1;
	_ =	shalt  }
.Lfunc_end2:
_tile_overlayer_lowered:
.L_overlay_start_2:
0x190: {  	(tag) =	ssettag $0x2  }
0x191: {  	s0 =	rddreg [dreg:$0x0];
	s2 =	stileid.u32  }
0x192: {  	s1 =	rddreg [dreg:$0x1];
	p0 =	sne.s32 s2, $0x0  }
0x193: {  	s3 =	rddreg [dreg:$0x2];
	[bflag:$0x3] =	sbarrier.arrive $0xFFFF;
	s2 =	simm.s32 @!p0 $0x1C08  }
0x194: {  	[timem:s3], [sflag:s2] =	dma.local @!p0 [hbm:s0], s1  }
0x195: {  	s0 =	simm.s32 @!p0 $0x8  }
0x196: {  	_ =	swait.ge @!p0 [sflag:s0], s1  }
0x197: {  	s1 =	ssub.s32 @!p0 $0x0, s1;
	[sflag:s0] =	ssyncset.done @!p0 $0x0  }
0x198: {  	[sflag:s0] =	ssyncadd.s32 @!p0 s1  }
0x199: {  	[bflag:$0x3] =	sbarrier.arrive $0xFFFF  }
0x19a: {  	_ =	shalt  }

</sc_bundles>
